<compile_context>
chip_gen: v7x
topology: tpu7x:2x2x1
jax: 0.10.2.dev20260603
libtpu: 0.0.44.dev20260713+nightly
codegen_flags: <defaults>
</compile_context>

<pallas_src>
import functools

import jax
import jax.numpy as jnp
from jax import lax
from jax.experimental import pallas as pl
from jax.experimental.pallas import tpu as pltpu
from jax.experimental.pallas import tpu_sc as plsc

B = 16384
H = B // 2
D = 64
W = 2 * D
NC, NS = 2, 16
NW = NC * NS
CHUNK = 128

_sc_mesh = plsc.VectorSubcoreMesh(core_axis_name="c", subcore_axis_name="s")


def _make_gather(nb):
    rows_w = nb // NW
    nchunk = rows_w // CHUNK

    @functools.partial(
        pl.kernel,
        out_type=jax.ShapeDtypeStruct((nb, W), jnp.float32),
        mesh=_sc_mesh,
        scratch_types=(
            pltpu.VMEM((nchunk, CHUNK), jnp.int32),
            pltpu.VMEM((nchunk, CHUNK, W), jnp.float32),
            tuple(pltpu.SemaphoreType.DMA for _ in range(2 * nchunk)),
        ),
    )
    def _gather(idx_hbm, tab, out, idx_v, bufs, sems):
        wid = lax.axis_index("s") * NC + lax.axis_index("c")
        base = wid * rows_w
        for j in range(nchunk):
            pltpu.sync_copy(idx_hbm.at[pl.ds(base + j * CHUNK, CHUNK)],
                            idx_v.at[j])
        copies = [
            pltpu.async_copy(tab.at[idx_v.at[j]], bufs.at[j], sems[j])
            for j in range(nchunk)
        ]
        wcopies = []
        for j in range(nchunk):
            copies[j].wait()
            wcopies.append(pltpu.async_copy(
                bufs.at[j], out.at[pl.ds(base + j * CHUNK, CHUNK)],
                sems[nchunk + j]))
        for c in wcopies:
            c.wait()

    return _gather


_gather_full = _make_gather(B)
_gather_half = _make_gather(H)

_TDN = (((0,), (0,)), ((), ()))


def _concat_body(a_t, b_t, eye, out):
    e = eye[:]
    out[:, :D] = jax.lax.dot_general(
        a_t[:], e, _TDN, preferred_element_type=jnp.float32)
    out[:, D:] = jax.lax.dot_general(
        b_t[:], e, _TDN, preferred_element_type=jnp.float32)


_RC = 4096


def _concat_pair(a, b):
    n = a.shape[0]
    eye = jnp.eye(D, dtype=jnp.float32)
    return pl.pallas_call(
        _concat_body,
        grid=(pl.cdiv(n, _RC),),
        in_specs=[pl.BlockSpec((D, _RC), lambda i: (0, i)),
                  pl.BlockSpec((D, _RC), lambda i: (0, i)),
                  pl.BlockSpec((D, D), lambda i: (0, 0))],
        out_specs=pl.BlockSpec((_RC, W), lambda i: (i, 0)),
        out_shape=jax.ShapeDtypeStruct((n, W), jnp.float32),
    )(a.T, b.T, eye)


def _dense_body(u, i, w1u, w1i, b1, w2, b2, wpg, wph, bp, eye, out):
    uv = u[:]
    iv = i[:]
    g = uv[:, :D] * iv[:, :D]
    h1 = jnp.maximum(
        jnp.dot(uv[:, D:], w1u[:], preferred_element_type=jnp.float32)
        + jnp.dot(iv[:, D:], w1i[:], preferred_element_type=jnp.float32)
        + b1[:], 0.0)
    h2 = jnp.maximum(
        jnp.dot(h1, w2[:], preferred_element_type=jnp.float32) + b2[:], 0.0)
    col = (jnp.dot(g, wpg[:], preferred_element_type=jnp.float32)
           + jnp.dot(h2, wph[:], preferred_element_type=jnp.float32)
           + bp[0, 0])
    e = eye[:]
    for a in range(_R // 128):
        sub = col[a * 128:(a + 1) * 128, :]
        row = jax.lax.dot_general(sub, e, _TDN,
                                  preferred_element_type=jnp.float32)
        x = row.reshape(128)
        out[pl.ds(a * 128, 128)] = 1.0 / (1.0 + jnp.exp(-x))


_R = 4096


def _dense_half(u_rows, i_half, weights, half):
    w1u, w1i, b1r, w2, b2r, wpg, wph, bpr, eye128 = weights
    off = half * (H // _R)
    full = lambda shape: pl.BlockSpec(shape, lambda i: (0, 0))
    return pl.pallas_call(
        _dense_body,
        grid=(H // _R,),
        in_specs=[
            pl.BlockSpec((_R, W), lambda i: (i + off, 0)),
            pl.BlockSpec((_R, W), lambda i: (i, 0)),
            full((D, 64)), full((D, 64)), full((1, 64)),
            full((64, 32)), full((1, 32)),
            full((D, 1)), full((32, 1)), full((1, 1)),
            full((128, 128)),
        ],
        out_specs=pl.BlockSpec((_R,), lambda i: (i,)),
        out_shape=jax.ShapeDtypeStruct((H,), jnp.float32),
    )(u_rows, i_half, w1u, w1i, b1r, w2, b2r, wpg, wph, bpr, eye128)


def kernel(user_indices, item_indices, embed_user_GMF, embed_item_GMF,
           embed_user_MLP, embed_item_MLP, W1, b1, W2, b2, Wp, bp):
    cat_u = _concat_pair(embed_user_GMF, embed_user_MLP)
    u_rows = _gather_full(user_indices, cat_u)
    cat_i = _concat_pair(embed_item_GMF, embed_item_MLP)
    i_h0 = _gather_half(item_indices[:H], cat_i)
    i_h1 = _gather_half(item_indices[H:], cat_i)

    weights = (W1[:D], W1[D:], b1.reshape(1, 64), W2, b2.reshape(1, 32),
               Wp[:D], Wp[D:], bp.reshape(1, 1),
               jnp.eye(128, dtype=jnp.float32))
    out0 = _dense_half(u_rows, i_h0, weights, 0)
    out1 = _dense_half(u_rows, i_h1, weights, 1)
    return jnp.concatenate([out0, out1])

# --- scband reference (transcript-rebuilt; emitter-appended) ---
"""Pipeline reference for scband-neu-mf-3745211482691 (READ-ONLY COPY).

The authoritative reference and input builder live on the scoring server;
editing this copy changes nothing except your own understanding.
"""

import jax, jax.numpy as jnp
import numpy as np

NUM_USERS = 19191
NUM_ITEMS = 19482
FACTOR = 64
LAYERS = [128, 64, 32]
BATCH = 16384


def setup_inputs(seed: int = 0) -> dict:
    key = jax.random.key(seed)
    ks = jax.random.split(key, 12)
    user_indices = jax.random.randint(ks[0], (BATCH,), 0, NUM_USERS, dtype=jnp.int64) if jax.config.jax_enable_x64 else jax.random.randint(ks[0], (BATCH,), 0, NUM_USERS, dtype=jnp.int32)
    item_indices = jax.random.randint(ks[1], (BATCH,), 0, NUM_ITEMS, dtype=jnp.int32)
    user_indices = jax.random.randint(ks[0], (BATCH,), 0, NUM_USERS, dtype=jnp.int32)
    embed_user_GMF = jax.random.normal(ks[2], (NUM_USERS, FACTOR), dtype=jnp.float32) * 0.01
    embed_item_GMF = jax.random.normal(ks[3], (NUM_ITEMS, FACTOR), dtype=jnp.float32) * 0.01
    embed_user_MLP = jax.random.normal(ks[4], (NUM_USERS, LAYERS[0] // 2), dtype=jnp.float32) * 0.01
    embed_item_MLP = jax.random.normal(ks[5], (NUM_ITEMS, LAYERS[0] // 2), dtype=jnp.float32) * 0.01
    W1 = jax.random.normal(ks[6], (LAYERS[0], LAYERS[1]), dtype=jnp.float32) * (1.0 / np.sqrt(LAYERS[0]))
    b1 = jnp.zeros((LAYERS[1],), dtype=jnp.float32)
    W2 = jax.random.normal(ks[7], (LAYERS[1], LAYERS[2]), dtype=jnp.float32) * (1.0 / np.sqrt(LAYERS[1]))
    b2 = jnp.zeros((LAYERS[2],), dtype=jnp.float32)
    Wp = jax.random.normal(ks[8], (FACTOR + LAYERS[2], 1), dtype=jnp.float32) * (1.0 / np.sqrt(FACTOR + LAYERS[2]))
    bp = jnp.zeros((1,), dtype=jnp.float32)
    return {
        'user_indices': user_indices,
        'item_indices': item_indices,
        'embed_user_GMF': embed_user_GMF,
        'embed_item_GMF': embed_item_GMF,
        'embed_user_MLP': embed_user_MLP,
        'embed_item_MLP': embed_item_MLP,
        'W1': W1, 'b1': b1, 'W2': W2, 'b2': b2, 'Wp': Wp, 'bp': bp,
    }


def reference(user_indices, item_indices, embed_user_GMF, embed_item_GMF,
              embed_user_MLP, embed_item_MLP, W1, b1, W2, b2, Wp, bp):
    # GMF branch: embedding gathers + elementwise product
    user_gmf = jnp.take(embed_user_GMF, user_indices, axis=0)
    item_gmf = jnp.take(embed_item_GMF, item_indices, axis=0)
    gmf_output = user_gmf * item_gmf
    # MLP branch: embedding gathers + concat + MLP (dropout is identity in eval)
    user_mlp = jnp.take(embed_user_MLP, user_indices, axis=0)
    item_mlp = jnp.take(embed_item_MLP, item_indices, axis=0)
    mlp_input = jnp.concatenate([user_mlp, item_mlp], axis=-1)
    h = jax.nn.relu(mlp_input @ W1 + b1)
    h = jax.nn.relu(h @ W2 + b2)
    combined = jnp.concatenate([gmf_output, h], axis=-1)
    out = jax.nn.sigmoid(combined @ Wp + bp)
    return out.reshape(-1)

if __name__ == "__main__":
    import jax
    _d = setup_inputs()
    print(jax.jit(kernel)(*tuple(_d.values())))

</pallas_src>

<mosaic_0001>
#map = affine_map<(d0, d1) -> (0)>
#map1 = affine_map<(d0, d1) -> (0, 0)>
module attributes {stable_mosaic.version = 14 : i64} {
  func.func @_gather(%arg0: i32, %arg1: i32, %arg2: memref<8192xi32, #tpu.memory_space<hbm>>, %arg3: memref<19482x128xf32, #tpu.memory_space<hbm>>, %arg4: memref<8192x128xf32, #tpu.memory_space<hbm>>, %arg5: memref<2x128xi32, #tpu.memory_space<vmem>>, %arg6: memref<2x128x128xf32, #tpu.memory_space<vmem>>, %arg7: memref<!tpu.dma_semaphore, #tpu.memory_space<semaphore_mem>>, %arg8: memref<!tpu.dma_semaphore, #tpu.memory_space<semaphore_mem>>, %arg9: memref<!tpu.dma_semaphore, #tpu.memory_space<semaphore_mem>>, %arg10: memref<!tpu.dma_semaphore, #tpu.memory_space<semaphore_mem>>) attributes {dimension_semantics = [#tpu.dimension_semantics<core_parallel>, #tpu.dimension_semantics<subcore_parallel>], iteration_bounds = array<i64: 2, 16>, scalar_prefetch = 0 : i64, scratch_operands = 6 : i64, tpu.core_type = #tpu.core_type<sc_vector_subcore>, window_params = [{transform_indices = #map}, {transform_indices = #map1}, {transform_indices = #map1}]} {
    %mul3A = arith.constant 2 : i32
    %mul3A_0 = arith.muli %arg1, %mul3A : i32
    %add3A = arith.addi %mul3A_0, %arg0 : i32
    %mul3A_1 = arith.constant 256 : i32
    %mul3A_2 = arith.muli %add3A, %mul3A_1 : i32
    %add3A_3 = arith.constant 0 : i32
    %add3A_4 = arith.addi %mul3A_2, %add3A_3 : i32
    %run_scoped3A = arith.constant 0 : i32
    "tpu.region"() ({
      %run_scoped3A_110 = tpu.sem_alloc : memref<!tpu.dma_semaphore, #tpu.memory_space<semaphore_mem>>
      %dma_start3A_111 = arith.constant 0 : i32
      %dma_start3A_112 = tpu.memref_slice %arg5[%run_scoped3A, %dma_start3A_111] : memref<2x128xi32, #tpu.memory_space<vmem>> -> memref<1x128xi32, #tpu.memory_space<vmem>>
      %dma_start3A_113 = tpu.memref_squeeze %dma_start3A_112 : memref<1x128xi32, #tpu.memory_space<vmem>> -> memref<128xi32, #tpu.memory_space<vmem>>
      %dma_start3A_114 = tpu.memref_slice %arg2[%add3A_4] : memref<8192xi32, #tpu.memory_space<hbm>> -> memref<128xi32, #tpu.memory_space<hbm>>
      %dma_start3A_115 = arith.constant 0 : i32
      %dma_start3A_116 = tpu.memref_slice %arg5[%run_scoped3A, %dma_start3A_115] : memref<2x128xi32, #tpu.memory_space<vmem>> -> memref<1x128xi32, #tpu.memory_space<vmem>>
      %dma_start3A_117 = tpu.memref_squeeze %dma_start3A_116 : memref<1x128xi32, #tpu.memory_space<vmem>> -> memref<128xi32, #tpu.memory_space<vmem>>
      %dma_start3A_118 = tpu.memref_slice %arg2[%add3A_4] : memref<8192xi32, #tpu.memory_space<hbm>> -> memref<128xi32, #tpu.memory_space<hbm>>
      tpu.enqueue_dma source(%dma_start3A_118 : memref<128xi32, #tpu.memory_space<hbm>>) target(%dma_start3A_117 : memref<128xi32, #tpu.memory_space<vmem>>) target_semaphore(%run_scoped3A_110 : memref<!tpu.dma_semaphore, #tpu.memory_space<semaphore_mem>>)
      %dma_wait3A_119 = arith.constant 0 : i32
      %dma_wait3A_120 = tpu.memref_slice %arg5[%run_scoped3A, %dma_wait3A_119] : memref<2x128xi32, #tpu.memory_space<vmem>> -> memref<1x128xi32, #tpu.memory_space<vmem>>
      %dma_wait3A_121 = tpu.memref_squeeze %dma_wait3A_120 : memref<1x128xi32, #tpu.memory_space<vmem>> -> memref<128xi32, #tpu.memory_space<vmem>>
      %dma_wait3A_122 = tpu.memref_slice %arg2[%add3A_4] : memref<8192xi32, #tpu.memory_space<hbm>> -> memref<128xi32, #tpu.memory_space<hbm>>
      %dma_wait3A_123 = arith.constant 0 : i32
      %dma_wait3A_124 = tpu.memref_slice %arg5[%run_scoped3A, %dma_wait3A_123] : memref<2x128xi32, #tpu.memory_space<vmem>> -> memref<1x128xi32, #tpu.memory_space<vmem>>
      %dma_wait3A_125 = tpu.memref_squeeze %dma_wait3A_124 : memref<1x128xi32, #tpu.memory_space<vmem>> -> memref<128xi32, #tpu.memory_space<vmem>>
      %dma_wait3A_126 = tpu.memref_slice %arg2[%add3A_4] : memref<8192xi32, #tpu.memory_space<hbm>> -> memref<128xi32, #tpu.memory_space<hbm>>
      tpu.wait_dma2 semaphore(%run_scoped3A_110 : memref<!tpu.dma_semaphore, #tpu.memory_space<semaphore_mem>>) src(%dma_wait3A_126 : memref<128xi32, #tpu.memory_space<hbm>>) dst(%dma_wait3A_125 : memref<128xi32, #tpu.memory_space<vmem>>)
      tpu.yield
    }) : () -> ()
    %add3A_5 = arith.constant 128 : i32
    %add3A_6 = arith.addi %mul3A_2, %add3A_5 : i32
    %run_scoped3A_7 = arith.constant 1 : i32
    "tpu.region"() ({
      %run_scoped3A_110 = tpu.sem_alloc : memref<!tpu.dma_semaphore, #tpu.memory_space<semaphore_mem>>
      %dma_start3A_111 = arith.constant 0 : i32
      %dma_start3A_112 = tpu.memref_slice %arg5[%run_scoped3A_7, %dma_start3A_111] : memref<2x128xi32, #tpu.memory_space<vmem>> -> memref<1x128xi32, #tpu.memory_space<vmem>>
      %dma_start3A_113 = tpu.memref_squeeze %dma_start3A_112 : memref<1x128xi32, #tpu.memory_space<vmem>> -> memref<128xi32, #tpu.memory_space<vmem>>
      %dma_start3A_114 = tpu.memref_slice %arg2[%add3A_6] : memref<8192xi32, #tpu.memory_space<hbm>> -> memref<128xi32, #tpu.memory_space<hbm>>
      %dma_start3A_115 = arith.constant 0 : i32
      %dma_start3A_116 = tpu.memref_slice %arg5[%run_scoped3A_7, %dma_start3A_115] : memref<2x128xi32, #tpu.memory_space<vmem>> -> memref<1x128xi32, #tpu.memory_space<vmem>>
      %dma_start3A_117 = tpu.memref_squeeze %dma_start3A_116 : memref<1x128xi32, #tpu.memory_space<vmem>> -> memref<128xi32, #tpu.memory_space<vmem>>
      %dma_start3A_118 = tpu.memref_slice %arg2[%add3A_6] : memref<8192xi32, #tpu.memory_space<hbm>> -> memref<128xi32, #tpu.memory_space<hbm>>
      tpu.enqueue_dma source(%dma_start3A_118 : memref<128xi32, #tpu.memory_space<hbm>>) target(%dma_start3A_117 : memref<128xi32, #tpu.memory_space<vmem>>) target_semaphore(%run_scoped3A_110 : memref<!tpu.dma_semaphore, #tpu.memory_space<semaphore_mem>>)
      %dma_wait3A_119 = arith.constant 0 : i32
      %dma_wait3A_120 = tpu.memref_slice %arg5[%run_scoped3A_7, %dma_wait3A_119] : memref<2x128xi32, #tpu.memory_space<vmem>> -> memref<1x128xi32, #tpu.memory_space<vmem>>
      %dma_wait3A_121 = tpu.memref_squeeze %dma_wait3A_120 : memref<1x128xi32, #tpu.memory_space<vmem>> -> memref<128xi32, #tpu.memory_space<vmem>>
      %dma_wait3A_122 = tpu.memref_slice %arg2[%add3A_6] : memref<8192xi32, #tpu.memory_space<hbm>> -> memref<128xi32, #tpu.memory_space<hbm>>
      %dma_wait3A_123 = arith.constant 0 : i32
      %dma_wait3A_124 = tpu.memref_slice %arg5[%run_scoped3A_7, %dma_wait3A_123] : memref<2x128xi32, #tpu.memory_space<vmem>> -> memref<1x128xi32, #tpu.memory_space<vmem>>
      %dma_wait3A_125 = tpu.memref_squeeze %dma_wait3A_124 : memref<1x128xi32, #tpu.memory_space<vmem>> -> memref<128xi32, #tpu.memory_space<vmem>>
      %dma_wait3A_126 = tpu.memref_slice %arg2[%add3A_6] : memref<8192xi32, #tpu.memory_space<hbm>> -> memref<128xi32, #tpu.memory_space<hbm>>
      tpu.wait_dma2 semaphore(%run_scoped3A_110 : memref<!tpu.dma_semaphore, #tpu.memory_space<semaphore_mem>>) src(%dma_wait3A_126 : memref<128xi32, #tpu.memory_space<hbm>>) dst(%dma_wait3A_125 : memref<128xi32, #tpu.memory_space<vmem>>)
      tpu.yield
    }) : () -> ()
    %dma_start3A = arith.constant 0 : i32
    %dma_start3A_8 = arith.constant 0 : i32
    %dma_start3A_9 = arith.constant 0 : i32
    %dma_start3A_10 = arith.constant 0 : i32
    %dma_start3A_11 = tpu.memref_slice %arg6[%dma_start3A_8, %dma_start3A_9, %dma_start3A_10] : memref<2x128x128xf32, #tpu.memory_space<vmem>> -> memref<1x128x128xf32, #tpu.memory_space<vmem>>
    %dma_start3A_12 = tpu.memref_squeeze %dma_start3A_11 : memref<1x128x128xf32, #tpu.memory_space<vmem>> -> memref<128x128xf32, #tpu.memory_space<vmem>>
    %dma_start3A_13 = arith.constant 0 : i32
    %dma_start3A_14 = tpu.memref_slice %arg5[%dma_start3A, %dma_start3A_13] : memref<2x128xi32, #tpu.memory_space<vmem>> -> memref<1x128xi32, #tpu.memory_space<vmem>>
    %dma_start3A_15 = tpu.memref_squeeze %dma_start3A_14 : memref<1x128xi32, #tpu.memory_space<vmem>> -> memref<128xi32, #tpu.memory_space<vmem>>
    %dma_start3A_16 = arith.constant 0 : i32
    %dma_start3A_17 = arith.constant 0 : i32
    %dma_start3A_18 = tpu.memref_slice %arg3[%dma_start3A_16, %dma_start3A_17] : memref<19482x128xf32, #tpu.memory_space<hbm>> -> memref<19482x128xf32, #tpu.memory_space<hbm>>
    tpu.enqueue_indirect_dma source(%dma_start3A_18 : memref<19482x128xf32, #tpu.memory_space<hbm>>) target(%dma_start3A_12 : memref<128x128xf32, #tpu.memory_space<vmem>>) offsets(%dma_start3A_15 : memref<128xi32, #tpu.memory_space<vmem>>) semaphore(%arg7 : memref<!tpu.dma_semaphore, #tpu.memory_space<semaphore_mem>>)
    %dma_start3A_19 = arith.constant 1 : i32
    %dma_start3A_20 = arith.constant 1 : i32
    %dma_start3A_21 = arith.constant 0 : i32
    %dma_start3A_22 = arith.constant 0 : i32
    %dma_start3A_23 = tpu.memref_slice %arg6[%dma_start3A_20, %dma_start3A_21, %dma_start3A_22] : memref<2x128x128xf32, #tpu.memory_space<vmem>> -> memref<1x128x128xf32, #tpu.memory_space<vmem>>
    %dma_start3A_24 = tpu.memref_squeeze %dma_start3A_23 : memref<1x128x128xf32, #tpu.memory_space<vmem>> -> memref<128x128xf32, #tpu.memory_space<vmem>>
    %dma_start3A_25 = arith.constant 0 : i32
    %dma_start3A_26 = tpu.memref_slice %arg5[%dma_start3A_19, %dma_start3A_25] : memref<2x128xi32, #tpu.memory_space<vmem>> -> memref<1x128xi32, #tpu.memory_space<vmem>>
    %dma_start3A_27 = tpu.memref_squeeze %dma_start3A_26 : memref<1x128xi32, #tpu.memory_space<vmem>> -> memref<128xi32, #tpu.memory_space<vmem>>
    %dma_start3A_28 = arith.constant 0 : i32
    %dma_start3A_29 = arith.constant 0 : i32
    %dma_start3A_30 = tpu.memref_slice %arg3[%dma_start3A_28, %dma_start3A_29] : memref<19482x128xf32, #tpu.memory_space<hbm>> -> memref<19482x128xf32, #tpu.memory_space<hbm>>
    tpu.enqueue_indirect_dma source(%dma_start3A_30 : memref<19482x128xf32, #tpu.memory_space<hbm>>) target(%dma_start3A_24 : memref<128x128xf32, #tpu.memory_space<vmem>>) offsets(%dma_start3A_27 : memref<128xi32, #tpu.memory_space<vmem>>) semaphore(%arg8 : memref<!tpu.dma_semaphore, #tpu.memory_space<semaphore_mem>>)
    %dma_wait3A = arith.constant 0 : i32
    %dma_wait3A_31 = arith.constant 0 : i32
    %dma_wait3A_32 = arith.constant 0 : i32
    %dma_wait3A_33 = arith.constant 0 : i32
    %dma_wait3A_34 = tpu.memref_slice %arg6[%dma_wait3A_31, %dma_wait3A_32, %dma_wait3A_33] : memref<2x128x128xf32, #tpu.memory_space<vmem>> -> memref<1x128x128xf32, #tpu.memory_space<vmem>>
    %dma_wait3A_35 = tpu.memref_squeeze %dma_wait3A_34 : memref<1x128x128xf32, #tpu.memory_space<vmem>> -> memref<128x128xf32, #tpu.memory_space<vmem>>
    %dma_wait3A_36 = arith.constant 0 : i32
    %dma_wait3A_37 = tpu.memref_slice %arg5[%dma_wait3A, %dma_wait3A_36] : memref<2x128xi32, #tpu.memory_space<vmem>> -> memref<1x128xi32, #tpu.memory_space<vmem>>
    %dma_wait3A_38 = tpu.memref_squeeze %dma_wait3A_37 : memref<1x128xi32, #tpu.memory_space<vmem>> -> memref<128xi32, #tpu.memory_space<vmem>>
    %dma_wait3A_39 = arith.constant 0 : i32
    %dma_wait3A_40 = arith.constant 0 : i32
    %dma_wait3A_41 = tpu.memref_slice %arg3[%dma_wait3A_39, %dma_wait3A_40] : memref<19482x128xf32, #tpu.memory_space<hbm>> -> memref<19482x128xf32, #tpu.memory_space<hbm>>
    tpu.wait_indirect_dma semaphore(%arg7 : memref<!tpu.dma_semaphore, #tpu.memory_space<semaphore_mem>>) src(%dma_wait3A_41 : memref<19482x128xf32, #tpu.memory_space<hbm>>) dst(%dma_wait3A_35 : memref<128x128xf32, #tpu.memory_space<vmem>>)
    %add3A_42 = arith.constant 0 : i32
    %add3A_43 = arith.addi %mul3A_2, %add3A_42 : i32
    %dma_start3A_44 = arith.constant 0 : i32
    %dma_start3A_45 = arith.constant 0 : i32
    %dma_start3A_46 = arith.constant 0 : i32
    %dma_start3A_47 = tpu.memref_slice %arg6[%dma_start3A_44, %dma_start3A_45, %dma_start3A_46] : memref<2x128x128xf32, #tpu.memory_space<vmem>> -> memref<1x128x128xf32, #tpu.memory_space<vmem>>
    %dma_start3A_48 = tpu.memref_squeeze %dma_start3A_47 : memref<1x128x128xf32, #tpu.memory_space<vmem>> -> memref<128x128xf32, #tpu.memory_space<vmem>>
    %dma_start3A_49 = arith.constant 0 : i32
    %dma_start3A_50 = tpu.memref_slice %arg4[%add3A_43, %dma_start3A_49] : memref<8192x128xf32, #tpu.memory_space<hbm>> -> memref<128x128xf32, #tpu.memory_space<hbm>>
    %dma_start3A_51 = arith.constant 0 : i32
    %dma_start3A_52 = tpu.memref_slice %arg4[%add3A_43, %dma_start3A_51] : memref<8192x128xf32, #tpu.memory_space<hbm>> -> memref<128x128xf32, #tpu.memory_space<hbm>>
    %dma_start3A_53 = arith.constant 0 : i32
    %dma_start3A_54 = arith.constant 0 : i32
    %dma_start3A_55 = tpu.memref_slice %arg6[%dma_start3A_44, %dma_start3A_53, %dma_start3A_54] : memref<2x128x128xf32, #tpu.memory_space<vmem>> -> memref<1x128x128xf32, #tpu.memory_space<vmem>>
    %dma_start3A_56 = tpu.memref_squeeze %dma_start3A_55 : memref<1x128x128xf32, #tpu.memory_space<vmem>> -> memref<128x128xf32, #tpu.memory_space<vmem>>
    tpu.enqueue_dma source(%dma_start3A_56 : memref<128x128xf32, #tpu.memory_space<vmem>>) target(%dma_start3A_52 : memref<128x128xf32, #tpu.memory_space<hbm>>) target_semaphore(%arg9 : memref<!tpu.dma_semaphore, #tpu.memory_space<semaphore_mem>>)
    %dma_wait3A_57 = arith.constant 1 : i32
    %dma_wait3A_58 = arith.constant 1 : i32
    %dma_wait3A_59 = arith.constant 0 : i32
    %dma_wait3A_60 = arith.constant 0 : i32
    %dma_wait3A_61 = tpu.memref_slice %arg6[%dma_wait3A_58, %dma_wait3A_59, %dma_wait3A_60] : memref<2x128x128xf32, #tpu.memory_space<vmem>> -> memref<1x128x128xf32, #tpu.memory_space<vmem>>
    %dma_wait3A_62 = tpu.memref_squeeze %dma_wait3A_61 : memref<1x128x128xf32, #tpu.memory_space<vmem>> -> memref<128x128xf32, #tpu.memory_space<vmem>>
    %dma_wait3A_63 = arith.constant 0 : i32
    %dma_wait3A_64 = tpu.memref_slice %arg5[%dma_wait3A_57, %dma_wait3A_63] : memref<2x128xi32, #tpu.memory_space<vmem>> -> memref<1x128xi32, #tpu.memory_space<vmem>>
    %dma_wait3A_65 = tpu.memref_squeeze %dma_wait3A_64 : memref<1x128xi32, #tpu.memory_space<vmem>> -> memref<128xi32, #tpu.memory_space<vmem>>
    %dma_wait3A_66 = arith.constant 0 : i32
    %dma_wait3A_67 = arith.constant 0 : i32
    %dma_wait3A_68 = tpu.memref_slice %arg3[%dma_wait3A_66, %dma_wait3A_67] : memref<19482x128xf32, #tpu.memory_space<hbm>> -> memref<19482x128xf32, #tpu.memory_space<hbm>>
    tpu.wait_indirect_dma semaphore(%arg8 : memref<!tpu.dma_semaphore, #tpu.memory_space<semaphore_mem>>) src(%dma_wait3A_68 : memref<19482x128xf32, #tpu.memory_space<hbm>>) dst(%dma_wait3A_62 : memref<128x128xf32, #tpu.memory_space<vmem>>)
    %add3A_69 = arith.constant 128 : i32
    %add3A_70 = arith.addi %mul3A_2, %add3A_69 : i32
    %dma_start3A_71 = arith.constant 1 : i32
    %dma_start3A_72 = arith.constant 0 : i32
    %dma_start3A_73 = arith.constant 0 : i32
    %dma_start3A_74 = tpu.memref_slice %arg6[%dma_start3A_71, %dma_start3A_72, %dma_start3A_73] : memref<2x128x128xf32, #tpu.memory_space<vmem>> -> memref<1x128x128xf32, #tpu.memory_space<vmem>>
    %dma_start3A_75 = tpu.memref_squeeze %dma_start3A_74 : memref<1x128x128xf32, #tpu.memory_space<vmem>> -> memref<128x128xf32, #tpu.memory_space<vmem>>
    %dma_start3A_76 = arith.constant 0 : i32
    %dma_start3A_77 = tpu.memref_slice %arg4[%add3A_70, %dma_start3A_76] : memref<8192x128xf32, #tpu.memory_space<hbm>> -> memref<128x128xf32, #tpu.memory_space<hbm>>
    %dma_start3A_78 = arith.constant 0 : i32
    %dma_start3A_79 = tpu.memref_slice %arg4[%add3A_70, %dma_start3A_78] : memref<8192x128xf32, #tpu.memory_space<hbm>> -> memref<128x128xf32, #tpu.memory_space<hbm>>
    %dma_start3A_80 = arith.constant 0 : i32
    %dma_start3A_81 = arith.constant 0 : i32
    %dma_start3A_82 = tpu.memref_slice %arg6[%dma_start3A_71, %dma_start3A_80, %dma_start3A_81] : memref<2x128x128xf32, #tpu.memory_space<vmem>> -> memref<1x128x128xf32, #tpu.memory_space<vmem>>
    %dma_start3A_83 = tpu.memref_squeeze %dma_start3A_82 : memref<1x128x128xf32, #tpu.memory_space<vmem>> -> memref<128x128xf32, #tpu.memory_space<vmem>>
    tpu.enqueue_dma source(%dma_start3A_83 : memref<128x128xf32, #tpu.memory_space<vmem>>) target(%dma_start3A_79 : memref<128x128xf32, #tpu.memory_space<hbm>>) target_semaphore(%arg10 : memref<!tpu.dma_semaphore, #tpu.memory_space<semaphore_mem>>)
    %dma_wait3A_84 = arith.constant 0 : i32
    %dma_wait3A_85 = arith.constant 0 : i32
    %dma_wait3A_86 = arith.constant 0 : i32
    %dma_wait3A_87 = tpu.memref_slice %arg6[%dma_wait3A_84, %dma_wait3A_85, %dma_wait3A_86] : memref<2x128x128xf32, #tpu.memory_space<vmem>> -> memref<1x128x128xf32, #tpu.memory_space<vmem>>
    %dma_wait3A_88 = tpu.memref_squeeze %dma_wait3A_87 : memref<1x128x128xf32, #tpu.memory_space<vmem>> -> memref<128x128xf32, #tpu.memory_space<vmem>>
    %dma_wait3A_89 = arith.constant 0 : i32
    %dma_wait3A_90 = tpu.memref_slice %arg4[%add3A_43, %dma_wait3A_89] : memref<8192x128xf32, #tpu.memory_space<hbm>> -> memref<128x128xf32, #tpu.memory_space<hbm>>
    %dma_wait3A_91 = arith.constant 0 : i32
    %dma_wait3A_92 = tpu.memref_slice %arg4[%add3A_43, %dma_wait3A_91] : memref<8192x128xf32, #tpu.memory_space<hbm>> -> memref<128x128xf32, #tpu.memory_space<hbm>>
    %dma_wait3A_93 = arith.constant 0 : i32
    %dma_wait3A_94 = arith.constant 0 : i32
    %dma_wait3A_95 = tpu.memref_slice %arg6[%dma_wait3A_84, %dma_wait3A_93, %dma_wait3A_94] : memref<2x128x128xf32, #tpu.memory_space<vmem>> -> memref<1x128x128xf32, #tpu.memory_space<vmem>>
    %dma_wait3A_96 = tpu.memref_squeeze %dma_wait3A_95 : memref<1x128x128xf32, #tpu.memory_space<vmem>> -> memref<128x128xf32, #tpu.memory_space<vmem>>
    tpu.wait_dma2 semaphore(%arg9 : memref<!tpu.dma_semaphore, #tpu.memory_space<semaphore_mem>>) src(%dma_wait3A_96 : memref<128x128xf32, #tpu.memory_space<vmem>>) dst(%dma_wait3A_92 : memref<128x128xf32, #tpu.memory_space<hbm>>)
    %dma_wait3A_97 = arith.constant 1 : i32
    %dma_wait3A_98 = arith.constant 0 : i32
    %dma_wait3A_99 = arith.constant 0 : i32
    %dma_wait3A_100 = tpu.memref_slice %arg6[%dma_wait3A_97, %dma_wait3A_98, %dma_wait3A_99] : memref<2x128x128xf32, #tpu.memory_space<vmem>> -> memref<1x128x128xf32, #tpu.memory_space<vmem>>
    %dma_wait3A_101 = tpu.memref_squeeze %dma_wait3A_100 : memref<1x128x128xf32, #tpu.memory_space<vmem>> -> memref<128x128xf32, #tpu.memory_space<vmem>>
    %dma_wait3A_102 = arith.constant 0 : i32
    %dma_wait3A_103 = tpu.memref_slice %arg4[%add3A_70, %dma_wait3A_102] : memref<8192x128xf32, #tpu.memory_space<hbm>> -> memref<128x128xf32, #tpu.memory_space<hbm>>
    %dma_wait3A_104 = arith.constant 0 : i32
    %dma_wait3A_105 = tpu.memref_slice %arg4[%add3A_70, %dma_wait3A_104] : memref<8192x128xf32, #tpu.memory_space<hbm>> -> memref<128x128xf32, #tpu.memory_space<hbm>>
    %dma_wait3A_106 = arith.constant 0 : i32
    %dma_wait3A_107 = arith.constant 0 : i32
    %dma_wait3A_108 = tpu.memref_slice %arg6[%dma_wait3A_97, %dma_wait3A_106, %dma_wait3A_107] : memref<2x128x128xf32, #tpu.memory_space<vmem>> -> memref<1x128x128xf32, #tpu.memory_space<vmem>>
    %dma_wait3A_109 = tpu.memref_squeeze %dma_wait3A_108 : memref<1x128x128xf32, #tpu.memory_space<vmem>> -> memref<128x128xf32, #tpu.memory_space<vmem>>
    tpu.wait_dma2 semaphore(%arg10 : memref<!tpu.dma_semaphore, #tpu.memory_space<semaphore_mem>>) src(%dma_wait3A_109 : memref<128x128xf32, #tpu.memory_space<vmem>>) dst(%dma_wait3A_105 : memref<128x128xf32, #tpu.memory_space<hbm>>)
    return
  }
}

#map = affine_map<(d0, d1) -> (0)>
#map1 = affine_map<(d0, d1) -> (0, 0)>
module attributes {stable_mosaic.version = 14 : i64} {
  func.func @_gather(%arg0: i32, %arg1: i32, %arg2: memref<16384xi32, #tpu.memory_space<hbm>>, %arg3: memref<19191x128xf32, #tpu.memory_space<hbm>>, %arg4: memref<16384x128xf32, #tpu.memory_space<hbm>>, %arg5: memref<4x128xi32, #tpu.memory_space<vmem>>, %arg6: memref<4x128x128xf32, #tpu.memory_space<vmem>>, %arg7: memref<!tpu.dma_semaphore, #tpu.memory_space<semaphore_mem>>, %arg8: memref<!tpu.dma_semaphore, #tpu.memory_space<semaphore_mem>>, %arg9: memref<!tpu.dma_semaphore, #tpu.memory_space<semaphore_mem>>, %arg10: memref<!tpu.dma_semaphore, #tpu.memory_space<semaphore_mem>>, %arg11: memref<!tpu.dma_semaphore, #tpu.memory_space<semaphore_mem>>, %arg12: memref<!tpu.dma_semaphore, #tpu.memory_space<semaphore_mem>>, %arg13: memref<!tpu.dma_semaphore, #tpu.memory_space<semaphore_mem>>, %arg14: memref<!tpu.dma_semaphore, #tpu.memory_space<semaphore_mem>>) attributes {dimension_semantics = [#tpu.dimension_semantics<core_parallel>, #tpu.dimension_semantics<subcore_parallel>], iteration_bounds = array<i64: 2, 16>, scalar_prefetch = 0 : i64, scratch_operands = 10 : i64, tpu.core_type = #tpu.core_type<sc_vector_subcore>, window_params = [{transform_indices = #map}, {transform_indices = #map1}, {transform_indices = #map1}]} {
    %mul3A = arith.constant 2 : i32
    %mul3A_0 = arith.muli %arg1, %mul3A : i32
    %add3A = arith.addi %mul3A_0, %arg0 : i32
    %mul3A_1 = arith.constant 512 : i32
    %mul3A_2 = arith.muli %add3A, %mul3A_1 : i32
    %add3A_3 = arith.constant 0 : i32
    %add3A_4 = arith.addi %mul3A_2, %add3A_3 : i32
    %run_scoped3A = arith.constant 0 : i32
    "tpu.region"() ({
      %run_scoped3A_220 = tpu.sem_alloc : memref<!tpu.dma_semaphore, #tpu.memory_space<semaphore_mem>>
      %dma_start3A_221 = arith.constant 0 : i32
      %dma_start3A_222 = tpu.memref_slice %arg5[%run_scoped3A, %dma_start3A_221] : memref<4x128xi32, #tpu.memory_space<vmem>> -> memref<1x128xi32, #tpu.memory_space<vmem>>
      %dma_start3A_223 = tpu.memref_squeeze %dma_start3A_222 : memref<1x128xi32, #tpu.memory_space<vmem>> -> memref<128xi32, #tpu.memory_space<vmem>>
      %dma_start3A_224 = tpu.memref_slice %arg2[%add3A_4] : memref<16384xi32, #tpu.memory_space<hbm>> -> memref<128xi32, #tpu.memory_space<hbm>>
      %dma_start3A_225 = arith.constant 0 : i32
      %dma_start3A_226 = tpu.memref_slice %arg5[%run_scoped3A, %dma_start3A_225] : memref<4x128xi32, #tpu.memory_space<vmem>> -> memref<1x128xi32, #tpu.memory_space<vmem>>
      %dma_start3A_227 = tpu.memref_squeeze %dma_start3A_226 : memref<1x128xi32, #tpu.memory_space<vmem>> -> memref<128xi32, #tpu.memory_space<vmem>>
      %dma_start3A_228 = tpu.memref_slice %arg2[%add3A_4] : memref<16384xi32, #tpu.memory_space<hbm>> -> memref<128xi32, #tpu.memory_space<hbm>>
      tpu.enqueue_dma source(%dma_start3A_228 : memref<128xi32, #tpu.memory_space<hbm>>) target(%dma_start3A_227 : memref<128xi32, #tpu.memory_space<vmem>>) target_semaphore(%run_scoped3A_220 : memref<!tpu.dma_semaphore, #tpu.memory_space<semaphore_mem>>)
      %dma_wait3A_229 = arith.constant 0 : i32
      %dma_wait3A_230 = tpu.memref_slice %arg5[%run_scoped3A, %dma_wait3A_229] : memref<4x128xi32, #tpu.memory_space<vmem>> -> memref<1x128xi32, #tpu.memory_space<vmem>>
      %dma_wait3A_231 = tpu.memref_squeeze %dma_wait3A_230 : memref<1x128xi32, #tpu.memory_space<vmem>> -> memref<128xi32, #tpu.memory_space<vmem>>
      %dma_wait3A_232 = tpu.memref_slice %arg2[%add3A_4] : memref<16384xi32, #tpu.memory_space<hbm>> -> memref<128xi32, #tpu.memory_space<hbm>>
      %dma_wait3A_233 = arith.constant 0 : i32
      %dma_wait3A_234 = tpu.memref_slice %arg5[%run_scoped3A, %dma_wait3A_233] : memref<4x128xi32, #tpu.memory_space<vmem>> -> memref<1x128xi32, #tpu.memory_space<vmem>>
      %dma_wait3A_235 = tpu.memref_squeeze %dma_wait3A_234 : memref<1x128xi32, #tpu.memory_space<vmem>> -> memref<128xi32, #tpu.memory_space<vmem>>
      %dma_wait3A_236 = tpu.memref_slice %arg2[%add3A_4] : memref<16384xi32, #tpu.memory_space<hbm>> -> memref<128xi32, #tpu.memory_space<hbm>>
      tpu.wait_dma2 semaphore(%run_scoped3A_220 : memref<!tpu.dma_semaphore, #tpu.memory_space<semaphore_mem>>) src(%dma_wait3A_236 : memref<128xi32, #tpu.memory_space<hbm>>) dst(%dma_wait3A_235 : memref<128xi32, #tpu.memory_space<vmem>>)
      tpu.yield
    }) : () -> ()
    %add3A_5 = arith.constant 128 : i32
    %add3A_6 = arith.addi %mul3A_2, %add3A_5 : i32
    %run_scoped3A_7 = arith.constant 1 : i32
    "tpu.region"() ({
      %run_scoped3A_220 = tpu.sem_alloc : memref<!tpu.dma_semaphore, #tpu.memory_space<semaphore_mem>>
      %dma_start3A_221 = arith.constant 0 : i32
      %dma_start3A_222 = tpu.memref_slice %arg5[%run_scoped3A_7, %dma_start3A_221] : memref<4x128xi32, #tpu.memory_space<vmem>> -> memref<1x128xi32, #tpu.memory_space<vmem>>
      %dma_start3A_223 = tpu.memref_squeeze %dma_start3A_222 : memref<1x128xi32, #tpu.memory_space<vmem>> -> memref<128xi32, #tpu.memory_space<vmem>>
      %dma_start3A_224 = tpu.memref_slice %arg2[%add3A_6] : memref<16384xi32, #tpu.memory_space<hbm>> -> memref<128xi32, #tpu.memory_space<hbm>>
      %dma_start3A_225 = arith.constant 0 : i32
      %dma_start3A_226 = tpu.memref_slice %arg5[%run_scoped3A_7, %dma_start3A_225] : memref<4x128xi32, #tpu.memory_space<vmem>> -> memref<1x128xi32, #tpu.memory_space<vmem>>
      %dma_start3A_227 = tpu.memref_squeeze %dma_start3A_226 : memref<1x128xi32, #tpu.memory_space<vmem>> -> memref<128xi32, #tpu.memory_space<vmem>>
      %dma_start3A_228 = tpu.memref_slice %arg2[%add3A_6] : memref<16384xi32, #tpu.memory_space<hbm>> -> memref<128xi32, #tpu.memory_space<hbm>>
      tpu.enqueue_dma source(%dma_start3A_228 : memref<128xi32, #tpu.memory_space<hbm>>) target(%dma_start3A_227 : memref<128xi32, #tpu.memory_space<vmem>>) target_semaphore(%run_scoped3A_220 : memref<!tpu.dma_semaphore, #tpu.memory_space<semaphore_mem>>)
      %dma_wait3A_229 = arith.constant 0 : i32
      %dma_wait3A_230 = tpu.memref_slice %arg5[%run_scoped3A_7, %dma_wait3A_229] : memref<4x128xi32, #tpu.memory_space<vmem>> -> memref<1x128xi32, #tpu.memory_space<vmem>>
      %dma_wait3A_231 = tpu.memref_squeeze %dma_wait3A_230 : memref<1x128xi32, #tpu.memory_space<vmem>> -> memref<128xi32, #tpu.memory_space<vmem>>
      %dma_wait3A_232 = tpu.memref_slice %arg2[%add3A_6] : memref<16384xi32, #tpu.memory_space<hbm>> -> memref<128xi32, #tpu.memory_space<hbm>>
      %dma_wait3A_233 = arith.constant 0 : i32
      %dma_wait3A_234 = tpu.memref_slice %arg5[%run_scoped3A_7, %dma_wait3A_233] : memref<4x128xi32, #tpu.memory_space<vmem>> -> memref<1x128xi32, #tpu.memory_space<vmem>>
      %dma_wait3A_235 = tpu.memref_squeeze %dma_wait3A_234 : memref<1x128xi32, #tpu.memory_space<vmem>> -> memref<128xi32, #tpu.memory_space<vmem>>
      %dma_wait3A_236 = tpu.memref_slice %arg2[%add3A_6] : memref<16384xi32, #tpu.memory_space<hbm>> -> memref<128xi32, #tpu.memory_space<hbm>>
      tpu.wait_dma2 semaphore(%run_scoped3A_220 : memref<!tpu.dma_semaphore, #tpu.memory_space<semaphore_mem>>) src(%dma_wait3A_236 : memref<128xi32, #tpu.memory_space<hbm>>) dst(%dma_wait3A_235 : memref<128xi32, #tpu.memory_space<vmem>>)
      tpu.yield
    }) : () -> ()
    %add3A_8 = arith.constant 256 : i32
    %add3A_9 = arith.addi %mul3A_2, %add3A_8 : i32
    %run_scoped3A_10 = arith.constant 2 : i32
    "tpu.region"() ({
      %run_scoped3A_220 = tpu.sem_alloc : memref<!tpu.dma_semaphore, #tpu.memory_space<semaphore_mem>>
      %dma_start3A_221 = arith.constant 0 : i32
      %dma_start3A_222 = tpu.memref_slice %arg5[%run_scoped3A_10, %dma_start3A_221] : memref<4x128xi32, #tpu.memory_space<vmem>> -> memref<1x128xi32, #tpu.memory_space<vmem>>
      %dma_start3A_223 = tpu.memref_squeeze %dma_start3A_222 : memref<1x128xi32, #tpu.memory_space<vmem>> -> memref<128xi32, #tpu.memory_space<vmem>>
      %dma_start3A_224 = tpu.memref_slice %arg2[%add3A_9] : memref<16384xi32, #tpu.memory_space<hbm>> -> memref<128xi32, #tpu.memory_space<hbm>>
      %dma_start3A_225 = arith.constant 0 : i32
      %dma_start3A_226 = tpu.memref_slice %arg5[%run_scoped3A_10, %dma_start3A_225] : memref<4x128xi32, #tpu.memory_space<vmem>> -> memref<1x128xi32, #tpu.memory_space<vmem>>
      %dma_start3A_227 = tpu.memref_squeeze %dma_start3A_226 : memref<1x128xi32, #tpu.memory_space<vmem>> -> memref<128xi32, #tpu.memory_space<vmem>>
      %dma_start3A_228 = tpu.memref_slice %arg2[%add3A_9] : memref<16384xi32, #tpu.memory_space<hbm>> -> memref<128xi32, #tpu.memory_space<hbm>>
      tpu.enqueue_dma source(%dma_start3A_228 : memref<128xi32, #tpu.memory_space<hbm>>) target(%dma_start3A_227 : memref<128xi32, #tpu.memory_space<vmem>>) target_semaphore(%run_scoped3A_220 : memref<!tpu.dma_semaphore, #tpu.memory_space<semaphore_mem>>)
      %dma_wait3A_229 = arith.constant 0 : i32
      %dma_wait3A_230 = tpu.memref_slice %arg5[%run_scoped3A_10, %dma_wait3A_229] : memref<4x128xi32, #tpu.memory_space<vmem>> -> memref<1x128xi32, #tpu.memory_space<vmem>>
      %dma_wait3A_231 = tpu.memref_squeeze %dma_wait3A_230 : memref<1x128xi32, #tpu.memory_space<vmem>> -> memref<128xi32, #tpu.memory_space<vmem>>
      %dma_wait3A_232 = tpu.memref_slice %arg2[%add3A_9] : memref<16384xi32, #tpu.memory_space<hbm>> -> memref<128xi32, #tpu.memory_space<hbm>>
      %dma_wait3A_233 = arith.constant 0 : i32
      %dma_wait3A_234 = tpu.memref_slice %arg5[%run_scoped3A_10, %dma_wait3A_233] : memref<4x128xi32, #tpu.memory_space<vmem>> -> memref<1x128xi32, #tpu.memory_space<vmem>>
      %dma_wait3A_235 = tpu.memref_squeeze %dma_wait3A_234 : memref<1x128xi32, #tpu.memory_space<vmem>> -> memref<128xi32, #tpu.memory_space<vmem>>
      %dma_wait3A_236 = tpu.memref_slice %arg2[%add3A_9] : memref<16384xi32, #tpu.memory_space<hbm>> -> memref<128xi32, #tpu.memory_space<hbm>>
      tpu.wait_dma2 semaphore(%run_scoped3A_220 : memref<!tpu.dma_semaphore, #tpu.memory_space<semaphore_mem>>) src(%dma_wait3A_236 : memref<128xi32, #tpu.memory_space<hbm>>) dst(%dma_wait3A_235 : memref<128xi32, #tpu.memory_space<vmem>>)
      tpu.yield
    }) : () -> ()
    %add3A_11 = arith.constant 384 : i32
    %add3A_12 = arith.addi %mul3A_2, %add3A_11 : i32
    %run_scoped3A_13 = arith.constant 3 : i32
    "tpu.region"() ({
      %run_scoped3A_220 = tpu.sem_alloc : memref<!tpu.dma_semaphore, #tpu.memory_space<semaphore_mem>>
      %dma_start3A_221 = arith.constant 0 : i32
      %dma_start3A_222 = tpu.memref_slice %arg5[%run_scoped3A_13, %dma_start3A_221] : memref<4x128xi32, #tpu.memory_space<vmem>> -> memref<1x128xi32, #tpu.memory_space<vmem>>
      %dma_start3A_223 = tpu.memref_squeeze %dma_start3A_222 : memref<1x128xi32, #tpu.memory_space<vmem>> -> memref<128xi32, #tpu.memory_space<vmem>>
      %dma_start3A_224 = tpu.memref_slice %arg2[%add3A_12] : memref<16384xi32, #tpu.memory_space<hbm>> -> memref<128xi32, #tpu.memory_space<hbm>>
      %dma_start3A_225 = arith.constant 0 : i32
      %dma_start3A_226 = tpu.memref_slice %arg5[%run_scoped3A_13, %dma_start3A_225] : memref<4x128xi32, #tpu.memory_space<vmem>> -> memref<1x128xi32, #tpu.memory_space<vmem>>
      %dma_start3A_227 = tpu.memref_squeeze %dma_start3A_226 : memref<1x128xi32, #tpu.memory_space<vmem>> -> memref<128xi32, #tpu.memory_space<vmem>>
      %dma_start3A_228 = tpu.memref_slice %arg2[%add3A_12] : memref<16384xi32, #tpu.memory_space<hbm>> -> memref<128xi32, #tpu.memory_space<hbm>>
      tpu.enqueue_dma source(%dma_start3A_228 : memref<128xi32, #tpu.memory_space<hbm>>) target(%dma_start3A_227 : memref<128xi32, #tpu.memory_space<vmem>>) target_semaphore(%run_scoped3A_220 : memref<!tpu.dma_semaphore, #tpu.memory_space<semaphore_mem>>)
      %dma_wait3A_229 = arith.constant 0 : i32
      %dma_wait3A_230 = tpu.memref_slice %arg5[%run_scoped3A_13, %dma_wait3A_229] : memref<4x128xi32, #tpu.memory_space<vmem>> -> memref<1x128xi32, #tpu.memory_space<vmem>>
      %dma_wait3A_231 = tpu.memref_squeeze %dma_wait3A_230 : memref<1x128xi32, #tpu.memory_space<vmem>> -> memref<128xi32, #tpu.memory_space<vmem>>
      %dma_wait3A_232 = tpu.memref_slice %arg2[%add3A_12] : memref<16384xi32, #tpu.memory_space<hbm>> -> memref<128xi32, #tpu.memory_space<hbm>>
      %dma_wait3A_233 = arith.constant 0 : i32
      %dma_wait3A_234 = tpu.memref_slice %arg5[%run_scoped3A_13, %dma_wait3A_233] : memref<4x128xi32, #tpu.memory_space<vmem>> -> memref<1x128xi32, #tpu.memory_space<vmem>>
      %dma_wait3A_235 = tpu.memref_squeeze %dma_wait3A_234 : memref<1x128xi32, #tpu.memory_space<vmem>> -> memref<128xi32, #tpu.memory_space<vmem>>
      %dma_wait3A_236 = tpu.memref_slice %arg2[%add3A_12] : memref<16384xi32, #tpu.memory_space<hbm>> -> memref<128xi32, #tpu.memory_space<hbm>>
      tpu.wait_dma2 semaphore(%run_scoped3A_220 : memref<!tpu.dma_semaphore, #tpu.memory_space<semaphore_mem>>) src(%dma_wait3A_236 : memref<128xi32, #tpu.memory_space<hbm>>) dst(%dma_wait3A_235 : memref<128xi32, #tpu.memory_space<vmem>>)
      tpu.yield
    }) : () -> ()
    %dma_start3A = arith.constant 0 : i32
    %dma_start3A_14 = arith.constant 0 : i32
    %dma_start3A_15 = arith.constant 0 : i32
    %dma_start3A_16 = arith.constant 0 : i32
    %dma_start3A_17 = tpu.memref_slice %arg6[%dma_start3A_14, %dma_start3A_15, %dma_start3A_16] : memref<4x128x128xf32, #tpu.memory_space<vmem>> -> memref<1x128x128xf32, #tpu.memory_space<vmem>>
    %dma_start3A_18 = tpu.memref_squeeze %dma_start3A_17 : memref<1x128x128xf32, #tpu.memory_space<vmem>> -> memref<128x128xf32, #tpu.memory_space<vmem>>
    %dma_start3A_19 = arith.constant 0 : i32
    %dma_start3A_20 = tpu.memref_slice %arg5[%dma_start3A, %dma_start3A_19] : memref<4x128xi32, #tpu.memory_space<vmem>> -> memref<1x128xi32, #tpu.memory_space<vmem>>
    %dma_start3A_21 = tpu.memref_squeeze %dma_start3A_20 : memref<1x128xi32, #tpu.memory_space<vmem>> -> memref<128xi32, #tpu.memory_space<vmem>>
    %dma_start3A_22 = arith.constant 0 : i32
    %dma_start3A_23 = arith.constant 0 : i32
    %dma_start3A_24 = tpu.memref_slice %arg3[%dma_start3A_22, %dma_start3A_23] : memref<19191x128xf32, #tpu.memory_space<hbm>> -> memref<19191x128xf32, #tpu.memory_space<hbm>>
    tpu.enqueue_indirect_dma source(%dma_start3A_24 : memref<19191x128xf32, #tpu.memory_space<hbm>>) target(%dma_start3A_18 : memref<128x128xf32, #tpu.memory_space<vmem>>) offsets(%dma_start3A_21 : memref<128xi32, #tpu.memory_space<vmem>>) semaphore(%arg7 : memref<!tpu.dma_semaphore, #tpu.memory_space<semaphore_mem>>)
    %dma_start3A_25 = arith.constant 1 : i32
    %dma_start3A_26 = arith.constant 1 : i32
    %dma_start3A_27 = arith.constant 0 : i32
    %dma_start3A_28 = arith.constant 0 : i32
    %dma_start3A_29 = tpu.memref_slice %arg6[%dma_start3A_26, %dma_start3A_27, %dma_start3A_28] : memref<4x128x128xf32, #tpu.memory_space<vmem>> -> memref<1x128x128xf32, #tpu.memory_space<vmem>>
    %dma_start3A_30 = tpu.memref_squeeze %dma_start3A_29 : memref<1x128x128xf32, #tpu.memory_space<vmem>> -> memref<128x128xf32, #tpu.memory_space<vmem>>
    %dma_start3A_31 = arith.constant 0 : i32
    %dma_start3A_32 = tpu.memref_slice %arg5[%dma_start3A_25, %dma_start3A_31] : memref<4x128xi32, #tpu.memory_space<vmem>> -> memref<1x128xi32, #tpu.memory_space<vmem>>
    %dma_start3A_33 = tpu.memref_squeeze %dma_start3A_32 : memref<1x128xi32, #tpu.memory_space<vmem>> -> memref<128xi32, #tpu.memory_space<vmem>>
    %dma_start3A_34 = arith.constant 0 : i32
    %dma_start3A_35 = arith.constant 0 : i32
    %dma_start3A_36 = tpu.memref_slice %arg3[%dma_start3A_34, %dma_start3A_35] : memref<19191x128xf32, #tpu.memory_space<hbm>> -> memref<19191x128xf32, #tpu.memory_space<hbm>>
    tpu.enqueue_indirect_dma source(%dma_start3A_36 : memref<19191x128xf32, #tpu.memory_space<hbm>>) target(%dma_start3A_30 : memref<128x128xf32, #tpu.memory_space<vmem>>) offsets(%dma_start3A_33 : memref<128xi32, #tpu.memory_space<vmem>>) semaphore(%arg8 : memref<!tpu.dma_semaphore, #tpu.memory_space<semaphore_mem>>)
    %dma_start3A_37 = arith.constant 2 : i32
    %dma_start3A_38 = arith.constant 2 : i32
    %dma_start3A_39 = arith.constant 0 : i32
    %dma_start3A_40 = arith.constant 0 : i32
    %dma_start3A_41 = tpu.memref_slice %arg6[%dma_start3A_38, %dma_start3A_39, %dma_start3A_40] : memref<4x128x128xf32, #tpu.memory_space<vmem>> -> memref<1x128x128xf32, #tpu.memory_space<vmem>>
    %dma_start3A_42 = tpu.memref_squeeze %dma_start3A_41 : memref<1x128x128xf32, #tpu.memory_space<vmem>> -> memref<128x128xf32, #tpu.memory_space<vmem>>
    %dma_start3A_43 = arith.constant 0 : i32
    %dma_start3A_44 = tpu.memref_slice %arg5[%dma_start3A_37, %dma_start3A_43] : memref<4x128xi32, #tpu.memory_space<vmem>> -> memref<1x128xi32, #tpu.memory_space<vmem>>
    %dma_start3A_45 = tpu.memref_squeeze %dma_start3A_44 : memref<1x128xi32, #tpu.memory_space<vmem>> -> memref<128xi32, #tpu.memory_space<vmem>>
    %dma_start3A_46 = arith.constant 0 : i32
    %dma_start3A_47 = arith.constant 0 : i32
    %dma_start3A_48 = tpu.memref_slice %arg3[%dma_start3A_46, %dma_start3A_47] : memref<19191x128xf32, #tpu.memory_space<hbm>> -> memref<19191x128xf32, #tpu.memory_space<hbm>>
    tpu.enqueue_indirect_dma source(%dma_start3A_48 : memref<19191x128xf32, #tpu.memory_space<hbm>>) target(%dma_start3A_42 : memref<128x128xf32, #tpu.memory_space<vmem>>) offsets(%dma_start3A_45 : memref<128xi32, #tpu.memory_space<vmem>>) semaphore(%arg9 : memref<!tpu.dma_semaphore, #tpu.memory_space<semaphore_mem>>)
    %dma_start3A_49 = arith.constant 3 : i32
    %dma_start3A_50 = arith.constant 3 : i32
    %dma_start3A_51 = arith.constant 0 : i32
    %dma_start3A_52 = arith.constant 0 : i32
    %dma_start3A_53 = tpu.memref_slice %arg6[%dma_start3A_50, %dma_start3A_51, %dma_start3A_52] : memref<4x128x128xf32, #tpu.memory_space<vmem>> -> memref<1x128x128xf32, #tpu.memory_space<vmem>>
    %dma_start3A_54 = tpu.memref_squeeze %dma_start3A_53 : memref<1x128x128xf32, #tpu.memory_space<vmem>> -> memref<128x128xf32, #tpu.memory_space<vmem>>
    %dma_start3A_55 = arith.constant 0 : i32
    %dma_start3A_56 = tpu.memref_slice %arg5[%dma_start3A_49, %dma_start3A_55] : memref<4x128xi32, #tpu.memory_space<vmem>> -> memref<1x128xi32, #tpu.memory_space<vmem>>
    %dma_start3A_57 = tpu.memref_squeeze %dma_start3A_56 : memref<1x128xi32, #tpu.memory_space<vmem>> -> memref<128xi32, #tpu.memory_space<vmem>>
    %dma_start3A_58 = arith.constant 0 : i32
    %dma_start3A_59 = arith.constant 0 : i32
    %dma_start3A_60 = tpu.memref_slice %arg3[%dma_start3A_58, %dma_start3A_59] : memref<19191x128xf32, #tpu.memory_space<hbm>> -> memref<19191x128xf32, #tpu.memory_space<hbm>>
    tpu.enqueue_indirect_dma source(%dma_start3A_60 : memref<19191x128xf32, #tpu.memory_space<hbm>>) target(%dma_start3A_54 : memref<128x128xf32, #tpu.memory_space<vmem>>) offsets(%dma_start3A_57 : memref<128xi32, #tpu.memory_space<vmem>>) semaphore(%arg10 : memref<!tpu.dma_semaphore, #tpu.memory_space<semaphore_mem>>)
    %dma_wait3A = arith.constant 0 : i32
    %dma_wait3A_61 = arith.constant 0 : i32
    %dma_wait3A_62 = arith.constant 0 : i32
    %dma_wait3A_63 = arith.constant 0 : i32
    %dma_wait3A_64 = tpu.memref_slice %arg6[%dma_wait3A_61, %dma_wait3A_62, %dma_wait3A_63] : memref<4x128x128xf32, #tpu.memory_space<vmem>> -> memref<1x128x128xf32, #tpu.memory_space<vmem>>
    %dma_wait3A_65 = tpu.memref_squeeze %dma_wait3A_64 : memref<1x128x128xf32, #tpu.memory_space<vmem>> -> memref<128x128xf32, #tpu.memory_space<vmem>>
    %dma_wait3A_66 = arith.constant 0 : i32
    %dma_wait3A_67 = tpu.memref_slice %arg5[%dma_wait3A, %dma_wait3A_66] : memref<4x128xi32, #tpu.memory_space<vmem>> -> memref<1x128xi32, #tpu.memory_space<vmem>>
    %dma_wait3A_68 = tpu.memref_squeeze %dma_wait3A_67 : memref<1x128xi32, #tpu.memory_space<vmem>> -> memref<128xi32, #tpu.memory_space<vmem>>
    %dma_wait3A_69 = arith.constant 0 : i32
    %dma_wait3A_70 = arith.constant 0 : i32
    %dma_wait3A_71 = tpu.memref_slice %arg3[%dma_wait3A_69, %dma_wait3A_70] : memref<19191x128xf32, #tpu.memory_space<hbm>> -> memref<19191x128xf32, #tpu.memory_space<hbm>>
    tpu.wait_indirect_dma semaphore(%arg7 : memref<!tpu.dma_semaphore, #tpu.memory_space<semaphore_mem>>) src(%dma_wait3A_71 : memref<19191x128xf32, #tpu.memory_space<hbm>>) dst(%dma_wait3A_65 : memref<128x128xf32, #tpu.memory_space<vmem>>)
    %add3A_72 = arith.constant 0 : i32
    %add3A_73 = arith.addi %mul3A_2, %add3A_72 : i32
    %dma_start3A_74 = arith.constant 0 : i32
    %dma_start3A_75 = arith.constant 0 : i32
    %dma_start3A_76 = arith.constant 0 : i32
    %dma_start3A_77 = tpu.memref_slice %arg6[%dma_start3A_74, %dma_start3A_75, %dma_start3A_76] : memref<4x128x128xf32, #tpu.memory_space<vmem>> -> memref<1x128x128xf32, #tpu.memory_space<vmem>>
    %dma_start3A_78 = tpu.memref_squeeze %dma_start3A_77 : memref<1x128x128xf32, #tpu.memory_space<vmem>> -> memref<128x128xf32, #tpu.memory_space<vmem>>
    %dma_start3A_79 = arith.constant 0 : i32
    %dma_start3A_80 = tpu.memref_slice %arg4[%add3A_73, %dma_start3A_79] : memref<16384x128xf32, #tpu.memory_space<hbm>> -> memref<128x128xf32, #tpu.memory_space<hbm>>
    %dma_start3A_81 = arith.constant 0 : i32
    %dma_start3A_82 = tpu.memref_slice %arg4[%add3A_73, %dma_start3A_81] : memref<16384x128xf32, #tpu.memory_space<hbm>> -> memref<128x128xf32, #tpu.memory_space<hbm>>
    %dma_start3A_83 = arith.constant 0 : i32
    %dma_start3A_84 = arith.constant 0 : i32
    %dma_start3A_85 = tpu.memref_slice %arg6[%dma_start3A_74, %dma_start3A_83, %dma_start3A_84] : memref<4x128x128xf32, #tpu.memory_space<vmem>> -> memref<1x128x128xf32, #tpu.memory_space<vmem>>
    %dma_start3A_86 = tpu.memref_squeeze %dma_start3A_85 : memref<1x128x128xf32, #tpu.memory_space<vmem>> -> memref<128x128xf32, #tpu.memory_space<vmem>>
    tpu.enqueue_dma source(%dma_start3A_86 : memref<128x128xf32, #tpu.memory_space<vmem>>) target(%dma_start3A_82 : memref<128x128xf32, #tpu.memory_space<hbm>>) target_semaphore(%arg11 : memref<!tpu.dma_semaphore, #tpu.memory_space<semaphore_mem>>)
    %dma_wait3A_87 = arith.constant 1 : i32
    %dma_wait3A_88 = arith.constant 1 : i32
    %dma_wait3A_89 = arith.constant 0 : i32
    %dma_wait3A_90 = arith.constant 0 : i32
    %dma_wait3A_91 = tpu.memref_slice %arg6[%dma_wait3A_88, %dma_wait3A_89, %dma_wait3A_90] : memref<4x128x128xf32, #tpu.memory_space<vmem>> -> memref<1x128x128xf32, #tpu.memory_space<vmem>>
    %dma_wait3A_92 = tpu.memref_squeeze %dma_wait3A_91 : memref<1x128x128xf32, #tpu.memory_space<vmem>> -> memref<128x128xf32, #tpu.memory_space<vmem>>
    %dma_wait3A_93 = arith.constant 0 : i32
    %dma_wait3A_94 = tpu.memref_slice %arg5[%dma_wait3A_87, %dma_wait3A_93] : memref<4x128xi32, #tpu.memory_space<vmem>> -> memref<1x128xi32, #tpu.memory_space<vmem>>
    %dma_wait3A_95 = tpu.memref_squeeze %dma_wait3A_94 : memref<1x128xi32, #tpu.memory_space<vmem>> -> memref<128xi32, #tpu.memory_space<vmem>>
    %dma_wait3A_96 = arith.constant 0 : i32
    %dma_wait3A_97 = arith.constant 0 : i32
    %dma_wait3A_98 = tpu.memref_slice %arg3[%dma_wait3A_96, %dma_wait3A_97] : memref<19191x128xf32, #tpu.memory_space<hbm>> -> memref<19191x128xf32, #tpu.memory_space<hbm>>
    tpu.wait_indirect_dma semaphore(%arg8 : memref<!tpu.dma_semaphore, #tpu.memory_space<semaphore_mem>>) src(%dma_wait3A_98 : memref<19191x128xf32, #tpu.memory_space<hbm>>) dst(%dma_wait3A_92 : memref<128x128xf32, #tpu.memory_space<vmem>>)
    %add3A_99 = arith.constant 128 : i32
    %add3A_100 = arith.addi %mul3A_2, %add3A_99 : i32
    %dma_start3A_101 = arith.constant 1 : i32
    %dma_start3A_102 = arith.constant 0 : i32
    %dma_start3A_103 = arith.constant 0 : i32
    %dma_start3A_104 = tpu.memref_slice %arg6[%dma_start3A_101, %dma_start3A_102, %dma_start3A_103] : memref<4x128x128xf32, #tpu.memory_space<vmem>> -> memref<1x128x128xf32, #tpu.memory_space<vmem>>
    %dma_start3A_105 = tpu.memref_squeeze %dma_start3A_104 : memref<1x128x128xf32, #tpu.memory_space<vmem>> -> memref<128x128xf32, #tpu.memory_space<vmem>>
    %dma_start3A_106 = arith.constant 0 : i32
    %dma_start3A_107 = tpu.memref_slice %arg4[%add3A_100, %dma_start3A_106] : memref<16384x128xf32, #tpu.memory_space<hbm>> -> memref<128x128xf32, #tpu.memory_space<hbm>>
    %dma_start3A_108 = arith.constant 0 : i32
    %dma_start3A_109 = tpu.memref_slice %arg4[%add3A_100, %dma_start3A_108] : memref<16384x128xf32, #tpu.memory_space<hbm>> -> memref<128x128xf32, #tpu.memory_space<hbm>>
    %dma_start3A_110 = arith.constant 0 : i32
    %dma_start3A_111 = arith.constant 0 : i32
    %dma_start3A_112 = tpu.memref_slice %arg6[%dma_start3A_101, %dma_start3A_110, %dma_start3A_111] : memref<4x128x128xf32, #tpu.memory_space<vmem>> -> memref<1x128x128xf32, #tpu.memory_space<vmem>>
    %dma_start3A_113 = tpu.memref_squeeze %dma_start3A_112 : memref<1x128x128xf32, #tpu.memory_space<vmem>> -> memref<128x128xf32, #tpu.memory_space<vmem>>
    tpu.enqueue_dma source(%dma_start3A_113 : memref<128x128xf32, #tpu.memory_space<vmem>>) target(%dma_start3A_109 : memref<128x128xf32, #tpu.memory_space<hbm>>) target_semaphore(%arg12 : memref<!tpu.dma_semaphore, #tpu.memory_space<semaphore_mem>>)
    %dma_wait3A_114 = arith.constant 2 : i32
    %dma_wait3A_115 = arith.constant 2 : i32
    %dma_wait3A_116 = arith.constant 0 : i32
    %dma_wait3A_117 = arith.constant 0 : i32
    %dma_wait3A_118 = tpu.memref_slice %arg6[%dma_wait3A_115, %dma_wait3A_116, %dma_wait3A_117] : memref<4x128x128xf32, #tpu.memory_space<vmem>> -> memref<1x128x128xf32, #tpu.memory_space<vmem>>
    %dma_wait3A_119 = tpu.memref_squeeze %dma_wait3A_118 : memref<1x128x128xf32, #tpu.memory_space<vmem>> -> memref<128x128xf32, #tpu.memory_space<vmem>>
    %dma_wait3A_120 = arith.constant 0 : i32
    %dma_wait3A_121 = tpu.memref_slice %arg5[%dma_wait3A_114, %dma_wait3A_120] : memref<4x128xi32, #tpu.memory_space<vmem>> -> memref<1x128xi32, #tpu.memory_space<vmem>>
    %dma_wait3A_122 = tpu.memref_squeeze %dma_wait3A_121 : memref<1x128xi32, #tpu.memory_space<vmem>> -> memref<128xi32, #tpu.memory_space<vmem>>
    %dma_wait3A_123 = arith.constant 0 : i32
    %dma_wait3A_124 = arith.constant 0 : i32
    %dma_wait3A_125 = tpu.memref_slice %arg3[%dma_wait3A_123, %dma_wait3A_124] : memref<19191x128xf32, #tpu.memory_space<hbm>> -> memref<19191x128xf32, #tpu.memory_space<hbm>>
    tpu.wait_indirect_dma semaphore(%arg9 : memref<!tpu.dma_semaphore, #tpu.memory_space<semaphore_mem>>) src(%dma_wait3A_125 : memref<19191x128xf32, #tpu.memory_space<hbm>>) dst(%dma_wait3A_119 : memref<128x128xf32, #tpu.memory_space<vmem>>)
    %add3A_126 = arith.constant 256 : i32
    %add3A_127 = arith.addi %mul3A_2, %add3A_126 : i32
    %dma_start3A_128 = arith.constant 2 : i32
    %dma_start3A_129 = arith.constant 0 : i32
    %dma_start3A_130 = arith.constant 0 : i32
    %dma_start3A_131 = tpu.memref_slice %arg6[%dma_start3A_128, %dma_start3A_129, %dma_start3A_130] : memref<4x128x128xf32, #tpu.memory_space<vmem>> -> memref<1x128x128xf32, #tpu.memory_space<vmem>>
    %dma_start3A_132 = tpu.memref_squeeze %dma_start3A_131 : memref<1x128x128xf32, #tpu.memory_space<vmem>> -> memref<128x128xf32, #tpu.memory_space<vmem>>
    %dma_start3A_133 = arith.constant 0 : i32
    %dma_start3A_134 = tpu.memref_slice %arg4[%add3A_127, %dma_start3A_133] : memref<16384x128xf32, #tpu.memory_space<hbm>> -> memref<128x128xf32, #tpu.memory_space<hbm>>
    %dma_start3A_135 = arith.constant 0 : i32
    %dma_start3A_136 = tpu.memref_slice %arg4[%add3A_127, %dma_start3A_135] : memref<16384x128xf32, #tpu.memory_space<hbm>> -> memref<128x128xf32, #tpu.memory_space<hbm>>
    %dma_start3A_137 = arith.constant 0 : i32
    %dma_start3A_138 = arith.constant 0 : i32
    %dma_start3A_139 = tpu.memref_slice %arg6[%dma_start3A_128, %dma_start3A_137, %dma_start3A_138] : memref<4x128x128xf32, #tpu.memory_space<vmem>> -> memref<1x128x128xf32, #tpu.memory_space<vmem>>
    %dma_start3A_140 = tpu.memref_squeeze %dma_start3A_139 : memref<1x128x128xf32, #tpu.memory_space<vmem>> -> memref<128x128xf32, #tpu.memory_space<vmem>>
    tpu.enqueue_dma source(%dma_start3A_140 : memref<128x128xf32, #tpu.memory_space<vmem>>) target(%dma_start3A_136 : memref<128x128xf32, #tpu.memory_space<hbm>>) target_semaphore(%arg13 : memref<!tpu.dma_semaphore, #tpu.memory_space<semaphore_mem>>)
    %dma_wait3A_141 = arith.constant 3 : i32
    %dma_wait3A_142 = arith.constant 3 : i32
    %dma_wait3A_143 = arith.constant 0 : i32
    %dma_wait3A_144 = arith.constant 0 : i32
    %dma_wait3A_145 = tpu.memref_slice %arg6[%dma_wait3A_142, %dma_wait3A_143, %dma_wait3A_144] : memref<4x128x128xf32, #tpu.memory_space<vmem>> -> memref<1x128x128xf32, #tpu.memory_space<vmem>>
    %dma_wait3A_146 = tpu.memref_squeeze %dma_wait3A_145 : memref<1x128x128xf32, #tpu.memory_space<vmem>> -> memref<128x128xf32, #tpu.memory_space<vmem>>
    %dma_wait3A_147 = arith.constant 0 : i32
    %dma_wait3A_148 = tpu.memref_slice %arg5[%dma_wait3A_141, %dma_wait3A_147] : memref<4x128xi32, #tpu.memory_space<vmem>> -> memref<1x128xi32, #tpu.memory_space<vmem>>
    %dma_wait3A_149 = tpu.memref_squeeze %dma_wait3A_148 : memref<1x128xi32, #tpu.memory_space<vmem>> -> memref<128xi32, #tpu.memory_space<vmem>>
    %dma_wait3A_150 = arith.constant 0 : i32
    %dma_wait3A_151 = arith.constant 0 : i32
    %dma_wait3A_152 = tpu.memref_slice %arg3[%dma_wait3A_150, %dma_wait3A_151] : memref<19191x128xf32, #tpu.memory_space<hbm>> -> memref<19191x128xf32, #tpu.memory_space<hbm>>
    tpu.wait_indirect_dma semaphore(%arg10 : memref<!tpu.dma_semaphore, #tpu.memory_space<semaphore_mem>>) src(%dma_wait3A_152 : memref<19191x128xf32, #tpu.memory_space<hbm>>) dst(%dma_wait3A_146 : memref<128x128xf32, #tpu.memory_space<vmem>>)
    %add3A_153 = arith.constant 384 : i32
    %add3A_154 = arith.addi %mul3A_2, %add3A_153 : i32
    %dma_start3A_155 = arith.constant 3 : i32
    %dma_start3A_156 = arith.constant 0 : i32
    %dma_start3A_157 = arith.constant 0 : i32
    %dma_start3A_158 = tpu.memref_slice %arg6[%dma_start3A_155, %dma_start3A_156, %dma_start3A_157] : memref<4x128x128xf32, #tpu.memory_space<vmem>> -> memref<1x128x128xf32, #tpu.memory_space<vmem>>
    %dma_start3A_159 = tpu.memref_squeeze %dma_start3A_158 : memref<1x128x128xf32, #tpu.memory_space<vmem>> -> memref<128x128xf32, #tpu.memory_space<vmem>>
    %dma_start3A_160 = arith.constant 0 : i32
    %dma_start3A_161 = tpu.memref_slice %arg4[%add3A_154, %dma_start3A_160] : memref<16384x128xf32, #tpu.memory_space<hbm>> -> memref<128x128xf32, #tpu.memory_space<hbm>>
    %dma_start3A_162 = arith.constant 0 : i32
    %dma_start3A_163 = tpu.memref_slice %arg4[%add3A_154, %dma_start3A_162] : memref<16384x128xf32, #tpu.memory_space<hbm>> -> memref<128x128xf32, #tpu.memory_space<hbm>>
    %dma_start3A_164 = arith.constant 0 : i32
    %dma_start3A_165 = arith.constant 0 : i32
    %dma_start3A_166 = tpu.memref_slice %arg6[%dma_start3A_155, %dma_start3A_164, %dma_start3A_165] : memref<4x128x128xf32, #tpu.memory_space<vmem>> -> memref<1x128x128xf32, #tpu.memory_space<vmem>>
    %dma_start3A_167 = tpu.memref_squeeze %dma_start3A_166 : memref<1x128x128xf32, #tpu.memory_space<vmem>> -> memref<128x128xf32, #tpu.memory_space<vmem>>
    tpu.enqueue_dma source(%dma_start3A_167 : memref<128x128xf32, #tpu.memory_space<vmem>>) target(%dma_start3A_163 : memref<128x128xf32, #tpu.memory_space<hbm>>) target_semaphore(%arg14 : memref<!tpu.dma_semaphore, #tpu.memory_space<semaphore_mem>>)
    %dma_wait3A_168 = arith.constant 0 : i32
    %dma_wait3A_169 = arith.constant 0 : i32
    %dma_wait3A_170 = arith.constant 0 : i32
    %dma_wait3A_171 = tpu.memref_slice %arg6[%dma_wait3A_168, %dma_wait3A_169, %dma_wait3A_170] : memref<4x128x128xf32, #tpu.memory_space<vmem>> -> memref<1x128x128xf32, #tpu.memory_space<vmem>>
    %dma_wait3A_172 = tpu.memref_squeeze %dma_wait3A_171 : memref<1x128x128xf32, #tpu.memory_space<vmem>> -> memref<128x128xf32, #tpu.memory_space<vmem>>
    %dma_wait3A_173 = arith.constant 0 : i32
    %dma_wait3A_174 = tpu.memref_slice %arg4[%add3A_73, %dma_wait3A_173] : memref<16384x128xf32, #tpu.memory_space<hbm>> -> memref<128x128xf32, #tpu.memory_space<hbm>>
    %dma_wait3A_175 = arith.constant 0 : i32
    %dma_wait3A_176 = tpu.memref_slice %arg4[%add3A_73, %dma_wait3A_175] : memref<16384x128xf32, #tpu.memory_space<hbm>> -> memref<128x128xf32, #tpu.memory_space<hbm>>
    %dma_wait3A_177 = arith.constant 0 : i32
    %dma_wait3A_178 = arith.constant 0 : i32
    %dma_wait3A_179 = tpu.memref_slice %arg6[%dma_wait3A_168, %dma_wait3A_177, %dma_wait3A_178] : memref<4x128x128xf32, #tpu.memory_space<vmem>> -> memref<1x128x128xf32, #tpu.memory_space<vmem>>
    %dma_wait3A_180 = tpu.memref_squeeze %dma_wait3A_179 : memref<1x128x128xf32, #tpu.memory_space<vmem>> -> memref<128x128xf32, #tpu.memory_space<vmem>>
    tpu.wait_dma2 semaphore(%arg11 : memref<!tpu.dma_semaphore, #tpu.memory_space<semaphore_mem>>) src(%dma_wait3A_180 : memref<128x128xf32, #tpu.memory_space<vmem>>) dst(%dma_wait3A_176 : memref<128x128xf32, #tpu.memory_space<hbm>>)
    %dma_wait3A_181 = arith.constant 1 : i32
    %dma_wait3A_182 = arith.constant 0 : i32
    %dma_wait3A_183 = arith.constant 0 : i32
    %dma_wait3A_184 = tpu.memref_slice %arg6[%dma_wait3A_181, %dma_wait3A_182, %dma_wait3A_183] : memref<4x128x128xf32, #tpu.memory_space<vmem>> -> memref<1x128x128xf32, #tpu.memory_space<vmem>>
    %dma_wait3A_185 = tpu.memref_squeeze %dma_wait3A_184 : memref<1x128x128xf32, #tpu.memory_space<vmem>> -> memref<128x128xf32, #tpu.memory_space<vmem>>
    %dma_wait3A_186 = arith.constant 0 : i32
    %dma_wait3A_187 = tpu.memref_slice %arg4[%add3A_100, %dma_wait3A_186] : memref<16384x128xf32, #tpu.memory_space<hbm>> -> memref<128x128xf32, #tpu.memory_space<hbm>>
    %dma_wait3A_188 = arith.constant 0 : i32
    %dma_wait3A_189 = tpu.memref_slice %arg4[%add3A_100, %dma_wait3A_188] : memref<16384x128xf32, #tpu.memory_space<hbm>> -> memref<128x128xf32, #tpu.memory_space<hbm>>
    %dma_wait3A_190 = arith.constant 0 : i32
    %dma_wait3A_191 = arith.constant 0 : i32
    %dma_wait3A_192 = tpu.memref_slice %arg6[%dma_wait3A_181, %dma_wait3A_190, %dma_wait3A_191] : memref<4x128x128xf32, #tpu.memory_space<vmem>> -> memref<1x128x128xf32, #tpu.memory_space<vmem>>
    %dma_wait3A_193 = tpu.memref_squeeze %dma_wait3A_192 : memref<1x128x128xf32, #tpu.memory_space<vmem>> -> memref<128x128xf32, #tpu.memory_space<vmem>>
    tpu.wait_dma2 semaphore(%arg12 : memref<!tpu.dma_semaphore, #tpu.memory_space<semaphore_mem>>) src(%dma_wait3A_193 : memref<128x128xf32, #tpu.memory_space<vmem>>) dst(%dma_wait3A_189 : memref<128x128xf32, #tpu.memory_space<hbm>>)
    %dma_wait3A_194 = arith.constant 2 : i32
    %dma_wait3A_195 = arith.constant 0 : i32
    %dma_wait3A_196 = arith.constant 0 : i32
    %dma_wait3A_197 = tpu.memref_slice %arg6[%dma_wait3A_194, %dma_wait3A_195, %dma_wait3A_196] : memref<4x128x128xf32, #tpu.memory_space<vmem>> -> memref<1x128x128xf32, #tpu.memory_space<vmem>>
    %dma_wait3A_198 = tpu.memref_squeeze %dma_wait3A_197 : memref<1x128x128xf32, #tpu.memory_space<vmem>> -> memref<128x128xf32, #tpu.memory_space<vmem>>
    %dma_wait3A_199 = arith.constant 0 : i32
    %dma_wait3A_200 = tpu.memref_slice %arg4[%add3A_127, %dma_wait3A_199] : memref<16384x128xf32, #tpu.memory_space<hbm>> -> memref<128x128xf32, #tpu.memory_space<hbm>>
    %dma_wait3A_201 = arith.constant 0 : i32
    %dma_wait3A_202 = tpu.memref_slice %arg4[%add3A_127, %dma_wait3A_201] : memref<16384x128xf32, #tpu.memory_space<hbm>> -> memref<128x128xf32, #tpu.memory_space<hbm>>
    %dma_wait3A_203 = arith.constant 0 : i32
    %dma_wait3A_204 = arith.constant 0 : i32
    %dma_wait3A_205 = tpu.memref_slice %arg6[%dma_wait3A_194, %dma_wait3A_203, %dma_wait3A_204] : memref<4x128x128xf32, #tpu.memory_space<vmem>> -> memref<1x128x128xf32, #tpu.memory_space<vmem>>
    %dma_wait3A_206 = tpu.memref_squeeze %dma_wait3A_205 : memref<1x128x128xf32, #tpu.memory_space<vmem>> -> memref<128x128xf32, #tpu.memory_space<vmem>>
    tpu.wait_dma2 semaphore(%arg13 : memref<!tpu.dma_semaphore, #tpu.memory_space<semaphore_mem>>) src(%dma_wait3A_206 : memref<128x128xf32, #tpu.memory_space<vmem>>) dst(%dma_wait3A_202 : memref<128x128xf32, #tpu.memory_space<hbm>>)
    %dma_wait3A_207 = arith.constant 3 : i32
    %dma_wait3A_208 = arith.constant 0 : i32
    %dma_wait3A_209 = arith.constant 0 : i32
    %dma_wait3A_210 = tpu.memref_slice %arg6[%dma_wait3A_207, %dma_wait3A_208, %dma_wait3A_209] : memref<4x128x128xf32, #tpu.memory_space<vmem>> -> memref<1x128x128xf32, #tpu.memory_space<vmem>>
    %dma_wait3A_211 = tpu.memref_squeeze %dma_wait3A_210 : memref<1x128x128xf32, #tpu.memory_space<vmem>> -> memref<128x128xf32, #tpu.memory_space<vmem>>
    %dma_wait3A_212 = arith.constant 0 : i32
    %dma_wait3A_213 = tpu.memref_slice %arg4[%add3A_154, %dma_wait3A_212] : memref<16384x128xf32, #tpu.memory_space<hbm>> -> memref<128x128xf32, #tpu.memory_space<hbm>>
    %dma_wait3A_214 = arith.constant 0 : i32
    %dma_wait3A_215 = tpu.memref_slice %arg4[%add3A_154, %dma_wait3A_214] : memref<16384x128xf32, #tpu.memory_space<hbm>> -> memref<128x128xf32, #tpu.memory_space<hbm>>
    %dma_wait3A_216 = arith.constant 0 : i32
    %dma_wait3A_217 = arith.constant 0 : i32
    %dma_wait3A_218 = tpu.memref_slice %arg6[%dma_wait3A_207, %dma_wait3A_216, %dma_wait3A_217] : memref<4x128x128xf32, #tpu.memory_space<vmem>> -> memref<1x128x128xf32, #tpu.memory_space<vmem>>
    %dma_wait3A_219 = tpu.memref_squeeze %dma_wait3A_218 : memref<1x128x128xf32, #tpu.memory_space<vmem>> -> memref<128x128xf32, #tpu.memory_space<vmem>>
    tpu.wait_dma2 semaphore(%arg14 : memref<!tpu.dma_semaphore, #tpu.memory_space<semaphore_mem>>) src(%dma_wait3A_219 : memref<128x128xf32, #tpu.memory_space<vmem>>) dst(%dma_wait3A_215 : memref<128x128xf32, #tpu.memory_space<hbm>>)
    return
  }
}

#map = affine_map<(d0, d1) -> (0)>
#map1 = affine_map<(d0, d1) -> (0, 0)>
module attributes {stable_mosaic.version = 14 : i64} {
  func.func @_gather(%arg0: i32, %arg1: i32, %arg2: memref<8192xi32, #tpu.memory_space<hbm>>, %arg3: memref<19482x128xf32, #tpu.memory_space<hbm>>, %arg4: memref<8192x128xf32, #tpu.memory_space<hbm>>, %arg5: memref<2x128xi32, #tpu.memory_space<vmem>>, %arg6: memref<2x128x128xf32, #tpu.memory_space<vmem>>, %arg7: memref<!tpu.dma_semaphore, #tpu.memory_space<semaphore_mem>>, %arg8: memref<!tpu.dma_semaphore, #tpu.memory_space<semaphore_mem>>, %arg9: memref<!tpu.dma_semaphore, #tpu.memory_space<semaphore_mem>>, %arg10: memref<!tpu.dma_semaphore, #tpu.memory_space<semaphore_mem>>) attributes {dimension_semantics = [#tpu.dimension_semantics<core_parallel>, #tpu.dimension_semantics<subcore_parallel>], iteration_bounds = array<i64: 2, 16>, scalar_prefetch = 0 : i64, scratch_operands = 6 : i64, tpu.core_type = #tpu.core_type<sc_vector_subcore>, window_params = [{transform_indices = #map}, {transform_indices = #map1}, {transform_indices = #map1}]} {
    %mul3A = arith.constant 2 : i32
    %mul3A_0 = arith.muli %arg1, %mul3A : i32
    %add3A = arith.addi %mul3A_0, %arg0 : i32
    %mul3A_1 = arith.constant 256 : i32
    %mul3A_2 = arith.muli %add3A, %mul3A_1 : i32
    %add3A_3 = arith.constant 0 : i32
    %add3A_4 = arith.addi %mul3A_2, %add3A_3 : i32
    %run_scoped3A = arith.constant 0 : i32
    "tpu.region"() ({
      %run_scoped3A_110 = tpu.sem_alloc : memref<!tpu.dma_semaphore, #tpu.memory_space<semaphore_mem>>
      %dma_start3A_111 = arith.constant 0 : i32
      %dma_start3A_112 = tpu.memref_slice %arg5[%run_scoped3A, %dma_start3A_111] : memref<2x128xi32, #tpu.memory_space<vmem>> -> memref<1x128xi32, #tpu.memory_space<vmem>>
      %dma_start3A_113 = tpu.memref_squeeze %dma_start3A_112 : memref<1x128xi32, #tpu.memory_space<vmem>> -> memref<128xi32, #tpu.memory_space<vmem>>
      %dma_start3A_114 = tpu.memref_slice %arg2[%add3A_4] : memref<8192xi32, #tpu.memory_space<hbm>> -> memref<128xi32, #tpu.memory_space<hbm>>
      %dma_start3A_115 = arith.constant 0 : i32
      %dma_start3A_116 = tpu.memref_slice %arg5[%run_scoped3A, %dma_start3A_115] : memref<2x128xi32, #tpu.memory_space<vmem>> -> memref<1x128xi32, #tpu.memory_space<vmem>>
      %dma_start3A_117 = tpu.memref_squeeze %dma_start3A_116 : memref<1x128xi32, #tpu.memory_space<vmem>> -> memref<128xi32, #tpu.memory_space<vmem>>
      %dma_start3A_118 = tpu.memref_slice %arg2[%add3A_4] : memref<8192xi32, #tpu.memory_space<hbm>> -> memref<128xi32, #tpu.memory_space<hbm>>
      tpu.enqueue_dma source(%dma_start3A_118 : memref<128xi32, #tpu.memory_space<hbm>>) target(%dma_start3A_117 : memref<128xi32, #tpu.memory_space<vmem>>) target_semaphore(%run_scoped3A_110 : memref<!tpu.dma_semaphore, #tpu.memory_space<semaphore_mem>>)
      %dma_wait3A_119 = arith.constant 0 : i32
      %dma_wait3A_120 = tpu.memref_slice %arg5[%run_scoped3A, %dma_wait3A_119] : memref<2x128xi32, #tpu.memory_space<vmem>> -> memref<1x128xi32, #tpu.memory_space<vmem>>
      %dma_wait3A_121 = tpu.memref_squeeze %dma_wait3A_120 : memref<1x128xi32, #tpu.memory_space<vmem>> -> memref<128xi32, #tpu.memory_space<vmem>>
      %dma_wait3A_122 = tpu.memref_slice %arg2[%add3A_4] : memref<8192xi32, #tpu.memory_space<hbm>> -> memref<128xi32, #tpu.memory_space<hbm>>
      %dma_wait3A_123 = arith.constant 0 : i32
      %dma_wait3A_124 = tpu.memref_slice %arg5[%run_scoped3A, %dma_wait3A_123] : memref<2x128xi32, #tpu.memory_space<vmem>> -> memref<1x128xi32, #tpu.memory_space<vmem>>
      %dma_wait3A_125 = tpu.memref_squeeze %dma_wait3A_124 : memref<1x128xi32, #tpu.memory_space<vmem>> -> memref<128xi32, #tpu.memory_space<vmem>>
      %dma_wait3A_126 = tpu.memref_slice %arg2[%add3A_4] : memref<8192xi32, #tpu.memory_space<hbm>> -> memref<128xi32, #tpu.memory_space<hbm>>
      tpu.wait_dma2 semaphore(%run_scoped3A_110 : memref<!tpu.dma_semaphore, #tpu.memory_space<semaphore_mem>>) src(%dma_wait3A_126 : memref<128xi32, #tpu.memory_space<hbm>>) dst(%dma_wait3A_125 : memref<128xi32, #tpu.memory_space<vmem>>)
      tpu.yield
    }) : () -> ()
    %add3A_5 = arith.constant 128 : i32
    %add3A_6 = arith.addi %mul3A_2, %add3A_5 : i32
    %run_scoped3A_7 = arith.constant 1 : i32
    "tpu.region"() ({
      %run_scoped3A_110 = tpu.sem_alloc : memref<!tpu.dma_semaphore, #tpu.memory_space<semaphore_mem>>
      %dma_start3A_111 = arith.constant 0 : i32
      %dma_start3A_112 = tpu.memref_slice %arg5[%run_scoped3A_7, %dma_start3A_111] : memref<2x128xi32, #tpu.memory_space<vmem>> -> memref<1x128xi32, #tpu.memory_space<vmem>>
      %dma_start3A_113 = tpu.memref_squeeze %dma_start3A_112 : memref<1x128xi32, #tpu.memory_space<vmem>> -> memref<128xi32, #tpu.memory_space<vmem>>
      %dma_start3A_114 = tpu.memref_slice %arg2[%add3A_6] : memref<8192xi32, #tpu.memory_space<hbm>> -> memref<128xi32, #tpu.memory_space<hbm>>
      %dma_start3A_115 = arith.constant 0 : i32
      %dma_start3A_116 = tpu.memref_slice %arg5[%run_scoped3A_7, %dma_start3A_115] : memref<2x128xi32, #tpu.memory_space<vmem>> -> memref<1x128xi32, #tpu.memory_space<vmem>>
      %dma_start3A_117 = tpu.memref_squeeze %dma_start3A_116 : memref<1x128xi32, #tpu.memory_space<vmem>> -> memref<128xi32, #tpu.memory_space<vmem>>
      %dma_start3A_118 = tpu.memref_slice %arg2[%add3A_6] : memref<8192xi32, #tpu.memory_space<hbm>> -> memref<128xi32, #tpu.memory_space<hbm>>
      tpu.enqueue_dma source(%dma_start3A_118 : memref<128xi32, #tpu.memory_space<hbm>>) target(%dma_start3A_117 : memref<128xi32, #tpu.memory_space<vmem>>) target_semaphore(%run_scoped3A_110 : memref<!tpu.dma_semaphore, #tpu.memory_space<semaphore_mem>>)
      %dma_wait3A_119 = arith.constant 0 : i32
      %dma_wait3A_120 = tpu.memref_slice %arg5[%run_scoped3A_7, %dma_wait3A_119] : memref<2x128xi32, #tpu.memory_space<vmem>> -> memref<1x128xi32, #tpu.memory_space<vmem>>
      %dma_wait3A_121 = tpu.memref_squeeze %dma_wait3A_120 : memref<1x128xi32, #tpu.memory_space<vmem>> -> memref<128xi32, #tpu.memory_space<vmem>>
      %dma_wait3A_122 = tpu.memref_slice %arg2[%add3A_6] : memref<8192xi32, #tpu.memory_space<hbm>> -> memref<128xi32, #tpu.memory_space<hbm>>
      %dma_wait3A_123 = arith.constant 0 : i32
      %dma_wait3A_124 = tpu.memref_slice %arg5[%run_scoped3A_7, %dma_wait3A_123] : memref<2x128xi32, #tpu.memory_space<vmem>> -> memref<1x128xi32, #tpu.memory_space<vmem>>
      %dma_wait3A_125 = tpu.memref_squeeze %dma_wait3A_124 : memref<1x128xi32, #tpu.memory_space<vmem>> -> memref<128xi32, #tpu.memory_space<vmem>>
      %dma_wait3A_126 = tpu.memref_slice %arg2[%add3A_6] : memref<8192xi32, #tpu.memory_space<hbm>> -> memref<128xi32, #tpu.memory_space<hbm>>
      tpu.wait_dma2 semaphore(%run_scoped3A_110 : memref<!tpu.dma_semaphore, #tpu.memory_space<semaphore_mem>>) src(%dma_wait3A_126 : memref<128xi32, #tpu.memory_space<hbm>>) dst(%dma_wait3A_125 : memref<128xi32, #tpu.memory_space<vmem>>)
      tpu.yield
    }) : () -> ()
    %dma_start3A = arith.constant 0 : i32
    %dma_start3A_8 = arith.constant 0 : i32
    %dma_start3A_9 = arith.constant 0 : i32
    %dma_start3A_10 = arith.constant 0 : i32
    %dma_start3A_11 = tpu.memref_slice %arg6[%dma_start3A_8, %dma_start3A_9, %dma_start3A_10] : memref<2x128x128xf32, #tpu.memory_space<vmem>> -> memref<1x128x128xf32, #tpu.memory_space<vmem>>
    %dma_start3A_12 = tpu.memref_squeeze %dma_start3A_11 : memref<1x128x128xf32, #tpu.memory_space<vmem>> -> memref<128x128xf32, #tpu.memory_space<vmem>>
    %dma_start3A_13 = arith.constant 0 : i32
    %dma_start3A_14 = tpu.memref_slice %arg5[%dma_start3A, %dma_start3A_13] : memref<2x128xi32, #tpu.memory_space<vmem>> -> memref<1x128xi32, #tpu.memory_space<vmem>>
    %dma_start3A_15 = tpu.memref_squeeze %dma_start3A_14 : memref<1x128xi32, #tpu.memory_space<vmem>> -> memref<128xi32, #tpu.memory_space<vmem>>
    %dma_start3A_16 = arith.constant 0 : i32
    %dma_start3A_17 = arith.constant 0 : i32
    %dma_start3A_18 = tpu.memref_slice %arg3[%dma_start3A_16, %dma_start3A_17] : memref<19482x128xf32, #tpu.memory_space<hbm>> -> memref<19482x128xf32, #tpu.memory_space<hbm>>
    tpu.enqueue_indirect_dma source(%dma_start3A_18 : memref<19482x128xf32, #tpu.memory_space<hbm>>) target(%dma_start3A_12 : memref<128x128xf32, #tpu.memory_space<vmem>>) offsets(%dma_start3A_15 : memref<128xi32, #tpu.memory_space<vmem>>) semaphore(%arg7 : memref<!tpu.dma_semaphore, #tpu.memory_space<semaphore_mem>>)
    %dma_start3A_19 = arith.constant 1 : i32
    %dma_start3A_20 = arith.constant 1 : i32
    %dma_start3A_21 = arith.constant 0 : i32
    %dma_start3A_22 = arith.constant 0 : i32
    %dma_start3A_23 = tpu.memref_slice %arg6[%dma_start3A_20, %dma_start3A_21, %dma_start3A_22] : memref<2x128x128xf32, #tpu.memory_space<vmem>> -> memref<1x128x128xf32, #tpu.memory_space<vmem>>
    %dma_start3A_24 = tpu.memref_squeeze %dma_start3A_23 : memref<1x128x128xf32, #tpu.memory_space<vmem>> -> memref<128x128xf32, #tpu.memory_space<vmem>>
    %dma_start3A_25 = arith.constant 0 : i32
    %dma_start3A_26 = tpu.memref_slice %arg5[%dma_start3A_19, %dma_start3A_25] : memref<2x128xi32, #tpu.memory_space<vmem>> -> memref<1x128xi32, #tpu.memory_space<vmem>>
    %dma_start3A_27 = tpu.memref_squeeze %dma_start3A_26 : memref<1x128xi32, #tpu.memory_space<vmem>> -> memref<128xi32, #tpu.memory_space<vmem>>
    %dma_start3A_28 = arith.constant 0 : i32
    %dma_start3A_29 = arith.constant 0 : i32
    %dma_start3A_30 = tpu.memref_slice %arg3[%dma_start3A_28, %dma_start3A_29] : memref<19482x128xf32, #tpu.memory_space<hbm>> -> memref<19482x128xf32, #tpu.memory_space<hbm>>
    tpu.enqueue_indirect_dma source(%dma_start3A_30 : memref<19482x128xf32, #tpu.memory_space<hbm>>) target(%dma_start3A_24 : memref<128x128xf32, #tpu.memory_space<vmem>>) offsets(%dma_start3A_27 : memref<128xi32, #tpu.memory_space<vmem>>) semaphore(%arg8 : memref<!tpu.dma_semaphore, #tpu.memory_space<semaphore_mem>>)
    %dma_wait3A = arith.constant 0 : i32
    %dma_wait3A_31 = arith.constant 0 : i32
    %dma_wait3A_32 = arith.constant 0 : i32
    %dma_wait3A_33 = arith.constant 0 : i32
    %dma_wait3A_34 = tpu.memref_slice %arg6[%dma_wait3A_31, %dma_wait3A_32, %dma_wait3A_33] : memref<2x128x128xf32, #tpu.memory_space<vmem>> -> memref<1x128x128xf32, #tpu.memory_space<vmem>>
    %dma_wait3A_35 = tpu.memref_squeeze %dma_wait3A_34 : memref<1x128x128xf32, #tpu.memory_space<vmem>> -> memref<128x128xf32, #tpu.memory_space<vmem>>
    %dma_wait3A_36 = arith.constant 0 : i32
    %dma_wait3A_37 = tpu.memref_slice %arg5[%dma_wait3A, %dma_wait3A_36] : memref<2x128xi32, #tpu.memory_space<vmem>> -> memref<1x128xi32, #tpu.memory_space<vmem>>
    %dma_wait3A_38 = tpu.memref_squeeze %dma_wait3A_37 : memref<1x128xi32, #tpu.memory_space<vmem>> -> memref<128xi32, #tpu.memory_space<vmem>>
    %dma_wait3A_39 = arith.constant 0 : i32
    %dma_wait3A_40 = arith.constant 0 : i32
    %dma_wait3A_41 = tpu.memref_slice %arg3[%dma_wait3A_39, %dma_wait3A_40] : memref<19482x128xf32, #tpu.memory_space<hbm>> -> memref<19482x128xf32, #tpu.memory_space<hbm>>
    tpu.wait_indirect_dma semaphore(%arg7 : memref<!tpu.dma_semaphore, #tpu.memory_space<semaphore_mem>>) src(%dma_wait3A_41 : memref<19482x128xf32, #tpu.memory_space<hbm>>) dst(%dma_wait3A_35 : memref<128x128xf32, #tpu.memory_space<vmem>>)
    %add3A_42 = arith.constant 0 : i32
    %add3A_43 = arith.addi %mul3A_2, %add3A_42 : i32
    %dma_start3A_44 = arith.constant 0 : i32
    %dma_start3A_45 = arith.constant 0 : i32
    %dma_start3A_46 = arith.constant 0 : i32
    %dma_start3A_47 = tpu.memref_slice %arg6[%dma_start3A_44, %dma_start3A_45, %dma_start3A_46] : memref<2x128x128xf32, #tpu.memory_space<vmem>> -> memref<1x128x128xf32, #tpu.memory_space<vmem>>
    %dma_start3A_48 = tpu.memref_squeeze %dma_start3A_47 : memref<1x128x128xf32, #tpu.memory_space<vmem>> -> memref<128x128xf32, #tpu.memory_space<vmem>>
    %dma_start3A_49 = arith.constant 0 : i32
    %dma_start3A_50 = tpu.memref_slice %arg4[%add3A_43, %dma_start3A_49] : memref<8192x128xf32, #tpu.memory_space<hbm>> -> memref<128x128xf32, #tpu.memory_space<hbm>>
    %dma_start3A_51 = arith.constant 0 : i32
    %dma_start3A_52 = tpu.memref_slice %arg4[%add3A_43, %dma_start3A_51] : memref<8192x128xf32, #tpu.memory_space<hbm>> -> memref<128x128xf32, #tpu.memory_space<hbm>>
    %dma_start3A_53 = arith.constant 0 : i32
    %dma_start3A_54 = arith.constant 0 : i32
    %dma_start3A_55 = tpu.memref_slice %arg6[%dma_start3A_44, %dma_start3A_53, %dma_start3A_54] : memref<2x128x128xf32, #tpu.memory_space<vmem>> -> memref<1x128x128xf32, #tpu.memory_space<vmem>>
    %dma_start3A_56 = tpu.memref_squeeze %dma_start3A_55 : memref<1x128x128xf32, #tpu.memory_space<vmem>> -> memref<128x128xf32, #tpu.memory_space<vmem>>
    tpu.enqueue_dma source(%dma_start3A_56 : memref<128x128xf32, #tpu.memory_space<vmem>>) target(%dma_start3A_52 : memref<128x128xf32, #tpu.memory_space<hbm>>) target_semaphore(%arg9 : memref<!tpu.dma_semaphore, #tpu.memory_space<semaphore_mem>>)
    %dma_wait3A_57 = arith.constant 1 : i32
    %dma_wait3A_58 = arith.constant 1 : i32
    %dma_wait3A_59 = arith.constant 0 : i32
    %dma_wait3A_60 = arith.constant 0 : i32
    %dma_wait3A_61 = tpu.memref_slice %arg6[%dma_wait3A_58, %dma_wait3A_59, %dma_wait3A_60] : memref<2x128x128xf32, #tpu.memory_space<vmem>> -> memref<1x128x128xf32, #tpu.memory_space<vmem>>
    %dma_wait3A_62 = tpu.memref_squeeze %dma_wait3A_61 : memref<1x128x128xf32, #tpu.memory_space<vmem>> -> memref<128x128xf32, #tpu.memory_space<vmem>>
    %dma_wait3A_63 = arith.constant 0 : i32
    %dma_wait3A_64 = tpu.memref_slice %arg5[%dma_wait3A_57, %dma_wait3A_63] : memref<2x128xi32, #tpu.memory_space<vmem>> -> memref<1x128xi32, #tpu.memory_space<vmem>>
    %dma_wait3A_65 = tpu.memref_squeeze %dma_wait3A_64 : memref<1x128xi32, #tpu.memory_space<vmem>> -> memref<128xi32, #tpu.memory_space<vmem>>
    %dma_wait3A_66 = arith.constant 0 : i32
    %dma_wait3A_67 = arith.constant 0 : i32
    %dma_wait3A_68 = tpu.memref_slice %arg3[%dma_wait3A_66, %dma_wait3A_67] : memref<19482x128xf32, #tpu.memory_space<hbm>> -> memref<19482x128xf32, #tpu.memory_space<hbm>>
    tpu.wait_indirect_dma semaphore(%arg8 : memref<!tpu.dma_semaphore, #tpu.memory_space<semaphore_mem>>) src(%dma_wait3A_68 : memref<19482x128xf32, #tpu.memory_space<hbm>>) dst(%dma_wait3A_62 : memref<128x128xf32, #tpu.memory_space<vmem>>)
    %add3A_69 = arith.constant 128 : i32
    %add3A_70 = arith.addi %mul3A_2, %add3A_69 : i32
    %dma_start3A_71 = arith.constant 1 : i32
    %dma_start3A_72 = arith.constant 0 : i32
    %dma_start3A_73 = arith.constant 0 : i32
    %dma_start3A_74 = tpu.memref_slice %arg6[%dma_start3A_71, %dma_start3A_72, %dma_start3A_73] : memref<2x128x128xf32, #tpu.memory_space<vmem>> -> memref<1x128x128xf32, #tpu.memory_space<vmem>>
    %dma_start3A_75 = tpu.memref_squeeze %dma_start3A_74 : memref<1x128x128xf32, #tpu.memory_space<vmem>> -> memref<128x128xf32, #tpu.memory_space<vmem>>
    %dma_start3A_76 = arith.constant 0 : i32
    %dma_start3A_77 = tpu.memref_slice %arg4[%add3A_70, %dma_start3A_76] : memref<8192x128xf32, #tpu.memory_space<hbm>> -> memref<128x128xf32, #tpu.memory_space<hbm>>
    %dma_start3A_78 = arith.constant 0 : i32
    %dma_start3A_79 = tpu.memref_slice %arg4[%add3A_70, %dma_start3A_78] : memref<8192x128xf32, #tpu.memory_space<hbm>> -> memref<128x128xf32, #tpu.memory_space<hbm>>
    %dma_start3A_80 = arith.constant 0 : i32
    %dma_start3A_81 = arith.constant 0 : i32
    %dma_start3A_82 = tpu.memref_slice %arg6[%dma_start3A_71, %dma_start3A_80, %dma_start3A_81] : memref<2x128x128xf32, #tpu.memory_space<vmem>> -> memref<1x128x128xf32, #tpu.memory_space<vmem>>
    %dma_start3A_83 = tpu.memref_squeeze %dma_start3A_82 : memref<1x128x128xf32, #tpu.memory_space<vmem>> -> memref<128x128xf32, #tpu.memory_space<vmem>>
    tpu.enqueue_dma source(%dma_start3A_83 : memref<128x128xf32, #tpu.memory_space<vmem>>) target(%dma_start3A_79 : memref<128x128xf32, #tpu.memory_space<hbm>>) target_semaphore(%arg10 : memref<!tpu.dma_semaphore, #tpu.memory_space<semaphore_mem>>)
    %dma_wait3A_84 = arith.constant 0 : i32
    %dma_wait3A_85 = arith.constant 0 : i32
    %dma_wait3A_86 = arith.constant 0 : i32
    %dma_wait3A_87 = tpu.memref_slice %arg6[%dma_wait3A_84, %dma_wait3A_85, %dma_wait3A_86] : memref<2x128x128xf32, #tpu.memory_space<vmem>> -> memref<1x128x128xf32, #tpu.memory_space<vmem>>
    %dma_wait3A_88 = tpu.memref_squeeze %dma_wait3A_87 : memref<1x128x128xf32, #tpu.memory_space<vmem>> -> memref<128x128xf32, #tpu.memory_space<vmem>>
    %dma_wait3A_89 = arith.constant 0 : i32
    %dma_wait3A_90 = tpu.memref_slice %arg4[%add3A_43, %dma_wait3A_89] : memref<8192x128xf32, #tpu.memory_space<hbm>> -> memref<128x128xf32, #tpu.memory_space<hbm>>
    %dma_wait3A_91 = arith.constant 0 : i32
    %dma_wait3A_92 = tpu.memref_slice %arg4[%add3A_43, %dma_wait3A_91] : memref<8192x128xf32, #tpu.memory_space<hbm>> -> memref<128x128xf32, #tpu.memory_space<hbm>>
    %dma_wait3A_93 = arith.constant 0 : i32
    %dma_wait3A_94 = arith.constant 0 : i32
    %dma_wait3A_95 = tpu.memref_slice %arg6[%dma_wait3A_84, %dma_wait3A_93, %dma_wait3A_94] : memref<2x128x128xf32, #tpu.memory_space<vmem>> -> memref<1x128x128xf32, #tpu.memory_space<vmem>>
    %dma_wait3A_96 = tpu.memref_squeeze %dma_wait3A_95 : memref<1x128x128xf32, #tpu.memory_space<vmem>> -> memref<128x128xf32, #tpu.memory_space<vmem>>
    tpu.wait_dma2 semaphore(%arg9 : memref<!tpu.dma_semaphore, #tpu.memory_space<semaphore_mem>>) src(%dma_wait3A_96 : memref<128x128xf32, #tpu.memory_space<vmem>>) dst(%dma_wait3A_92 : memref<128x128xf32, #tpu.memory_space<hbm>>)
    %dma_wait3A_97 = arith.constant 1 : i32
    %dma_wait3A_98 = arith.constant 0 : i32
    %dma_wait3A_99 = arith.constant 0 : i32
    %dma_wait3A_100 = tpu.memref_slice %arg6[%dma_wait3A_97, %dma_wait3A_98, %dma_wait3A_99] : memref<2x128x128xf32, #tpu.memory_space<vmem>> -> memref<1x128x128xf32, #tpu.memory_space<vmem>>
    %dma_wait3A_101 = tpu.memref_squeeze %dma_wait3A_100 : memref<1x128x128xf32, #tpu.memory_space<vmem>> -> memref<128x128xf32, #tpu.memory_space<vmem>>
    %dma_wait3A_102 = arith.constant 0 : i32
    %dma_wait3A_103 = tpu.memref_slice %arg4[%add3A_70, %dma_wait3A_102] : memref<8192x128xf32, #tpu.memory_space<hbm>> -> memref<128x128xf32, #tpu.memory_space<hbm>>
    %dma_wait3A_104 = arith.constant 0 : i32
    %dma_wait3A_105 = tpu.memref_slice %arg4[%add3A_70, %dma_wait3A_104] : memref<8192x128xf32, #tpu.memory_space<hbm>> -> memref<128x128xf32, #tpu.memory_space<hbm>>
    %dma_wait3A_106 = arith.constant 0 : i32
    %dma_wait3A_107 = arith.constant 0 : i32
    %dma_wait3A_108 = tpu.memref_slice %arg6[%dma_wait3A_97, %dma_wait3A_106, %dma_wait3A_107] : memref<2x128x128xf32, #tpu.memory_space<vmem>> -> memref<1x128x128xf32, #tpu.memory_space<vmem>>
    %dma_wait3A_109 = tpu.memref_squeeze %dma_wait3A_108 : memref<1x128x128xf32, #tpu.memory_space<vmem>> -> memref<128x128xf32, #tpu.memory_space<vmem>>
    tpu.wait_dma2 semaphore(%arg10 : memref<!tpu.dma_semaphore, #tpu.memory_space<semaphore_mem>>) src(%dma_wait3A_109 : memref<128x128xf32, #tpu.memory_space<vmem>>) dst(%dma_wait3A_105 : memref<128x128xf32, #tpu.memory_space<hbm>>)
    return
  }
}

module attributes {stable_mosaic.version = 14 : i64} {
  func.func @_concat_body(%arg0: i32, %arg1: memref<64x4096xf32, #tpu.memory_space<vmem>>, %arg2: memref<64x4096xf32, #tpu.memory_space<vmem>>, %arg3: memref<64x64xf32, #tpu.memory_space<vmem>>, %arg4: memref<4096x128xf32, #tpu.memory_space<vmem>>) attributes {dimension_semantics = [#tpu.dimension_semantics<arbitrary>], iteration_bounds = array<i64: 5>, scalar_prefetch = 0 : i64, scratch_operands = 0 : i64, tpu.core_type = #tpu.core_type<tc>, window_params = [{transform_indices = @transform_0, window_bounds = array<i64: 64, 4096>}, {transform_indices = @transform_1, window_bounds = array<i64: 64, 4096>}, {pipeline_mode = #tpu.pipeline_mode<synchronous>, transform_indices = @transform_2, window_bounds = array<i64: 64, 64>}, {transform_indices = @transform_3, window_bounds = array<i64: 4096, 128>}]} {
    %get3A = arith.constant 0 : index
    %get3A_0 = arith.constant 0 : index
    %get3A_1 = vector.load %arg3[%get3A, %get3A_0] : memref<64x64xf32, #tpu.memory_space<vmem>>, vector<64x64xf32>
    %get3A_2 = arith.constant 0 : index
    %get3A_3 = arith.constant 0 : index
    %get3A_4 = vector.load %arg1[%get3A_2, %get3A_3] : memref<64x4096xf32, #tpu.memory_space<vmem>>, vector<64x4096xf32>
    %dot_general3A = arith.constant dense<0.000000e+00> : vector<4096x64xf32>
    %dot_general3A_5 = tpu.matmul %get3A_4, %get3A_1, %dot_general3A {dimension_numbers = #tpu.dot_dimension_numbers<[0], [0], [1], [1], [0, 1, 1, 1], [], []>, transpose_lhs_hint = false} : vector<64x4096xf32>, vector<64x64xf32>, vector<4096x64xf32> -> vector<4096x64xf32>
    %swap3A = arith.constant 0 : index
    %swap3A_6 = arith.constant 0 : index
    %swap3A_7 = vector.load %arg4[%swap3A, %swap3A_6] : memref<4096x128xf32, #tpu.memory_space<vmem>>, vector<4096x64xf32>
    tpu.vector_store %arg4[%swap3A, %swap3A_6], %dot_general3A_5 {strides = array<i32>} : memref<4096x128xf32, #tpu.memory_space<vmem>>, vector<4096x64xf32>,
    %get3A_8 = arith.constant 0 : index
    %get3A_9 = arith.constant 0 : index
    %get3A_10 = vector.load %arg2[%get3A_8, %get3A_9] : memref<64x4096xf32, #tpu.memory_space<vmem>>, vector<64x4096xf32>
    %dot_general3A_11 = arith.constant dense<0.000000e+00> : vector<4096x64xf32>
    %dot_general3A_12 = tpu.matmul %get3A_10, %get3A_1, %dot_general3A_11 {dimension_numbers = #tpu.dot_dimension_numbers<[0], [0], [1], [1], [0, 1, 1, 1], [], []>, transpose_lhs_hint = false} : vector<64x4096xf32>, vector<64x64xf32>, vector<4096x64xf32> -> vector<4096x64xf32>
    %swap3A_13 = arith.constant 0 : index
    %swap3A_14 = arith.constant 64 : index
    %swap3A_15 = vector.load %arg4[%swap3A_13, %swap3A_14] : memref<4096x128xf32, #tpu.memory_space<vmem>>, vector<4096x64xf32>
    tpu.vector_store %arg4[%swap3A_13, %swap3A_14], %dot_general3A_12 {strides = array<i32>} : memref<4096x128xf32, #tpu.memory_space<vmem>>, vector<4096x64xf32>,
    return
  }
  func.func @transform_0(%arg0: i32) -> (i32, i32) {
    %c0_i32 = arith.constant 0 : i32
    %c0_i32_0 = arith.constant 0 : i32
    return %c0_i32, %arg0 : i32, i32
  }
  func.func @transform_1(%arg0: i32) -> (i32, i32) {
    %c0_i32 = arith.constant 0 : i32
    %c0_i32_0 = arith.constant 0 : i32
    return %c0_i32, %arg0 : i32, i32
  }
  func.func @transform_2(%arg0: i32) -> (i32, i32) {
    %c0_i32 = arith.constant 0 : i32
    %c0_i32_0 = arith.constant 0 : i32
    %c0_i32_1 = arith.constant 0 : i32
    return %c0_i32, %c0_i32_0 : i32, i32
  }
  func.func @transform_3(%arg0: i32) -> (i32, i32) {
    %c0_i32 = arith.constant 0 : i32
    %c0_i32_0 = arith.constant 0 : i32
    return %arg0, %c0_i32 : i32, i32
  }
}

module attributes {stable_mosaic.version = 14 : i64} {
  func.func @_concat_body(%arg0: i32, %arg1: memref<64x4096xf32, #tpu.memory_space<vmem>>, %arg2: memref<64x4096xf32, #tpu.memory_space<vmem>>, %arg3: memref<64x64xf32, #tpu.memory_space<vmem>>, %arg4: memref<4096x128xf32, #tpu.memory_space<vmem>>) attributes {dimension_semantics = [#tpu.dimension_semantics<arbitrary>], iteration_bounds = array<i64: 5>, scalar_prefetch = 0 : i64, scratch_operands = 0 : i64, tpu.core_type = #tpu.core_type<tc>, window_params = [{transform_indices = @transform_0, window_bounds = array<i64: 64, 4096>}, {transform_indices = @transform_1, window_bounds = array<i64: 64, 4096>}, {pipeline_mode = #tpu.pipeline_mode<synchronous>, transform_indices = @transform_2, window_bounds = array<i64: 64, 64>}, {transform_indices = @transform_3, window_bounds = array<i64: 4096, 128>}]} {
    %get3A = arith.constant 0 : index
    %get3A_0 = arith.constant 0 : index
    %get3A_1 = vector.load %arg3[%get3A, %get3A_0] : memref<64x64xf32, #tpu.memory_space<vmem>>, vector<64x64xf32>
    %get3A_2 = arith.constant 0 : index
    %get3A_3 = arith.constant 0 : index
    %get3A_4 = vector.load %arg1[%get3A_2, %get3A_3] : memref<64x4096xf32, #tpu.memory_space<vmem>>, vector<64x4096xf32>
    %dot_general3A = arith.constant dense<0.000000e+00> : vector<4096x64xf32>
    %dot_general3A_5 = tpu.matmul %get3A_4, %get3A_1, %dot_general3A {dimension_numbers = #tpu.dot_dimension_numbers<[0], [0], [1], [1], [0, 1, 1, 1], [], []>, transpose_lhs_hint = false} : vector<64x4096xf32>, vector<64x64xf32>, vector<4096x64xf32> -> vector<4096x64xf32>
    %swap3A = arith.constant 0 : index
    %swap3A_6 = arith.constant 0 : index
    %swap3A_7 = vector.load %arg4[%swap3A, %swap3A_6] : memref<4096x128xf32, #tpu.memory_space<vmem>>, vector<4096x64xf32>
    tpu.vector_store %arg4[%swap3A, %swap3A_6], %dot_general3A_5 {strides = array<i32>} : memref<4096x128xf32, #tpu.memory_space<vmem>>, vector<4096x64xf32>,
    %get3A_8 = arith.constant 0 : index
    %get3A_9 = arith.constant 0 : index
    %get3A_10 = vector.load %arg2[%get3A_8, %get3A_9] : memref<64x4096xf32, #tpu.memory_space<vmem>>, vector<64x4096xf32>
    %dot_general3A_11 = arith.constant dense<0.000000e+00> : vector<4096x64xf32>
    %dot_general3A_12 = tpu.matmul %get3A_10, %get3A_1, %dot_general3A_11 {dimension_numbers = #tpu.dot_dimension_numbers<[0], [0], [1], [1], [0, 1, 1, 1], [], []>, transpose_lhs_hint = false} : vector<64x4096xf32>, vector<64x64xf32>, vector<4096x64xf32> -> vector<4096x64xf32>
    %swap3A_13 = arith.constant 0 : index
    %swap3A_14 = arith.constant 64 : index
    %swap3A_15 = vector.load %arg4[%swap3A_13, %swap3A_14] : memref<4096x128xf32, #tpu.memory_space<vmem>>, vector<4096x64xf32>
    tpu.vector_store %arg4[%swap3A_13, %swap3A_14], %dot_general3A_12 {strides = array<i32>} : memref<4096x128xf32, #tpu.memory_space<vmem>>, vector<4096x64xf32>,
    return
  }
  func.func @transform_0(%arg0: i32) -> (i32, i32) {
    %c0_i32 = arith.constant 0 : i32
    %c0_i32_0 = arith.constant 0 : i32
    return %c0_i32, %arg0 : i32, i32
  }
  func.func @transform_1(%arg0: i32) -> (i32, i32) {
    %c0_i32 = arith.constant 0 : i32
    %c0_i32_0 = arith.constant 0 : i32
    return %c0_i32, %arg0 : i32, i32
  }
  func.func @transform_2(%arg0: i32) -> (i32, i32) {
    %c0_i32 = arith.constant 0 : i32
    %c0_i32_0 = arith.constant 0 : i32
    %c0_i32_1 = arith.constant 0 : i32
    return %c0_i32, %c0_i32_0 : i32, i32
  }
  func.func @transform_3(%arg0: i32) -> (i32, i32) {
    %c0_i32 = arith.constant 0 : i32
    %c0_i32_0 = arith.constant 0 : i32
    return %arg0, %c0_i32 : i32, i32
  }
}

module attributes {stable_mosaic.version = 14 : i64} {
  func.func @_dense_body(%arg0: i32, %arg1: memref<4096x128xf32, #tpu.memory_space<vmem>>, %arg2: memref<4096x128xf32, #tpu.memory_space<vmem>>, %arg3: memref<64x64xf32, #tpu.memory_space<vmem>>, %arg4: memref<64x64xf32, #tpu.memory_space<vmem>>, %arg5: memref<1x64xf32, #tpu.memory_space<vmem>>, %arg6: memref<64x32xf32, #tpu.memory_space<vmem>>, %arg7: memref<1x32xf32, #tpu.memory_space<vmem>>, %arg8: memref<64x1xf32, #tpu.memory_space<vmem>>, %arg9: memref<32x1xf32, #tpu.memory_space<vmem>>, %arg10: memref<1x1xf32, #tpu.memory_space<vmem>>, %arg11: memref<128x128xf32, #tpu.memory_space<vmem>>, %arg12: memref<4096xf32, #tpu.memory_space<vmem>>) attributes {dimension_semantics = [#tpu.dimension_semantics<arbitrary>], iteration_bounds = array<i64: 2>, scalar_prefetch = 0 : i64, scratch_operands = 0 : i64, tpu.core_type = #tpu.core_type<tc>, window_params = [{transform_indices = @transform_0, window_bounds = array<i64: 4096, 128>}, {transform_indices = @transform_1, window_bounds = array<i64: 4096, 128>}, {pipeline_mode = #tpu.pipeline_mode<synchronous>, transform_indices = @transform_2, window_bounds = array<i64: 64, 64>}, {pipeline_mode = #tpu.pipeline_mode<synchronous>, transform_indices = @transform_3, window_bounds = array<i64: 64, 64>}, {pipeline_mode = #tpu.pipeline_mode<synchronous>, transform_indices = @transform_4, window_bounds = array<i64: 1, 64>}, {pipeline_mode = #tpu.pipeline_mode<synchronous>, transform_indices = @transform_5, window_bounds = array<i64: 64, 32>}, {pipeline_mode = #tpu.pipeline_mode<synchronous>, transform_indices = @transform_6, window_bounds = array<i64: 1, 32>}, {pipeline_mode = #tpu.pipeline_mode<synchronous>, transform_indices = @transform_7, window_bounds = array<i64: 64, 1>}, {pipeline_mode = #tpu.pipeline_mode<synchronous>, transform_indices = @transform_8, window_bounds = array<i64: 32, 1>}, {pipeline_mode = #tpu.pipeline_mode<synchronous>, transform_indices = @transform_9, window_bounds = array<i64: 1, 1>}, {pipeline_mode = #tpu.pipeline_mode<synchronous>, transform_indices = @transform_10, window_bounds = array<i64: 128, 128>}, {transform_indices = @transform_11, window_bounds = array<i64: 4096>}]} {
    %get3A = arith.constant 0 : index
    %get3A_0 = arith.constant 0 : index
    %get3A_1 = vector.load %arg1[%get3A, %get3A_0] : memref<4096x128xf32, #tpu.memory_space<vmem>>, vector<4096x128xf32>
    %get3A_2 = arith.constant 0 : index
    %get3A_3 = arith.constant 0 : index
    %get3A_4 = vector.load %arg2[%get3A_2, %get3A_3] : memref<4096x128xf32, #tpu.memory_space<vmem>>, vector<4096x128xf32>
    %slice3A = vector.extract_strided_slice %get3A_1 {offsets = [0, 0], sizes = [4096, 64], strides = [1, 1]} : vector<4096x128xf32> to vector<4096x64xf32>
    %slice3A_5 = vector.extract_strided_slice %get3A_4 {offsets = [0, 0], sizes = [4096, 64], strides = [1, 1]} : vector<4096x128xf32> to vector<4096x64xf32>
    %mul3A = arith.mulf %slice3A, %slice3A_5 : vector<4096x64xf32>
    %slice3A_6 = vector.extract_strided_slice %get3A_1 {offsets = [0, 64], sizes = [4096, 64], strides = [1, 1]} : vector<4096x128xf32> to vector<4096x64xf32>
    %get3A_7 = arith.constant 0 : index
    %get3A_8 = arith.constant 0 : index
    %get3A_9 = vector.load %arg3[%get3A_7, %get3A_8] : memref<64x64xf32, #tpu.memory_space<vmem>>, vector<64x64xf32>
    %dot_general3A = arith.constant dense<0.000000e+00> : vector<4096x64xf32>
    %dot_general3A_10 = tpu.matmul %slice3A_6, %get3A_9, %dot_general3A {dimension_numbers = #tpu.dot_dimension_numbers<[1], [0], [0], [1], [0, 0, 1, 1], [], []>, transpose_lhs_hint = false} : vector<4096x64xf32>, vector<64x64xf32>, vector<4096x64xf32> -> vector<4096x64xf32>
    %slice3A_11 = vector.extract_strided_slice %get3A_4 {offsets = [0, 64], sizes = [4096, 64], strides = [1, 1]} : vector<4096x128xf32> to vector<4096x64xf32>
    %get3A_12 = arith.constant 0 : index
    %get3A_13 = arith.constant 0 : index
    %get3A_14 = vector.load %arg4[%get3A_12, %get3A_13] : memref<64x64xf32, #tpu.memory_space<vmem>>, vector<64x64xf32>
    %dot_general3A_15 = arith.constant dense<0.000000e+00> : vector<4096x64xf32>
    %dot_general3A_16 = tpu.matmul %slice3A_11, %get3A_14, %dot_general3A_15 {dimension_numbers = #tpu.dot_dimension_numbers<[1], [0], [0], [1], [0, 0, 1, 1], [], []>, transpose_lhs_hint = false} : vector<4096x64xf32>, vector<64x64xf32>, vector<4096x64xf32> -> vector<4096x64xf32>
    %add3A = arith.addf %dot_general3A_10, %dot_general3A_16 : vector<4096x64xf32>
    %get3A_17 = arith.constant 0 : index
    %get3A_18 = arith.constant 0 : index
    %get3A_19 = vector.load %arg5[%get3A_17, %get3A_18] : memref<1x64xf32, #tpu.memory_space<vmem>>, vector<1x64xf32>
    %add3A_20 = vector.broadcast %get3A_19 : vector<1x64xf32> to vector<4096x64xf32>
    %add3A_21 = arith.addf %add3A, %add3A_20 : vector<4096x64xf32>
    %max3A = arith.constant 0.000000e+00 : f32
    %max3A_22 = vector.broadcast %max3A : f32 to vector<4096x64xf32>
    %max3A_23 = arith.maximumf %add3A_21, %max3A_22 : vector<4096x64xf32>
    %get3A_24 = arith.constant 0 : index
    %get3A_25 = arith.constant 0 : index
    %get3A_26 = vector.load %arg6[%get3A_24, %get3A_25] : memref<64x32xf32, #tpu.memory_space<vmem>>, vector<64x32xf32>
    %dot_general3A_27 = arith.constant dense<0.000000e+00> : vector<4096x32xf32>
    %dot_general3A_28 = tpu.matmul %max3A_23, %get3A_26, %dot_general3A_27 {dimension_numbers = #tpu.dot_dimension_numbers<[1], [0], [0], [1], [0, 0, 1, 1], [], []>, transpose_lhs_hint = false} : vector<4096x64xf32>, vector<64x32xf32>, vector<4096x32xf32> -> vector<4096x32xf32>
    %get3A_29 = arith.constant 0 : index
    %get3A_30 = arith.constant 0 : index
    %get3A_31 = vector.load %arg7[%get3A_29, %get3A_30] : memref<1x32xf32, #tpu.memory_space<vmem>>, vector<1x32xf32>
    %add3A_32 = vector.broadcast %get3A_31 : vector<1x32xf32> to vector<4096x32xf32>
    %add3A_33 = arith.addf %dot_general3A_28, %add3A_32 : vector<4096x32xf32>
    %max3A_34 = arith.constant 0.000000e+00 : f32
    %max3A_35 = vector.broadcast %max3A_34 : f32 to vector<4096x32xf32>
    %max3A_36 = arith.maximumf %add3A_33, %max3A_35 : vector<4096x32xf32>
    %get3A_37 = arith.constant 0 : index
    %get3A_38 = arith.constant 0 : index
    %get3A_39 = vector.load %arg8[%get3A_37, %get3A_38] : memref<64x1xf32, #tpu.memory_space<vmem>>, vector<64x1xf32>
    %dot_general3A_40 = arith.constant dense<0.000000e+00> : vector<4096x1xf32>
    %dot_general3A_41 = tpu.matmul %mul3A, %get3A_39, %dot_general3A_40 {dimension_numbers = #tpu.dot_dimension_numbers<[1], [0], [0], [1], [0, 0, 1, 1], [], []>, transpose_lhs_hint = false} : vector<4096x64xf32>, vector<64x1xf32>, vector<4096x1xf32> -> vector<4096x1xf32>
    %get3A_42 = arith.constant 0 : index
    %get3A_43 = arith.constant 0 : index
    %get3A_44 = vector.load %arg9[%get3A_42, %get3A_43] : memref<32x1xf32, #tpu.memory_space<vmem>>, vector<32x1xf32>
    %dot_general3A_45 = arith.constant dense<0.000000e+00> : vector<4096x1xf32>
    %dot_general3A_46 = tpu.matmul %max3A_36, %get3A_44, %dot_general3A_45 {dimension_numbers = #tpu.dot_dimension_numbers<[1], [0], [0], [1], [0, 0, 1, 1], [], []>, transpose_lhs_hint = false} : vector<4096x32xf32>, vector<32x1xf32>, vector<4096x1xf32> -> vector<4096x1xf32>
    %add3A_47 = arith.addf %dot_general3A_41, %dot_general3A_46 : vector<4096x1xf32>
    %get3A_48 = arith.constant 0 : index
    %get3A_49 = arith.constant 0 : index
    %get3A_50 = vector.load %arg10[%get3A_48, %get3A_49] : memref<1x1xf32, #tpu.memory_space<vmem>>, vector<1x1xf32>
    %get3A_51 = vector.extract %get3A_50[0, 0] : f32 from vector<1x1xf32>
    %add3A_52 = vector.broadcast %get3A_51 : f32 to vector<4096x1xf32>
    %add3A_53 = arith.addf %add3A_47, %add3A_52 : vector<4096x1xf32>
    %get3A_54 = arith.constant 0 : index
    %get3A_55 = arith.constant 0 : index
    %get3A_56 = vector.load %arg11[%get3A_54, %get3A_55] : memref<128x128xf32, #tpu.memory_space<vmem>>, vector<128x128xf32>
    %slice3A_57 = vector.extract_strided_slice %add3A_53 {offsets = [0, 0], sizes = [128, 1], strides = [1, 1]} : vector<4096x1xf32> to vector<128x1xf32>
    %dot_general3A_58 = arith.constant dense<0.000000e+00> : vector<1x128xf32>
    %dot_general3A_59 = tpu.matmul %slice3A_57, %get3A_56, %dot_general3A_58 {dimension_numbers = #tpu.dot_dimension_numbers<[0], [0], [1], [1], [0, 1, 1, 1], [], []>, transpose_lhs_hint = false} : vector<128x1xf32>, vector<128x128xf32>, vector<1x128xf32> -> vector<1x128xf32>
    %reshape3A = vector.shape_cast %dot_general3A_59 : vector<1x128xf32> to vector<128xf32>
    %neg3A = arith.constant 0.000000e+00 : f32
    %neg3A_60 = vector.broadcast %neg3A : f32 to vector<128xf32>
    %neg3A_61 = arith.subf %neg3A_60, %reshape3A : vector<128xf32>
    %exp3A = math.exp %neg3A_61 : vector<128xf32>
    %add3A_62 = arith.constant 1.000000e+00 : f32
    %add3A_63 = vector.broadcast %add3A_62 : f32 to vector<128xf32>
    %add3A_64 = arith.addf %add3A_63, %exp3A : vector<128xf32>
    %div3A = arith.constant 1.000000e+00 : f32
    %div3A_65 = vector.broadcast %div3A : f32 to vector<128xf32>
    %div3A_66 = arith.divf %div3A_65, %add3A_64 : vector<128xf32>
    %swap3A = arith.constant 0 : index
    %swap3A_67 = vector.load %arg12[%swap3A] : memref<4096xf32, #tpu.memory_space<vmem>>, vector<128xf32>
    tpu.vector_store %arg12[%swap3A], %div3A_66 {strides = array<i32>} : memref<4096xf32, #tpu.memory_space<vmem>>, vector<128xf32>,
    %slice3A_68 = vector.extract_strided_slice %add3A_53 {offsets = [128, 0], sizes = [128, 1], strides = [1, 1]} : vector<4096x1xf32> to vector<128x1xf32>
    %dot_general3A_69 = arith.constant dense<0.000000e+00> : vector<1x128xf32>
    %dot_general3A_70 = tpu.matmul %slice3A_68, %get3A_56, %dot_general3A_69 {dimension_numbers = #tpu.dot_dimension_numbers<[0], [0], [1], [1], [0, 1, 1, 1], [], []>, transpose_lhs_hint = false} : vector<128x1xf32>, vector<128x128xf32>, vector<1x128xf32> -> vector<1x128xf32>
    %reshape3A_71 = vector.shape_cast %dot_general3A_70 : vector<1x128xf32> to vector<128xf32>
    %neg3A_72 = arith.constant 0.000000e+00 : f32
    %neg3A_73 = vector.broadcast %neg3A_72 : f32 to vector<128xf32>
    %neg3A_74 = arith.subf %neg3A_73, %reshape3A_71 : vector<128xf32>
    %exp3A_75 = math.exp %neg3A_74 : vector<128xf32>
    %add3A_76 = arith.constant 1.000000e+00 : f32
    %add3A_77 = vector.broadcast %add3A_76 : f32 to vector<128xf32>
    %add3A_78 = arith.addf %add3A_77, %exp3A_75 : vector<128xf32>
    %div3A_79 = arith.constant 1.000000e+00 : f32
    %div3A_80 = vector.broadcast %div3A_79 : f32 to vector<128xf32>
    %div3A_81 = arith.divf %div3A_80, %add3A_78 : vector<128xf32>
    %swap3A_82 = arith.constant 128 : index
    %swap3A_83 = vector.load %arg12[%swap3A_82] : memref<4096xf32, #tpu.memory_space<vmem>>, vector<128xf32>
    tpu.vector_store %arg12[%swap3A_82], %div3A_81 {strides = array<i32>} : memref<4096xf32, #tpu.memory_space<vmem>>, vector<128xf32>,
    %slice3A_84 = vector.extract_strided_slice %add3A_53 {offsets = [256, 0], sizes = [128, 1], strides = [1, 1]} : vector<4096x1xf32> to vector<128x1xf32>
    %dot_general3A_85 = arith.constant dense<0.000000e+00> : vector<1x128xf32>
    %dot_general3A_86 = tpu.matmul %slice3A_84, %get3A_56, %dot_general3A_85 {dimension_numbers = #tpu.dot_dimension_numbers<[0], [0], [1], [1], [0, 1, 1, 1], [], []>, transpose_lhs_hint = false} : vector<128x1xf32>, vector<128x128xf32>, vector<1x128xf32> -> vector<1x128xf32>
    %reshape3A_87 = vector.shape_cast %dot_general3A_86 : vector<1x128xf32> to vector<128xf32>
    %neg3A_88 = arith.constant 0.000000e+00 : f32
    %neg3A_89 = vector.broadcast %neg3A_88 : f32 to vector<128xf32>
    %neg3A_90 = arith.subf %neg3A_89, %reshape3A_87 : vector<128xf32>
    %exp3A_91 = math.exp %neg3A_90 : vector<128xf32>
    %add3A_92 = arith.constant 1.000000e+00 : f32
    %add3A_93 = vector.broadcast %add3A_92 : f32 to vector<128xf32>
    %add3A_94 = arith.addf %add3A_93, %exp3A_91 : vector<128xf32>
    %div3A_95 = arith.constant 1.000000e+00 : f32
    %div3A_96 = vector.broadcast %div3A_95 : f32 to vector<128xf32>
    %div3A_97 = arith.divf %div3A_96, %add3A_94 : vector<128xf32>
    %swap3A_98 = arith.constant 256 : index
    %swap3A_99 = vector.load %arg12[%swap3A_98] : memref<4096xf32, #tpu.memory_space<vmem>>, vector<128xf32>
    tpu.vector_store %arg12[%swap3A_98], %div3A_97 {strides = array<i32>} : memref<4096xf32, #tpu.memory_space<vmem>>, vector<128xf32>,
    %slice3A_100 = vector.extract_strided_slice %add3A_53 {offsets = [384, 0], sizes = [128, 1], strides = [1, 1]} : vector<4096x1xf32> to vector<128x1xf32>
    %dot_general3A_101 = arith.constant dense<0.000000e+00> : vector<1x128xf32>
    %dot_general3A_102 = tpu.matmul %slice3A_100, %get3A_56, %dot_general3A_101 {dimension_numbers = #tpu.dot_dimension_numbers<[0], [0], [1], [1], [0, 1, 1, 1], [], []>, transpose_lhs_hint = false} : vector<128x1xf32>, vector<128x128xf32>, vector<1x128xf32> -> vector<1x128xf32>
    %reshape3A_103 = vector.shape_cast %dot_general3A_102 : vector<1x128xf32> to vector<128xf32>
    %neg3A_104 = arith.constant 0.000000e+00 : f32
    %neg3A_105 = vector.broadcast %neg3A_104 : f32 to vector<128xf32>
    %neg3A_106 = arith.subf %neg3A_105, %reshape3A_103 : vector<128xf32>
    %exp3A_107 = math.exp %neg3A_106 : vector<128xf32>
    %add3A_108 = arith.constant 1.000000e+00 : f32
    %add3A_109 = vector.broadcast %add3A_108 : f32 to vector<128xf32>
    %add3A_110 = arith.addf %add3A_109, %exp3A_107 : vector<128xf32>
    %div3A_111 = arith.constant 1.000000e+00 : f32
    %div3A_112 = vector.broadcast %div3A_111 : f32 to vector<128xf32>
    %div3A_113 = arith.divf %div3A_112, %add3A_110 : vector<128xf32>
    %swap3A_114 = arith.constant 384 : index
    %swap3A_115 = vector.load %arg12[%swap3A_114] : memref<4096xf32, #tpu.memory_space<vmem>>, vector<128xf32>
    tpu.vector_store %arg12[%swap3A_114], %div3A_113 {strides = array<i32>} : memref<4096xf32, #tpu.memory_space<vmem>>, vector<128xf32>,
    %slice3A_116 = vector.extract_strided_slice %add3A_53 {offsets = [512, 0], sizes = [128, 1], strides = [1, 1]} : vector<4096x1xf32> to vector<128x1xf32>
    %dot_general3A_117 = arith.constant dense<0.000000e+00> : vector<1x128xf32>
    %dot_general3A_118 = tpu.matmul %slice3A_116, %get3A_56, %dot_general3A_117 {dimension_numbers = #tpu.dot_dimension_numbers<[0], [0], [1], [1], [0, 1, 1, 1], [], []>, transpose_lhs_hint = false} : vector<128x1xf32>, vector<128x128xf32>, vector<1x128xf32> -> vector<1x128xf32>
    %reshape3A_119 = vector.shape_cast %dot_general3A_118 : vector<1x128xf32> to vector<128xf32>
    %neg3A_120 = arith.constant 0.000000e+00 : f32
    %neg3A_121 = vector.broadcast %neg3A_120 : f32 to vector<128xf32>
    %neg3A_122 = arith.subf %neg3A_121, %reshape3A_119 : vector<128xf32>
    %exp3A_123 = math.exp %neg3A_122 : vector<128xf32>
    %add3A_124 = arith.constant 1.000000e+00 : f32
    %add3A_125 = vector.broadcast %add3A_124 : f32 to vector<128xf32>
    %add3A_126 = arith.addf %add3A_125, %exp3A_123 : vector<128xf32>
    %div3A_127 = arith.constant 1.000000e+00 : f32
    %div3A_128 = vector.broadcast %div3A_127 : f32 to vector<128xf32>
    %div3A_129 = arith.divf %div3A_128, %add3A_126 : vector<128xf32>
    %swap3A_130 = arith.constant 512 : index
    %swap3A_131 = vector.load %arg12[%swap3A_130] : memref<4096xf32, #tpu.memory_space<vmem>>, vector<128xf32>
    tpu.vector_store %arg12[%swap3A_130], %div3A_129 {strides = array<i32>} : memref<4096xf32, #tpu.memory_space<vmem>>, vector<128xf32>,
    %slice3A_132 = vector.extract_strided_slice %add3A_53 {offsets = [640, 0], sizes = [128, 1], strides = [1, 1]} : vector<4096x1xf32> to vector<128x1xf32>
    %dot_general3A_133 = arith.constant dense<0.000000e+00> : vector<1x128xf32>
    %dot_general3A_134 = tpu.matmul %slice3A_132, %get3A_56, %dot_general3A_133 {dimension_numbers = #tpu.dot_dimension_numbers<[0], [0], [1], [1], [0, 1, 1, 1], [], []>, transpose_lhs_hint = false} : vector<128x1xf32>, vector<128x128xf32>, vector<1x128xf32> -> vector<1x128xf32>
    %reshape3A_135 = vector.shape_cast %dot_general3A_134 : vector<1x128xf32> to vector<128xf32>
    %neg3A_136 = arith.constant 0.000000e+00 : f32
    %neg3A_137 = vector.broadcast %neg3A_136 : f32 to vector<128xf32>
    %neg3A_138 = arith.subf %neg3A_137, %reshape3A_135 : vector<128xf32>
    %exp3A_139 = math.exp %neg3A_138 : vector<128xf32>
    %add3A_140 = arith.constant 1.000000e+00 : f32
    %add3A_141 = vector.broadcast %add3A_140 : f32 to vector<128xf32>
    %add3A_142 = arith.addf %add3A_141, %exp3A_139 : vector<128xf32>
    %div3A_143 = arith.constant 1.000000e+00 : f32
    %div3A_144 = vector.broadcast %div3A_143 : f32 to vector<128xf32>
    %div3A_145 = arith.divf %div3A_144, %add3A_142 : vector<128xf32>
    %swap3A_146 = arith.constant 640 : index
    %swap3A_147 = vector.load %arg12[%swap3A_146] : memref<4096xf32, #tpu.memory_space<vmem>>, vector<128xf32>
    tpu.vector_store %arg12[%swap3A_146], %div3A_145 {strides = array<i32>} : memref<4096xf32, #tpu.memory_space<vmem>>, vector<128xf32>,
    %slice3A_148 = vector.extract_strided_slice %add3A_53 {offsets = [768, 0], sizes = [128, 1], strides = [1, 1]} : vector<4096x1xf32> to vector<128x1xf32>
    %dot_general3A_149 = arith.constant dense<0.000000e+00> : vector<1x128xf32>
    %dot_general3A_150 = tpu.matmul %slice3A_148, %get3A_56, %dot_general3A_149 {dimension_numbers = #tpu.dot_dimension_numbers<[0], [0], [1], [1], [0, 1, 1, 1], [], []>, transpose_lhs_hint = false} : vector<128x1xf32>, vector<128x128xf32>, vector<1x128xf32> -> vector<1x128xf32>
    %reshape3A_151 = vector.shape_cast %dot_general3A_150 : vector<1x128xf32> to vector<128xf32>
    %neg3A_152 = arith.constant 0.000000e+00 : f32
    %neg3A_153 = vector.broadcast %neg3A_152 : f32 to vector<128xf32>
    %neg3A_154 = arith.subf %neg3A_153, %reshape3A_151 : vector<128xf32>
    %exp3A_155 = math.exp %neg3A_154 : vector<128xf32>
    %add3A_156 = arith.constant 1.000000e+00 : f32
    %add3A_157 = vector.broadcast %add3A_156 : f32 to vector<128xf32>
    %add3A_158 = arith.addf %add3A_157, %exp3A_155 : vector<128xf32>
    %div3A_159 = arith.constant 1.000000e+00 : f32
    %div3A_160 = vector.broadcast %div3A_159 : f32 to vector<128xf32>
    %div3A_161 = arith.divf %div3A_160, %add3A_158 : vector<128xf32>
    %swap3A_162 = arith.constant 768 : index
    %swap3A_163 = vector.load %arg12[%swap3A_162] : memref<4096xf32, #tpu.memory_space<vmem>>, vector<128xf32>
    tpu.vector_store %arg12[%swap3A_162], %div3A_161 {strides = array<i32>} : memref<4096xf32, #tpu.memory_space<vmem>>, vector<128xf32>,
    %slice3A_164 = vector.extract_strided_slice %add3A_53 {offsets = [896, 0], sizes = [128, 1], strides = [1, 1]} : vector<4096x1xf32> to vector<128x1xf32>
    %dot_general3A_165 = arith.constant dense<0.000000e+00> : vector<1x128xf32>
    %dot_general3A_166 = tpu.matmul %slice3A_164, %get3A_56, %dot_general3A_165 {dimension_numbers = #tpu.dot_dimension_numbers<[0], [0], [1], [1], [0, 1, 1, 1], [], []>, transpose_lhs_hint = false} : vector<128x1xf32>, vector<128x128xf32>, vector<1x128xf32> -> vector<1x128xf32>
    %reshape3A_167 = vector.shape_cast %dot_general3A_166 : vector<1x128xf32> to vector<128xf32>
    %neg3A_168 = arith.constant 0.000000e+00 : f32
    %neg3A_169 = vector.broadcast %neg3A_168 : f32 to vector<128xf32>
    %neg3A_170 = arith.subf %neg3A_169, %reshape3A_167 : vector<128xf32>
    %exp3A_171 = math.exp %neg3A_170 : vector<128xf32>
    %add3A_172 = arith.constant 1.000000e+00 : f32
    %add3A_173 = vector.broadcast %add3A_172 : f32 to vector<128xf32>
    %add3A_174 = arith.addf %add3A_173, %exp3A_171 : vector<128xf32>
    %div3A_175 = arith.constant 1.000000e+00 : f32
    %div3A_176 = vector.broadcast %div3A_175 : f32 to vector<128xf32>
    %div3A_177 = arith.divf %div3A_176, %add3A_174 : vector<128xf32>
    %swap3A_178 = arith.constant 896 : index
    %swap3A_179 = vector.load %arg12[%swap3A_178] : memref<4096xf32, #tpu.memory_space<vmem>>, vector<128xf32>
    tpu.vector_store %arg12[%swap3A_178], %div3A_177 {strides = array<i32>} : memref<4096xf32, #tpu.memory_space<vmem>>, vector<128xf32>,
    %slice3A_180 = vector.extract_strided_slice %add3A_53 {offsets = [1024, 0], sizes = [128, 1], strides = [1, 1]} : vector<4096x1xf32> to vector<128x1xf32>
    %dot_general3A_181 = arith.constant dense<0.000000e+00> : vector<1x128xf32>
    %dot_general3A_182 = tpu.matmul %slice3A_180, %get3A_56, %dot_general3A_181 {dimension_numbers = #tpu.dot_dimension_numbers<[0], [0], [1], [1], [0, 1, 1, 1], [], []>, transpose_lhs_hint = false} : vector<128x1xf32>, vector<128x128xf32>, vector<1x128xf32> -> vector<1x128xf32>
    %reshape3A_183 = vector.shape_cast %dot_general3A_182 : vector<1x128xf32> to vector<128xf32>
    %neg3A_184 = arith.constant 0.000000e+00 : f32
    %neg3A_185 = vector.broadcast %neg3A_184 : f32 to vector<128xf32>
    %neg3A_186 = arith.subf %neg3A_185, %reshape3A_183 : vector<128xf32>
    %exp3A_187 = math.exp %neg3A_186 : vector<128xf32>
    %add3A_188 = arith.constant 1.000000e+00 : f32
    %add3A_189 = vector.broadcast %add3A_188 : f32 to vector<128xf32>
    %add3A_190 = arith.addf %add3A_189, %exp3A_187 : vector<128xf32>
    %div3A_191 = arith.constant 1.000000e+00 : f32
    %div3A_192 = vector.broadcast %div3A_191 : f32 to vector<128xf32>
    %div3A_193 = arith.divf %div3A_192, %add3A_190 : vector<128xf32>
    %swap3A_194 = arith.constant 1024 : index
    %swap3A_195 = vector.load %arg12[%swap3A_194] : memref<4096xf32, #tpu.memory_space<vmem>>, vector<128xf32>
    tpu.vector_store %arg12[%swap3A_194], %div3A_193 {strides = array<i32>} : memref<4096xf32, #tpu.memory_space<vmem>>, vector<128xf32>,
    %slice3A_196 = vector.extract_strided_slice %add3A_53 {offsets = [1152, 0], sizes = [128, 1], strides = [1, 1]} : vector<4096x1xf32> to vector<128x1xf32>
    %dot_general3A_197 = arith.constant dense<0.000000e+00> : vector<1x128xf32>
    %dot_general3A_198 = tpu.matmul %slice3A_196, %get3A_56, %dot_general3A_197 {dimension_numbers = #tpu.dot_dimension_numbers<[0], [0], [1], [1], [0, 1, 1, 1], [], []>, transpose_lhs_hint = false} : vector<128x1xf32>, vector<128x128xf32>, vector<1x128xf32> -> vector<1x128xf32>
    %reshape3A_199 = vector.shape_cast %dot_general3A_198 : vector<1x128xf32> to vector<128xf32>
    %neg3A_200 = arith.constant 0.000000e+00 : f32
    %neg3A_201 = vector.broadcast %neg3A_200 : f32 to vector<128xf32>
    %neg3A_202 = arith.subf %neg3A_201, %reshape3A_199 : vector<128xf32>
    %exp3A_203 = math.exp %neg3A_202 : vector<128xf32>
    %add3A_204 = arith.constant 1.000000e+00 : f32
    %add3A_205 = vector.broadcast %add3A_204 : f32 to vector<128xf32>
    %add3A_206 = arith.addf %add3A_205, %exp3A_203 : vector<128xf32>
    %div3A_207 = arith.constant 1.000000e+00 : f32
    %div3A_208 = vector.broadcast %div3A_207 : f32 to vector<128xf32>
    %div3A_209 = arith.divf %div3A_208, %add3A_206 : vector<128xf32>
    %swap3A_210 = arith.constant 1152 : index
    %swap3A_211 = vector.load %arg12[%swap3A_210] : memref<4096xf32, #tpu.memory_space<vmem>>, vector<128xf32>
    tpu.vector_store %arg12[%swap3A_210], %div3A_209 {strides = array<i32>} : memref<4096xf32, #tpu.memory_space<vmem>>, vector<128xf32>,
    %slice3A_212 = vector.extract_strided_slice %add3A_53 {offsets = [1280, 0], sizes = [128, 1], strides = [1, 1]} : vector<4096x1xf32> to vector<128x1xf32>
    %dot_general3A_213 = arith.constant dense<0.000000e+00> : vector<1x128xf32>
    %dot_general3A_214 = tpu.matmul %slice3A_212, %get3A_56, %dot_general3A_213 {dimension_numbers = #tpu.dot_dimension_numbers<[0], [0], [1], [1], [0, 1, 1, 1], [], []>, transpose_lhs_hint = false} : vector<128x1xf32>, vector<128x128xf32>, vector<1x128xf32> -> vector<1x128xf32>
    %reshape3A_215 = vector.shape_cast %dot_general3A_214 : vector<1x128xf32> to vector<128xf32>
    %neg3A_216 = arith.constant 0.000000e+00 : f32
    %neg3A_217 = vector.broadcast %neg3A_216 : f32 to vector<128xf32>
    %neg3A_218 = arith.subf %neg3A_217, %reshape3A_215 : vector<128xf32>
    %exp3A_219 = math.exp %neg3A_218 : vector<128xf32>
    %add3A_220 = arith.constant 1.000000e+00 : f32
    %add3A_221 = vector.broadcast %add3A_220 : f32 to vector<128xf32>
    %add3A_222 = arith.addf %add3A_221, %exp3A_219 : vector<128xf32>
    %div3A_223 = arith.constant 1.000000e+00 : f32
    %div3A_224 = vector.broadcast %div3A_223 : f32 to vector<128xf32>
    %div3A_225 = arith.divf %div3A_224, %add3A_222 : vector<128xf32>
    %swap3A_226 = arith.constant 1280 : index
    %swap3A_227 = vector.load %arg12[%swap3A_226] : memref<4096xf32, #tpu.memory_space<vmem>>, vector<128xf32>
    tpu.vector_store %arg12[%swap3A_226], %div3A_225 {strides = array<i32>} : memref<4096xf32, #tpu.memory_space<vmem>>, vector<128xf32>,
    %slice3A_228 = vector.extract_strided_slice %add3A_53 {offsets = [1408, 0], sizes = [128, 1], strides = [1, 1]} : vector<4096x1xf32> to vector<128x1xf32>
    %dot_general3A_229 = arith.constant dense<0.000000e+00> : vector<1x128xf32>
    %dot_general3A_230 = tpu.matmul %slice3A_228, %get3A_56, %dot_general3A_229 {dimension_numbers = #tpu.dot_dimension_numbers<[0], [0], [1], [1], [0, 1, 1, 1], [], []>, transpose_lhs_hint = false} : vector<128x1xf32>, vector<128x128xf32>, vector<1x128xf32> -> vector<1x128xf32>
    %reshape3A_231 = vector.shape_cast %dot_general3A_230 : vector<1x128xf32> to vector<128xf32>
    %neg3A_232 = arith.constant 0.000000e+00 : f32
    %neg3A_233 = vector.broadcast %neg3A_232 : f32 to vector<128xf32>
    %neg3A_234 = arith.subf %neg3A_233, %reshape3A_231 : vector<128xf32>
    %exp3A_235 = math.exp %neg3A_234 : vector<128xf32>
    %add3A_236 = arith.constant 1.000000e+00 : f32
    %add3A_237 = vector.broadcast %add3A_236 : f32 to vector<128xf32>
    %add3A_238 = arith.addf %add3A_237, %exp3A_235 : vector<128xf32>
    %div3A_239 = arith.constant 1.000000e+00 : f32
    %div3A_240 = vector.broadcast %div3A_239 : f32 to vector<128xf32>
    %div3A_241 = arith.divf %div3A_240, %add3A_238 : vector<128xf32>
    %swap3A_242 = arith.constant 1408 : index
    %swap3A_243 = vector.load %arg12[%swap3A_242] : memref<4096xf32, #tpu.memory_space<vmem>>, vector<128xf32>
    tpu.vector_store %arg12[%swap3A_242], %div3A_241 {strides = array<i32>} : memref<4096xf32, #tpu.memory_space<vmem>>, vector<128xf32>,
    %slice3A_244 = vector.extract_strided_slice %add3A_53 {offsets = [1536, 0], sizes = [128, 1], strides = [1, 1]} : vector<4096x1xf32> to vector<128x1xf32>
    %dot_general3A_245 = arith.constant dense<0.000000e+00> : vector<1x128xf32>
    %dot_general3A_246 = tpu.matmul %slice3A_244, %get3A_56, %dot_general3A_245 {dimension_numbers = #tpu.dot_dimension_numbers<[0], [0], [1], [1], [0, 1, 1, 1], [], []>, transpose_lhs_hint = false} : vector<128x1xf32>, vector<128x128xf32>, vector<1x128xf32> -> vector<1x128xf32>
    %reshape3A_247 = vector.shape_cast %dot_general3A_246 : vector<1x128xf32> to vector<128xf32>
    %neg3A_248 = arith.constant 0.000000e+00 : f32
    %neg3A_249 = vector.broadcast %neg3A_248 : f32 to vector<128xf32>
    %neg3A_250 = arith.subf %neg3A_249, %reshape3A_247 : vector<128xf32>
    %exp3A_251 = math.exp %neg3A_250 : vector<128xf32>
    %add3A_252 = arith.constant 1.000000e+00 : f32
    %add3A_253 = vector.broadcast %add3A_252 : f32 to vector<128xf32>
    %add3A_254 = arith.addf %add3A_253, %exp3A_251 : vector<128xf32>
    %div3A_255 = arith.constant 1.000000e+00 : f32
    %div3A_256 = vector.broadcast %div3A_255 : f32 to vector<128xf32>
    %div3A_257 = arith.divf %div3A_256, %add3A_254 : vector<128xf32>
    %swap3A_258 = arith.constant 1536 : index
    %swap3A_259 = vector.load %arg12[%swap3A_258] : memref<4096xf32, #tpu.memory_space<vmem>>, vector<128xf32>
    tpu.vector_store %arg12[%swap3A_258], %div3A_257 {strides = array<i32>} : memref<4096xf32, #tpu.memory_space<vmem>>, vector<128xf32>,
    %slice3A_260 = vector.extract_strided_slice %add3A_53 {offsets = [1664, 0], sizes = [128, 1], strides = [1, 1]} : vector<4096x1xf32> to vector<128x1xf32>
    %dot_general3A_261 = arith.constant dense<0.000000e+00> : vector<1x128xf32>
    %dot_general3A_262 = tpu.matmul %slice3A_260, %get3A_56, %dot_general3A_261 {dimension_numbers = #tpu.dot_dimension_numbers<[0], [0], [1], [1], [0, 1, 1, 1], [], []>, transpose_lhs_hint = false} : vector<128x1xf32>, vector<128x128xf32>, vector<1x128xf32> -> vector<1x128xf32>
    %reshape3A_263 = vector.shape_cast %dot_general3A_262 : vector<1x128xf32> to vector<128xf32>
    %neg3A_264 = arith.constant 0.000000e+00 : f32
    %neg3A_265 = vector.broadcast %neg3A_264 : f32 to vector<128xf32>
    %neg3A_266 = arith.subf %neg3A_265, %reshape3A_263 : vector<128xf32>
    %exp3A_267 = math.exp %neg3A_266 : vector<128xf32>
    %add3A_268 = arith.constant 1.000000e+00 : f32
    %add3A_269 = vector.broadcast %add3A_268 : f32 to vector<128xf32>
    %add3A_270 = arith.addf %add3A_269, %exp3A_267 : vector<128xf32>
    %div3A_271 = arith.constant 1.000000e+00 : f32
    %div3A_272 = vector.broadcast %div3A_271 : f32 to vector<128xf32>
    %div3A_273 = arith.divf %div3A_272, %add3A_270 : vector<128xf32>
    %swap3A_274 = arith.constant 1664 : index
    %swap3A_275 = vector.load %arg12[%swap3A_274] : memref<4096xf32, #tpu.memory_space<vmem>>, vector<128xf32>
    tpu.vector_store %arg12[%swap3A_274], %div3A_273 {strides = array<i32>} : memref<4096xf32, #tpu.memory_space<vmem>>, vector<128xf32>,
    %slice3A_276 = vector.extract_strided_slice %add3A_53 {offsets = [1792, 0], sizes = [128, 1], strides = [1, 1]} : vector<4096x1xf32> to vector<128x1xf32>
    %dot_general3A_277 = arith.constant dense<0.000000e+00> : vector<1x128xf32>
    %dot_general3A_278 = tpu.matmul %slice3A_276, %get3A_56, %dot_general3A_277 {dimension_numbers = #tpu.dot_dimension_numbers<[0], [0], [1], [1], [0, 1, 1, 1], [], []>, transpose_lhs_hint = false} : vector<128x1xf32>, vector<128x128xf32>, vector<1x128xf32> -> vector<1x128xf32>
    %reshape3A_279 = vector.shape_cast %dot_general3A_278 : vector<1x128xf32> to vector<128xf32>
    %neg3A_280 = arith.constant 0.000000e+00 : f32
    %neg3A_281 = vector.broadcast %neg3A_280 : f32 to vector<128xf32>
    %neg3A_282 = arith.subf %neg3A_281, %reshape3A_279 : vector<128xf32>
    %exp3A_283 = math.exp %neg3A_282 : vector<128xf32>
    %add3A_284 = arith.constant 1.000000e+00 : f32
    %add3A_285 = vector.broadcast %add3A_284 : f32 to vector<128xf32>
    %add3A_286 = arith.addf %add3A_285, %exp3A_283 : vector<128xf32>
    %div3A_287 = arith.constant 1.000000e+00 : f32
    %div3A_288 = vector.broadcast %div3A_287 : f32 to vector<128xf32>
    %div3A_289 = arith.divf %div3A_288, %add3A_286 : vector<128xf32>
    %swap3A_290 = arith.constant 1792 : index
    %swap3A_291 = vector.load %arg12[%swap3A_290] : memref<4096xf32, #tpu.memory_space<vmem>>, vector<128xf32>
    tpu.vector_store %arg12[%swap3A_290], %div3A_289 {strides = array<i32>} : memref<4096xf32, #tpu.memory_space<vmem>>, vector<128xf32>,
    %slice3A_292 = vector.extract_strided_slice %add3A_53 {offsets = [1920, 0], sizes = [128, 1], strides = [1, 1]} : vector<4096x1xf32> to vector<128x1xf32>
    %dot_general3A_293 = arith.constant dense<0.000000e+00> : vector<1x128xf32>
    %dot_general3A_294 = tpu.matmul %slice3A_292, %get3A_56, %dot_general3A_293 {dimension_numbers = #tpu.dot_dimension_numbers<[0], [0], [1], [1], [0, 1, 1, 1], [], []>, transpose_lhs_hint = false} : vector<128x1xf32>, vector<128x128xf32>, vector<1x128xf32> -> vector<1x128xf32>
    %reshape3A_295 = vector.shape_cast %dot_general3A_294 : vector<1x128xf32> to vector<128xf32>
    %neg3A_296 = arith.constant 0.000000e+00 : f32
    %neg3A_297 = vector.broadcast %neg3A_296 : f32 to vector<128xf32>
    %neg3A_298 = arith.subf %neg3A_297, %reshape3A_295 : vector<128xf32>
    %exp3A_299 = math.exp %neg3A_298 : vector<128xf32>
    %add3A_300 = arith.constant 1.000000e+00 : f32
    %add3A_301 = vector.broadcast %add3A_300 : f32 to vector<128xf32>
    %add3A_302 = arith.addf %add3A_301, %exp3A_299 : vector<128xf32>
    %div3A_303 = arith.constant 1.000000e+00 : f32
    %div3A_304 = vector.broadcast %div3A_303 : f32 to vector<128xf32>
    %div3A_305 = arith.divf %div3A_304, %add3A_302 : vector<128xf32>
    %swap3A_306 = arith.constant 1920 : index
    %swap3A_307 = vector.load %arg12[%swap3A_306] : memref<4096xf32, #tpu.memory_space<vmem>>, vector<128xf32>
    tpu.vector_store %arg12[%swap3A_306], %div3A_305 {strides = array<i32>} : memref<4096xf32, #tpu.memory_space<vmem>>, vector<128xf32>,
    %slice3A_308 = vector.extract_strided_slice %add3A_53 {offsets = [2048, 0], sizes = [128, 1], strides = [1, 1]} : vector<4096x1xf32> to vector<128x1xf32>
    %dot_general3A_309 = arith.constant dense<0.000000e+00> : vector<1x128xf32>
    %dot_general3A_310 = tpu.matmul %slice3A_308, %get3A_56, %dot_general3A_309 {dimension_numbers = #tpu.dot_dimension_numbers<[0], [0], [1], [1], [0, 1, 1, 1], [], []>, transpose_lhs_hint = false} : vector<128x1xf32>, vector<128x128xf32>, vector<1x128xf32> -> vector<1x128xf32>
    %reshape3A_311 = vector.shape_cast %dot_general3A_310 : vector<1x128xf32> to vector<128xf32>
    %neg3A_312 = arith.constant 0.000000e+00 : f32
    %neg3A_313 = vector.broadcast %neg3A_312 : f32 to vector<128xf32>
    %neg3A_314 = arith.subf %neg3A_313, %reshape3A_311 : vector<128xf32>
    %exp3A_315 = math.exp %neg3A_314 : vector<128xf32>
    %add3A_316 = arith.constant 1.000000e+00 : f32
    %add3A_317 = vector.broadcast %add3A_316 : f32 to vector<128xf32>
    %add3A_318 = arith.addf %add3A_317, %exp3A_315 : vector<128xf32>
    %div3A_319 = arith.constant 1.000000e+00 : f32
    %div3A_320 = vector.broadcast %div3A_319 : f32 to vector<128xf32>
    %div3A_321 = arith.divf %div3A_320, %add3A_318 : vector<128xf32>
    %swap3A_322 = arith.constant 2048 : index
    %swap3A_323 = vector.load %arg12[%swap3A_322] : memref<4096xf32, #tpu.memory_space<vmem>>, vector<128xf32>
    tpu.vector_store %arg12[%swap3A_322], %div3A_321 {strides = array<i32>} : memref<4096xf32, #tpu.memory_space<vmem>>, vector<128xf32>,
    %slice3A_324 = vector.extract_strided_slice %add3A_53 {offsets = [2176, 0], sizes = [128, 1], strides = [1, 1]} : vector<4096x1xf32> to vector<128x1xf32>
    %dot_general3A_325 = arith.constant dense<0.000000e+00> : vector<1x128xf32>
    %dot_general3A_326 = tpu.matmul %slice3A_324, %get3A_56, %dot_general3A_325 {dimension_numbers = #tpu.dot_dimension_numbers<[0], [0], [1], [1], [0, 1, 1, 1], [], []>, transpose_lhs_hint = false} : vector<128x1xf32>, vector<128x128xf32>, vector<1x128xf32> -> vector<1x128xf32>
    %reshape3A_327 = vector.shape_cast %dot_general3A_326 : vector<1x128xf32> to vector<128xf32>
    %neg3A_328 = arith.constant 0.000000e+00 : f32
    %neg3A_329 = vector.broadcast %neg3A_328 : f32 to vector<128xf32>
    %neg3A_330 = arith.subf %neg3A_329, %reshape3A_327 : vector<128xf32>
    %exp3A_331 = math.exp %neg3A_330 : vector<128xf32>
    %add3A_332 = arith.constant 1.000000e+00 : f32
    %add3A_333 = vector.broadcast %add3A_332 : f32 to vector<128xf32>
    %add3A_334 = arith.addf %add3A_333, %exp3A_331 : vector<128xf32>
    %div3A_335 = arith.constant 1.000000e+00 : f32
    %div3A_336 = vector.broadcast %div3A_335 : f32 to vector<128xf32>
    %div3A_337 = arith.divf %div3A_336, %add3A_334 : vector<128xf32>
    %swap3A_338 = arith.constant 2176 : index
    %swap3A_339 = vector.load %arg12[%swap3A_338] : memref<4096xf32, #tpu.memory_space<vmem>>, vector<128xf32>
    tpu.vector_store %arg12[%swap3A_338], %div3A_337 {strides = array<i32>} : memref<4096xf32, #tpu.memory_space<vmem>>, vector<128xf32>,
    %slice3A_340 = vector.extract_strided_slice %add3A_53 {offsets = [2304, 0], sizes = [128, 1], strides = [1, 1]} : vector<4096x1xf32> to vector<128x1xf32>
    %dot_general3A_341 = arith.constant dense<0.000000e+00> : vector<1x128xf32>
    %dot_general3A_342 = tpu.matmul %slice3A_340, %get3A_56, %dot_general3A_341 {dimension_numbers = #tpu.dot_dimension_numbers<[0], [0], [1], [1], [0, 1, 1, 1], [], []>, transpose_lhs_hint = false} : vector<128x1xf32>, vector<128x128xf32>, vector<1x128xf32> -> vector<1x128xf32>
    %reshape3A_343 = vector.shape_cast %dot_general3A_342 : vector<1x128xf32> to vector<128xf32>
    %neg3A_344 = arith.constant 0.000000e+00 : f32
    %neg3A_345 = vector.broadcast %neg3A_344 : f32 to vector<128xf32>
    %neg3A_346 = arith.subf %neg3A_345, %reshape3A_343 : vector<128xf32>
    %exp3A_347 = math.exp %neg3A_346 : vector<128xf32>
    %add3A_348 = arith.constant 1.000000e+00 : f32
    %add3A_349 = vector.broadcast %add3A_348 : f32 to vector<128xf32>
    %add3A_350 = arith.addf %add3A_349, %exp3A_347 : vector<128xf32>
    %div3A_351 = arith.constant 1.000000e+00 : f32
    %div3A_352 = vector.broadcast %div3A_351 : f32 to vector<128xf32>
    %div3A_353 = arith.divf %div3A_352, %add3A_350 : vector<128xf32>
    %swap3A_354 = arith.constant 2304 : index
    %swap3A_355 = vector.load %arg12[%swap3A_354] : memref<4096xf32, #tpu.memory_space<vmem>>, vector<128xf32>
    tpu.vector_store %arg12[%swap3A_354], %div3A_353 {strides = array<i32>} : memref<4096xf32, #tpu.memory_space<vmem>>, vector<128xf32>,
    %slice3A_356 = vector.extract_strided_slice %add3A_53 {offsets = [2432, 0], sizes = [128, 1], strides = [1, 1]} : vector<4096x1xf32> to vector<128x1xf32>
    %dot_general3A_357 = arith.constant dense<0.000000e+00> : vector<1x128xf32>
    %dot_general3A_358 = tpu.matmul %slice3A_356, %get3A_56, %dot_general3A_357 {dimension_numbers = #tpu.dot_dimension_numbers<[0], [0], [1], [1], [0, 1, 1, 1], [], []>, transpose_lhs_hint = false} : vector<128x1xf32>, vector<128x128xf32>, vector<1x128xf32> -> vector<1x128xf32>
    %reshape3A_359 = vector.shape_cast %dot_general3A_358 : vector<1x128xf32> to vector<128xf32>
    %neg3A_360 = arith.constant 0.000000e+00 : f32
    %neg3A_361 = vector.broadcast %neg3A_360 : f32 to vector<128xf32>
    %neg3A_362 = arith.subf %neg3A_361, %reshape3A_359 : vector<128xf32>
    %exp3A_363 = math.exp %neg3A_362 : vector<128xf32>
    %add3A_364 = arith.constant 1.000000e+00 : f32
    %add3A_365 = vector.broadcast %add3A_364 : f32 to vector<128xf32>
    %add3A_366 = arith.addf %add3A_365, %exp3A_363 : vector<128xf32>
    %div3A_367 = arith.constant 1.000000e+00 : f32
    %div3A_368 = vector.broadcast %div3A_367 : f32 to vector<128xf32>
    %div3A_369 = arith.divf %div3A_368, %add3A_366 : vector<128xf32>
    %swap3A_370 = arith.constant 2432 : index
    %swap3A_371 = vector.load %arg12[%swap3A_370] : memref<4096xf32, #tpu.memory_space<vmem>>, vector<128xf32>
    tpu.vector_store %arg12[%swap3A_370], %div3A_369 {strides = array<i32>} : memref<4096xf32, #tpu.memory_space<vmem>>, vector<128xf32>,
    %slice3A_372 = vector.extract_strided_slice %add3A_53 {offsets = [2560, 0], sizes = [128, 1], strides = [1, 1]} : vector<4096x1xf32> to vector<128x1xf32>
    %dot_general3A_373 = arith.constant dense<0.000000e+00> : vector<1x128xf32>
    %dot_general3A_374 = tpu.matmul %slice3A_372, %get3A_56, %dot_general3A_373 {dimension_numbers = #tpu.dot_dimension_numbers<[0], [0], [1], [1], [0, 1, 1, 1], [], []>, transpose_lhs_hint = false} : vector<128x1xf32>, vector<128x128xf32>, vector<1x128xf32> -> vector<1x128xf32>
    %reshape3A_375 = vector.shape_cast %dot_general3A_374 : vector<1x128xf32> to vector<128xf32>
    %neg3A_376 = arith.constant 0.000000e+00 : f32
    %neg3A_377 = vector.broadcast %neg3A_376 : f32 to vector<128xf32>
    %neg3A_378 = arith.subf %neg3A_377, %reshape3A_375 : vector<128xf32>
    %exp3A_379 = math.exp %neg3A_378 : vector<128xf32>
    %add3A_380 = arith.constant 1.000000e+00 : f32
    %add3A_381 = vector.broadcast %add3A_380 : f32 to vector<128xf32>
    %add3A_382 = arith.addf %add3A_381, %exp3A_379 : vector<128xf32>
    %div3A_383 = arith.constant 1.000000e+00 : f32
    %div3A_384 = vector.broadcast %div3A_383 : f32 to vector<128xf32>
    %div3A_385 = arith.divf %div3A_384, %add3A_382 : vector<128xf32>
    %swap3A_386 = arith.constant 2560 : index
    %swap3A_387 = vector.load %arg12[%swap3A_386] : memref<4096xf32, #tpu.memory_space<vmem>>, vector<128xf32>
    tpu.vector_store %arg12[%swap3A_386], %div3A_385 {strides = array<i32>} : memref<4096xf32, #tpu.memory_space<vmem>>, vector<128xf32>,
    %slice3A_388 = vector.extract_strided_slice %add3A_53 {offsets = [2688, 0], sizes = [128, 1], strides = [1, 1]} : vector<4096x1xf32> to vector<128x1xf32>
    %dot_general3A_389 = arith.constant dense<0.000000e+00> : vector<1x128xf32>
    %dot_general3A_390 = tpu.matmul %slice3A_388, %get3A_56, %dot_general3A_389 {dimension_numbers = #tpu.dot_dimension_numbers<[0], [0], [1], [1], [0, 1, 1, 1], [], []>, transpose_lhs_hint = false} : vector<128x1xf32>, vector<128x128xf32>, vector<1x128xf32> -> vector<1x128xf32>
    %reshape3A_391 = vector.shape_cast %dot_general3A_390 : vector<1x128xf32> to vector<128xf32>
    %neg3A_392 = arith.constant 0.000000e+00 : f32
    %neg3A_393 = vector.broadcast %neg3A_392 : f32 to vector<128xf32>
    %neg3A_394 = arith.subf %neg3A_393, %reshape3A_391 : vector<128xf32>
    %exp3A_395 = math.exp %neg3A_394 : vector<128xf32>
    %add3A_396 = arith.constant 1.000000e+00 : f32
    %add3A_397 = vector.broadcast %add3A_396 : f32 to vector<128xf32>
    %add3A_398 = arith.addf %add3A_397, %exp3A_395 : vector<128xf32>
    %div3A_399 = arith.constant 1.000000e+00 : f32
    %div3A_400 = vector.broadcast %div3A_399 : f32 to vector<128xf32>
    %div3A_401 = arith.divf %div3A_400, %add3A_398 : vector<128xf32>
    %swap3A_402 = arith.constant 2688 : index
    %swap3A_403 = vector.load %arg12[%swap3A_402] : memref<4096xf32, #tpu.memory_space<vmem>>, vector<128xf32>
    tpu.vector_store %arg12[%swap3A_402], %div3A_401 {strides = array<i32>} : memref<4096xf32, #tpu.memory_space<vmem>>, vector<128xf32>,
    %slice3A_404 = vector.extract_strided_slice %add3A_53 {offsets = [2816, 0], sizes = [128, 1], strides = [1, 1]} : vector<4096x1xf32> to vector<128x1xf32>
    %dot_general3A_405 = arith.constant dense<0.000000e+00> : vector<1x128xf32>
    %dot_general3A_406 = tpu.matmul %slice3A_404, %get3A_56, %dot_general3A_405 {dimension_numbers = #tpu.dot_dimension_numbers<[0], [0], [1], [1], [0, 1, 1, 1], [], []>, transpose_lhs_hint = false} : vector<128x1xf32>, vector<128x128xf32>, vector<1x128xf32> -> vector<1x128xf32>
    %reshape3A_407 = vector.shape_cast %dot_general3A_406 : vector<1x128xf32> to vector<128xf32>
    %neg3A_408 = arith.constant 0.000000e+00 : f32
    %neg3A_409 = vector.broadcast %neg3A_408 : f32 to vector<128xf32>
    %neg3A_410 = arith.subf %neg3A_409, %reshape3A_407 : vector<128xf32>
    %exp3A_411 = math.exp %neg3A_410 : vector<128xf32>
    %add3A_412 = arith.constant 1.000000e+00 : f32
    %add3A_413 = vector.broadcast %add3A_412 : f32 to vector<128xf32>
    %add3A_414 = arith.addf %add3A_413, %exp3A_411 : vector<128xf32>
    %div3A_415 = arith.constant 1.000000e+00 : f32
    %div3A_416 = vector.broadcast %div3A_415 : f32 to vector<128xf32>
    %div3A_417 = arith.divf %div3A_416, %add3A_414 : vector<128xf32>
    %swap3A_418 = arith.constant 2816 : index
    %swap3A_419 = vector.load %arg12[%swap3A_418] : memref<4096xf32, #tpu.memory_space<vmem>>, vector<128xf32>
    tpu.vector_store %arg12[%swap3A_418], %div3A_417 {strides = array<i32>} : memref<4096xf32, #tpu.memory_space<vmem>>, vector<128xf32>,
    %slice3A_420 = vector.extract_strided_slice %add3A_53 {offsets = [2944, 0], sizes = [128, 1], strides = [1, 1]} : vector<4096x1xf32> to vector<128x1xf32>
    %dot_general3A_421 = arith.constant dense<0.000000e+00> : vector<1x128xf32>
    %dot_general3A_422 = tpu.matmul %slice3A_420, %get3A_56, %dot_general3A_421 {dimension_numbers = #tpu.dot_dimension_numbers<[0], [0], [1], [1], [0, 1, 1, 1], [], []>, transpose_lhs_hint = false} : vector<128x1xf32>, vector<128x128xf32>, vector<1x128xf32> -> vector<1x128xf32>
    %reshape3A_423 = vector.shape_cast %dot_general3A_422 : vector<1x128xf32> to vector<128xf32>
    %neg3A_424 = arith.constant 0.000000e+00 : f32
    %neg3A_425 = vector.broadcast %neg3A_424 : f32 to vector<128xf32>
    %neg3A_426 = arith.subf %neg3A_425, %reshape3A_423 : vector<128xf32>
    %exp3A_427 = math.exp %neg3A_426 : vector<128xf32>
    %add3A_428 = arith.constant 1.000000e+00 : f32
    %add3A_429 = vector.broadcast %add3A_428 : f32 to vector<128xf32>
    %add3A_430 = arith.addf %add3A_429, %exp3A_427 : vector<128xf32>
    %div3A_431 = arith.constant 1.000000e+00 : f32
    %div3A_432 = vector.broadcast %div3A_431 : f32 to vector<128xf32>
    %div3A_433 = arith.divf %div3A_432, %add3A_430 : vector<128xf32>
    %swap3A_434 = arith.constant 2944 : index
    %swap3A_435 = vector.load %arg12[%swap3A_434] : memref<4096xf32, #tpu.memory_space<vmem>>, vector<128xf32>
    tpu.vector_store %arg12[%swap3A_434], %div3A_433 {strides = array<i32>} : memref<4096xf32, #tpu.memory_space<vmem>>, vector<128xf32>,
    %slice3A_436 = vector.extract_strided_slice %add3A_53 {offsets = [3072, 0], sizes = [128, 1], strides = [1, 1]} : vector<4096x1xf32> to vector<128x1xf32>
    %dot_general3A_437 = arith.constant dense<0.000000e+00> : vector<1x128xf32>
    %dot_general3A_438 = tpu.matmul %slice3A_436, %get3A_56, %dot_general3A_437 {dimension_numbers = #tpu.dot_dimension_numbers<[0], [0], [1], [1], [0, 1, 1, 1], [], []>, transpose_lhs_hint = false} : vector<128x1xf32>, vector<128x128xf32>, vector<1x128xf32> -> vector<1x128xf32>
    %reshape3A_439 = vector.shape_cast %dot_general3A_438 : vector<1x128xf32> to vector<128xf32>
    %neg3A_440 = arith.constant 0.000000e+00 : f32
    %neg3A_441 = vector.broadcast %neg3A_440 : f32 to vector<128xf32>
    %neg3A_442 = arith.subf %neg3A_441, %reshape3A_439 : vector<128xf32>
    %exp3A_443 = math.exp %neg3A_442 : vector<128xf32>
    %add3A_444 = arith.constant 1.000000e+00 : f32
    %add3A_445 = vector.broadcast %add3A_444 : f32 to vector<128xf32>
    %add3A_446 = arith.addf %add3A_445, %exp3A_443 : vector<128xf32>
    %div3A_447 = arith.constant 1.000000e+00 : f32
    %div3A_448 = vector.broadcast %div3A_447 : f32 to vector<128xf32>
    %div3A_449 = arith.divf %div3A_448, %add3A_446 : vector<128xf32>
    %swap3A_450 = arith.constant 3072 : index
    %swap3A_451 = vector.load %arg12[%swap3A_450] : memref<4096xf32, #tpu.memory_space<vmem>>, vector<128xf32>
    tpu.vector_store %arg12[%swap3A_450], %div3A_449 {strides = array<i32>} : memref<4096xf32, #tpu.memory_space<vmem>>, vector<128xf32>,
    %slice3A_452 = vector.extract_strided_slice %add3A_53 {offsets = [3200, 0], sizes = [128, 1], strides = [1, 1]} : vector<4096x1xf32> to vector<128x1xf32>
    %dot_general3A_453 = arith.constant dense<0.000000e+00> : vector<1x128xf32>
    %dot_general3A_454 = tpu.matmul %slice3A_452, %get3A_56, %dot_general3A_453 {dimension_numbers = #tpu.dot_dimension_numbers<[0], [0], [1], [1], [0, 1, 1, 1], [], []>, transpose_lhs_hint = false} : vector<128x1xf32>, vector<128x128xf32>, vector<1x128xf32> -> vector<1x128xf32>
    %reshape3A_455 = vector.shape_cast %dot_general3A_454 : vector<1x128xf32> to vector<128xf32>
    %neg3A_456 = arith.constant 0.000000e+00 : f32
    %neg3A_457 = vector.broadcast %neg3A_456 : f32 to vector<128xf32>
    %neg3A_458 = arith.subf %neg3A_457, %reshape3A_455 : vector<128xf32>
    %exp3A_459 = math.exp %neg3A_458 : vector<128xf32>
    %add3A_460 = arith.constant 1.000000e+00 : f32
    %add3A_461 = vector.broadcast %add3A_460 : f32 to vector<128xf32>
    %add3A_462 = arith.addf %add3A_461, %exp3A_459 : vector<128xf32>
    %div3A_463 = arith.constant 1.000000e+00 : f32
    %div3A_464 = vector.broadcast %div3A_463 : f32 to vector<128xf32>
    %div3A_465 = arith.divf %div3A_464, %add3A_462 : vector<128xf32>
    %swap3A_466 = arith.constant 3200 : index
    %swap3A_467 = vector.load %arg12[%swap3A_466] : memref<4096xf32, #tpu.memory_space<vmem>>, vector<128xf32>
    tpu.vector_store %arg12[%swap3A_466], %div3A_465 {strides = array<i32>} : memref<4096xf32, #tpu.memory_space<vmem>>, vector<128xf32>,
    %slice3A_468 = vector.extract_strided_slice %add3A_53 {offsets = [3328, 0], sizes = [128, 1], strides = [1, 1]} : vector<4096x1xf32> to vector<128x1xf32>
    %dot_general3A_469 = arith.constant dense<0.000000e+00> : vector<1x128xf32>
    %dot_general3A_470 = tpu.matmul %slice3A_468, %get3A_56, %dot_general3A_469 {dimension_numbers = #tpu.dot_dimension_numbers<[0], [0], [1], [1], [0, 1, 1, 1], [], []>, transpose_lhs_hint = false} : vector<128x1xf32>, vector<128x128xf32>, vector<1x128xf32> -> vector<1x128xf32>
    %reshape3A_471 = vector.shape_cast %dot_general3A_470 : vector<1x128xf32> to vector<128xf32>
    %neg3A_472 = arith.constant 0.000000e+00 : f32
    %neg3A_473 = vector.broadcast %neg3A_472 : f32 to vector<128xf32>
    %neg3A_474 = arith.subf %neg3A_473, %reshape3A_471 : vector<128xf32>
    %exp3A_475 = math.exp %neg3A_474 : vector<128xf32>
    %add3A_476 = arith.constant 1.000000e+00 : f32
    %add3A_477 = vector.broadcast %add3A_476 : f32 to vector<128xf32>
    %add3A_478 = arith.addf %add3A_477, %exp3A_475 : vector<128xf32>
    %div3A_479 = arith.constant 1.000000e+00 : f32
    %div3A_480 = vector.broadcast %div3A_479 : f32 to vector<128xf32>
    %div3A_481 = arith.divf %div3A_480, %add3A_478 : vector<128xf32>
    %swap3A_482 = arith.constant 3328 : index
    %swap3A_483 = vector.load %arg12[%swap3A_482] : memref<4096xf32, #tpu.memory_space<vmem>>, vector<128xf32>
    tpu.vector_store %arg12[%swap3A_482], %div3A_481 {strides = array<i32>} : memref<4096xf32, #tpu.memory_space<vmem>>, vector<128xf32>,
    %slice3A_484 = vector.extract_strided_slice %add3A_53 {offsets = [3456, 0], sizes = [128, 1], strides = [1, 1]} : vector<4096x1xf32> to vector<128x1xf32>
    %dot_general3A_485 = arith.constant dense<0.000000e+00> : vector<1x128xf32>
    %dot_general3A_486 = tpu.matmul %slice3A_484, %get3A_56, %dot_general3A_485 {dimension_numbers = #tpu.dot_dimension_numbers<[0], [0], [1], [1], [0, 1, 1, 1], [], []>, transpose_lhs_hint = false} : vector<128x1xf32>, vector<128x128xf32>, vector<1x128xf32> -> vector<1x128xf32>
    %reshape3A_487 = vector.shape_cast %dot_general3A_486 : vector<1x128xf32> to vector<128xf32>
    %neg3A_488 = arith.constant 0.000000e+00 : f32
    %neg3A_489 = vector.broadcast %neg3A_488 : f32 to vector<128xf32>
    %neg3A_490 = arith.subf %neg3A_489, %reshape3A_487 : vector<128xf32>
    %exp3A_491 = math.exp %neg3A_490 : vector<128xf32>
    %add3A_492 = arith.constant 1.000000e+00 : f32
    %add3A_493 = vector.broadcast %add3A_492 : f32 to vector<128xf32>
    %add3A_494 = arith.addf %add3A_493, %exp3A_491 : vector<128xf32>
    %div3A_495 = arith.constant 1.000000e+00 : f32
    %div3A_496 = vector.broadcast %div3A_495 : f32 to vector<128xf32>
    %div3A_497 = arith.divf %div3A_496, %add3A_494 : vector<128xf32>
    %swap3A_498 = arith.constant 3456 : index
    %swap3A_499 = vector.load %arg12[%swap3A_498] : memref<4096xf32, #tpu.memory_space<vmem>>, vector<128xf32>
    tpu.vector_store %arg12[%swap3A_498], %div3A_497 {strides = array<i32>} : memref<4096xf32, #tpu.memory_space<vmem>>, vector<128xf32>,
    %slice3A_500 = vector.extract_strided_slice %add3A_53 {offsets = [3584, 0], sizes = [128, 1], strides = [1, 1]} : vector<4096x1xf32> to vector<128x1xf32>
    %dot_general3A_501 = arith.constant dense<0.000000e+00> : vector<1x128xf32>
    %dot_general3A_502 = tpu.matmul %slice3A_500, %get3A_56, %dot_general3A_501 {dimension_numbers = #tpu.dot_dimension_numbers<[0], [0], [1], [1], [0, 1, 1, 1], [], []>, transpose_lhs_hint = false} : vector<128x1xf32>, vector<128x128xf32>, vector<1x128xf32> -> vector<1x128xf32>
    %reshape3A_503 = vector.shape_cast %dot_general3A_502 : vector<1x128xf32> to vector<128xf32>
    %neg3A_504 = arith.constant 0.000000e+00 : f32
    %neg3A_505 = vector.broadcast %neg3A_504 : f32 to vector<128xf32>
    %neg3A_506 = arith.subf %neg3A_505, %reshape3A_503 : vector<128xf32>
    %exp3A_507 = math.exp %neg3A_506 : vector<128xf32>
    %add3A_508 = arith.constant 1.000000e+00 : f32
    %add3A_509 = vector.broadcast %add3A_508 : f32 to vector<128xf32>
    %add3A_510 = arith.addf %add3A_509, %exp3A_507 : vector<128xf32>
    %div3A_511 = arith.constant 1.000000e+00 : f32
    %div3A_512 = vector.broadcast %div3A_511 : f32 to vector<128xf32>
    %div3A_513 = arith.divf %div3A_512, %add3A_510 : vector<128xf32>
    %swap3A_514 = arith.constant 3584 : index
    %swap3A_515 = vector.load %arg12[%swap3A_514] : memref<4096xf32, #tpu.memory_space<vmem>>, vector<128xf32>
    tpu.vector_store %arg12[%swap3A_514], %div3A_513 {strides = array<i32>} : memref<4096xf32, #tpu.memory_space<vmem>>, vector<128xf32>,
    %slice3A_516 = vector.extract_strided_slice %add3A_53 {offsets = [3712, 0], sizes = [128, 1], strides = [1, 1]} : vector<4096x1xf32> to vector<128x1xf32>
    %dot_general3A_517 = arith.constant dense<0.000000e+00> : vector<1x128xf32>
    %dot_general3A_518 = tpu.matmul %slice3A_516, %get3A_56, %dot_general3A_517 {dimension_numbers = #tpu.dot_dimension_numbers<[0], [0], [1], [1], [0, 1, 1, 1], [], []>, transpose_lhs_hint = false} : vector<128x1xf32>, vector<128x128xf32>, vector<1x128xf32> -> vector<1x128xf32>
    %reshape3A_519 = vector.shape_cast %dot_general3A_518 : vector<1x128xf32> to vector<128xf32>
    %neg3A_520 = arith.constant 0.000000e+00 : f32
    %neg3A_521 = vector.broadcast %neg3A_520 : f32 to vector<128xf32>
    %neg3A_522 = arith.subf %neg3A_521, %reshape3A_519 : vector<128xf32>
    %exp3A_523 = math.exp %neg3A_522 : vector<128xf32>
    %add3A_524 = arith.constant 1.000000e+00 : f32
    %add3A_525 = vector.broadcast %add3A_524 : f32 to vector<128xf32>
    %add3A_526 = arith.addf %add3A_525, %exp3A_523 : vector<128xf32>
    %div3A_527 = arith.constant 1.000000e+00 : f32
    %div3A_528 = vector.broadcast %div3A_527 : f32 to vector<128xf32>
    %div3A_529 = arith.divf %div3A_528, %add3A_526 : vector<128xf32>
    %swap3A_530 = arith.constant 3712 : index
    %swap3A_531 = vector.load %arg12[%swap3A_530] : memref<4096xf32, #tpu.memory_space<vmem>>, vector<128xf32>
    tpu.vector_store %arg12[%swap3A_530], %div3A_529 {strides = array<i32>} : memref<4096xf32, #tpu.memory_space<vmem>>, vector<128xf32>,
    %slice3A_532 = vector.extract_strided_slice %add3A_53 {offsets = [3840, 0], sizes = [128, 1], strides = [1, 1]} : vector<4096x1xf32> to vector<128x1xf32>
    %dot_general3A_533 = arith.constant dense<0.000000e+00> : vector<1x128xf32>
    %dot_general3A_534 = tpu.matmul %slice3A_532, %get3A_56, %dot_general3A_533 {dimension_numbers = #tpu.dot_dimension_numbers<[0], [0], [1], [1], [0, 1, 1, 1], [], []>, transpose_lhs_hint = false} : vector<128x1xf32>, vector<128x128xf32>, vector<1x128xf32> -> vector<1x128xf32>
    %reshape3A_535 = vector.shape_cast %dot_general3A_534 : vector<1x128xf32> to vector<128xf32>
    %neg3A_536 = arith.constant 0.000000e+00 : f32
    %neg3A_537 = vector.broadcast %neg3A_536 : f32 to vector<128xf32>
    %neg3A_538 = arith.subf %neg3A_537, %reshape3A_535 : vector<128xf32>
    %exp3A_539 = math.exp %neg3A_538 : vector<128xf32>
    %add3A_540 = arith.constant 1.000000e+00 : f32
    %add3A_541 = vector.broadcast %add3A_540 : f32 to vector<128xf32>
    %add3A_542 = arith.addf %add3A_541, %exp3A_539 : vector<128xf32>
    %div3A_543 = arith.constant 1.000000e+00 : f32
    %div3A_544 = vector.broadcast %div3A_543 : f32 to vector<128xf32>
    %div3A_545 = arith.divf %div3A_544, %add3A_542 : vector<128xf32>
    %swap3A_546 = arith.constant 3840 : index
    %swap3A_547 = vector.load %arg12[%swap3A_546] : memref<4096xf32, #tpu.memory_space<vmem>>, vector<128xf32>
    tpu.vector_store %arg12[%swap3A_546], %div3A_545 {strides = array<i32>} : memref<4096xf32, #tpu.memory_space<vmem>>, vector<128xf32>,
    %slice3A_548 = vector.extract_strided_slice %add3A_53 {offsets = [3968, 0], sizes = [128, 1], strides = [1, 1]} : vector<4096x1xf32> to vector<128x1xf32>
    %dot_general3A_549 = arith.constant dense<0.000000e+00> : vector<1x128xf32>
    %dot_general3A_550 = tpu.matmul %slice3A_548, %get3A_56, %dot_general3A_549 {dimension_numbers = #tpu.dot_dimension_numbers<[0], [0], [1], [1], [0, 1, 1, 1], [], []>, transpose_lhs_hint = false} : vector<128x1xf32>, vector<128x128xf32>, vector<1x128xf32> -> vector<1x128xf32>
    %reshape3A_551 = vector.shape_cast %dot_general3A_550 : vector<1x128xf32> to vector<128xf32>
    %neg3A_552 = arith.constant 0.000000e+00 : f32
    %neg3A_553 = vector.broadcast %neg3A_552 : f32 to vector<128xf32>
    %neg3A_554 = arith.subf %neg3A_553, %reshape3A_551 : vector<128xf32>
    %exp3A_555 = math.exp %neg3A_554 : vector<128xf32>
    %add3A_556 = arith.constant 1.000000e+00 : f32
    %add3A_557 = vector.broadcast %add3A_556 : f32 to vector<128xf32>
    %add3A_558 = arith.addf %add3A_557, %exp3A_555 : vector<128xf32>
    %div3A_559 = arith.constant 1.000000e+00 : f32
    %div3A_560 = vector.broadcast %div3A_559 : f32 to vector<128xf32>
    %div3A_561 = arith.divf %div3A_560, %add3A_558 : vector<128xf32>
    %swap3A_562 = arith.constant 3968 : index
    %swap3A_563 = vector.load %arg12[%swap3A_562] : memref<4096xf32, #tpu.memory_space<vmem>>, vector<128xf32>
    tpu.vector_store %arg12[%swap3A_562], %div3A_561 {strides = array<i32>} : memref<4096xf32, #tpu.memory_space<vmem>>, vector<128xf32>,
    return
  }
  func.func @transform_0(%arg0: i32) -> (i32, i32) {
    %add3A = arith.constant 0 : i32
    %add3A_0 = arith.addi %arg0, %add3A : i32
    %c0_i32 = arith.constant 0 : i32
    %c0_i32_1 = arith.constant 0 : i32
    return %add3A_0, %c0_i32 : i32, i32
  }
  func.func @transform_1(%arg0: i32) -> (i32, i32) {
    %c0_i32 = arith.constant 0 : i32
    %c0_i32_0 = arith.constant 0 : i32
    return %arg0, %c0_i32 : i32, i32
  }
  func.func @transform_2(%arg0: i32) -> (i32, i32) {
    %c0_i32 = arith.constant 0 : i32
    %c0_i32_0 = arith.constant 0 : i32
    %c0_i32_1 = arith.constant 0 : i32
    return %c0_i32, %c0_i32_0 : i32, i32
  }
  func.func @transform_3(%arg0: i32) -> (i32, i32) {
    %c0_i32 = arith.constant 0 : i32
    %c0_i32_0 = arith.constant 0 : i32
    %c0_i32_1 = arith.constant 0 : i32
    return %c0_i32, %c0_i32_0 : i32, i32
  }
  func.func @transform_4(%arg0: i32) -> (i32, i32) {
    %c0_i32 = arith.constant 0 : i32
    %c0_i32_0 = arith.constant 0 : i32
    %c0_i32_1 = arith.constant 0 : i32
    return %c0_i32, %c0_i32_0 : i32, i32
  }
  func.func @transform_5(%arg0: i32) -> (i32, i32) {
    %c0_i32 = arith.constant 0 : i32
    %c0_i32_0 = arith.constant 0 : i32
    %c0_i32_1 = arith.constant 0 : i32
    return %c0_i32, %c0_i32_0 : i32, i32
  }
  func.func @transform_6(%arg0: i32) -> (i32, i32) {
    %c0_i32 = arith.constant 0 : i32
    %c0_i32_0 = arith.constant 0 : i32
    %c0_i32_1 = arith.constant 0 : i32
    return %c0_i32, %c0_i32_0 : i32, i32
  }
  func.func @transform_7(%arg0: i32) -> (i32, i32) {
    %c0_i32 = arith.constant 0 : i32
    %c0_i32_0 = arith.constant 0 : i32
    %c0_i32_1 = arith.constant 0 : i32
    return %c0_i32, %c0_i32_0 : i32, i32
  }
  func.func @transform_8(%arg0: i32) -> (i32, i32) {
    %c0_i32 = arith.constant 0 : i32
    %c0_i32_0 = arith.constant 0 : i32
    %c0_i32_1 = arith.constant 0 : i32
    return %c0_i32, %c0_i32_0 : i32, i32
  }
  func.func @transform_9(%arg0: i32) -> (i32, i32) {
    %c0_i32 = arith.constant 0 : i32
    %c0_i32_0 = arith.constant 0 : i32
    %c0_i32_1 = arith.constant 0 : i32
    return %c0_i32, %c0_i32_0 : i32, i32
  }
  func.func @transform_10(%arg0: i32) -> (i32, i32) {
    %c0_i32 = arith.constant 0 : i32
    %c0_i32_0 = arith.constant 0 : i32
    %c0_i32_1 = arith.constant 0 : i32
    return %c0_i32, %c0_i32_0 : i32, i32
  }
  func.func @transform_11(%arg0: i32) -> i32 {
    %c0_i32 = arith.constant 0 : i32
    return %arg0 : i32
  }
}

module attributes {stable_mosaic.version = 14 : i64} {
  func.func @_dense_body(%arg0: i32, %arg1: memref<4096x128xf32, #tpu.memory_space<vmem>>, %arg2: memref<4096x128xf32, #tpu.memory_space<vmem>>, %arg3: memref<64x64xf32, #tpu.memory_space<vmem>>, %arg4: memref<64x64xf32, #tpu.memory_space<vmem>>, %arg5: memref<1x64xf32, #tpu.memory_space<vmem>>, %arg6: memref<64x32xf32, #tpu.memory_space<vmem>>, %arg7: memref<1x32xf32, #tpu.memory_space<vmem>>, %arg8: memref<64x1xf32, #tpu.memory_space<vmem>>, %arg9: memref<32x1xf32, #tpu.memory_space<vmem>>, %arg10: memref<1x1xf32, #tpu.memory_space<vmem>>, %arg11: memref<128x128xf32, #tpu.memory_space<vmem>>, %arg12: memref<4096xf32, #tpu.memory_space<vmem>>) attributes {dimension_semantics = [#tpu.dimension_semantics<arbitrary>], iteration_bounds = array<i64: 2>, scalar_prefetch = 0 : i64, scratch_operands = 0 : i64, tpu.core_type = #tpu.core_type<tc>, window_params = [{transform_indices = @transform_0, window_bounds = array<i64: 4096, 128>}, {transform_indices = @transform_1, window_bounds = array<i64: 4096, 128>}, {pipeline_mode = #tpu.pipeline_mode<synchronous>, transform_indices = @transform_2, window_bounds = array<i64: 64, 64>}, {pipeline_mode = #tpu.pipeline_mode<synchronous>, transform_indices = @transform_3, window_bounds = array<i64: 64, 64>}, {pipeline_mode = #tpu.pipeline_mode<synchronous>, transform_indices = @transform_4, window_bounds = array<i64: 1, 64>}, {pipeline_mode = #tpu.pipeline_mode<synchronous>, transform_indices = @transform_5, window_bounds = array<i64: 64, 32>}, {pipeline_mode = #tpu.pipeline_mode<synchronous>, transform_indices = @transform_6, window_bounds = array<i64: 1, 32>}, {pipeline_mode = #tpu.pipeline_mode<synchronous>, transform_indices = @transform_7, window_bounds = array<i64: 64, 1>}, {pipeline_mode = #tpu.pipeline_mode<synchronous>, transform_indices = @transform_8, window_bounds = array<i64: 32, 1>}, {pipeline_mode = #tpu.pipeline_mode<synchronous>, transform_indices = @transform_9, window_bounds = array<i64: 1, 1>}, {pipeline_mode = #tpu.pipeline_mode<synchronous>, transform_indices = @transform_10, window_bounds = array<i64: 128, 128>}, {transform_indices = @transform_11, window_bounds = array<i64: 4096>}]} {
    %get3A = arith.constant 0 : index
    %get3A_0 = arith.constant 0 : index
    %get3A_1 = vector.load %arg1[%get3A, %get3A_0] : memref<4096x128xf32, #tpu.memory_space<vmem>>, vector<4096x128xf32>
    %get3A_2 = arith.constant 0 : index
    %get3A_3 = arith.constant 0 : index
    %get3A_4 = vector.load %arg2[%get3A_2, %get3A_3] : memref<4096x128xf32, #tpu.memory_space<vmem>>, vector<4096x128xf32>
    %slice3A = vector.extract_strided_slice %get3A_1 {offsets = [0, 0], sizes = [4096, 64], strides = [1, 1]} : vector<4096x128xf32> to vector<4096x64xf32>
    %slice3A_5 = vector.extract_strided_slice %get3A_4 {offsets = [0, 0], sizes = [4096, 64], strides = [1, 1]} : vector<4096x128xf32> to vector<4096x64xf32>
    %mul3A = arith.mulf %slice3A, %slice3A_5 : vector<4096x64xf32>
    %slice3A_6 = vector.extract_strided_slice %get3A_1 {offsets = [0, 64], sizes = [4096, 64], strides = [1, 1]} : vector<4096x128xf32> to vector<4096x64xf32>
    %get3A_7 = arith.constant 0 : index
    %get3A_8 = arith.constant 0 : index
    %get3A_9 = vector.load %arg3[%get3A_7, %get3A_8] : memref<64x64xf32, #tpu.memory_space<vmem>>, vector<64x64xf32>
    %dot_general3A = arith.constant dense<0.000000e+00> : vector<4096x64xf32>
    %dot_general3A_10 = tpu.matmul %slice3A_6, %get3A_9, %dot_general3A {dimension_numbers = #tpu.dot_dimension_numbers<[1], [0], [0], [1], [0, 0, 1, 1], [], []>, transpose_lhs_hint = false} : vector<4096x64xf32>, vector<64x64xf32>, vector<4096x64xf32> -> vector<4096x64xf32>
    %slice3A_11 = vector.extract_strided_slice %get3A_4 {offsets = [0, 64], sizes = [4096, 64], strides = [1, 1]} : vector<4096x128xf32> to vector<4096x64xf32>
    %get3A_12 = arith.constant 0 : index
    %get3A_13 = arith.constant 0 : index
    %get3A_14 = vector.load %arg4[%get3A_12, %get3A_13] : memref<64x64xf32, #tpu.memory_space<vmem>>, vector<64x64xf32>
    %dot_general3A_15 = arith.constant dense<0.000000e+00> : vector<4096x64xf32>
    %dot_general3A_16 = tpu.matmul %slice3A_11, %get3A_14, %dot_general3A_15 {dimension_numbers = #tpu.dot_dimension_numbers<[1], [0], [0], [1], [0, 0, 1, 1], [], []>, transpose_lhs_hint = false} : vector<4096x64xf32>, vector<64x64xf32>, vector<4096x64xf32> -> vector<4096x64xf32>
    %add3A = arith.addf %dot_general3A_10, %dot_general3A_16 : vector<4096x64xf32>
    %get3A_17 = arith.constant 0 : index
    %get3A_18 = arith.constant 0 : index
    %get3A_19 = vector.load %arg5[%get3A_17, %get3A_18] : memref<1x64xf32, #tpu.memory_space<vmem>>, vector<1x64xf32>
    %add3A_20 = vector.broadcast %get3A_19 : vector<1x64xf32> to vector<4096x64xf32>
    %add3A_21 = arith.addf %add3A, %add3A_20 : vector<4096x64xf32>
    %max3A = arith.constant 0.000000e+00 : f32
    %max3A_22 = vector.broadcast %max3A : f32 to vector<4096x64xf32>
    %max3A_23 = arith.maximumf %add3A_21, %max3A_22 : vector<4096x64xf32>
    %get3A_24 = arith.constant 0 : index
    %get3A_25 = arith.constant 0 : index
    %get3A_26 = vector.load %arg6[%get3A_24, %get3A_25] : memref<64x32xf32, #tpu.memory_space<vmem>>, vector<64x32xf32>
    %dot_general3A_27 = arith.constant dense<0.000000e+00> : vector<4096x32xf32>
    %dot_general3A_28 = tpu.matmul %max3A_23, %get3A_26, %dot_general3A_27 {dimension_numbers = #tpu.dot_dimension_numbers<[1], [0], [0], [1], [0, 0, 1, 1], [], []>, transpose_lhs_hint = false} : vector<4096x64xf32>, vector<64x32xf32>, vector<4096x32xf32> -> vector<4096x32xf32>
    %get3A_29 = arith.constant 0 : index
    %get3A_30 = arith.constant 0 : index
    %get3A_31 = vector.load %arg7[%get3A_29, %get3A_30] : memref<1x32xf32, #tpu.memory_space<vmem>>, vector<1x32xf32>
    %add3A_32 = vector.broadcast %get3A_31 : vector<1x32xf32> to vector<4096x32xf32>
    %add3A_33 = arith.addf %dot_general3A_28, %add3A_32 : vector<4096x32xf32>
    %max3A_34 = arith.constant 0.000000e+00 : f32
    %max3A_35 = vector.broadcast %max3A_34 : f32 to vector<4096x32xf32>
    %max3A_36 = arith.maximumf %add3A_33, %max3A_35 : vector<4096x32xf32>
    %get3A_37 = arith.constant 0 : index
    %get3A_38 = arith.constant 0 : index
    %get3A_39 = vector.load %arg8[%get3A_37, %get3A_38] : memref<64x1xf32, #tpu.memory_space<vmem>>, vector<64x1xf32>
    %dot_general3A_40 = arith.constant dense<0.000000e+00> : vector<4096x1xf32>
    %dot_general3A_41 = tpu.matmul %mul3A, %get3A_39, %dot_general3A_40 {dimension_numbers = #tpu.dot_dimension_numbers<[1], [0], [0], [1], [0, 0, 1, 1], [], []>, transpose_lhs_hint = false} : vector<4096x64xf32>, vector<64x1xf32>, vector<4096x1xf32> -> vector<4096x1xf32>
    %get3A_42 = arith.constant 0 : index
    %get3A_43 = arith.constant 0 : index
    %get3A_44 = vector.load %arg9[%get3A_42, %get3A_43] : memref<32x1xf32, #tpu.memory_space<vmem>>, vector<32x1xf32>
    %dot_general3A_45 = arith.constant dense<0.000000e+00> : vector<4096x1xf32>
    %dot_general3A_46 = tpu.matmul %max3A_36, %get3A_44, %dot_general3A_45 {dimension_numbers = #tpu.dot_dimension_numbers<[1], [0], [0], [1], [0, 0, 1, 1], [], []>, transpose_lhs_hint = false} : vector<4096x32xf32>, vector<32x1xf32>, vector<4096x1xf32> -> vector<4096x1xf32>
    %add3A_47 = arith.addf %dot_general3A_41, %dot_general3A_46 : vector<4096x1xf32>
    %get3A_48 = arith.constant 0 : index
    %get3A_49 = arith.constant 0 : index
    %get3A_50 = vector.load %arg10[%get3A_48, %get3A_49] : memref<1x1xf32, #tpu.memory_space<vmem>>, vector<1x1xf32>
    %get3A_51 = vector.extract %get3A_50[0, 0] : f32 from vector<1x1xf32>
    %add3A_52 = vector.broadcast %get3A_51 : f32 to vector<4096x1xf32>
    %add3A_53 = arith.addf %add3A_47, %add3A_52 : vector<4096x1xf32>
    %get3A_54 = arith.constant 0 : index
    %get3A_55 = arith.constant 0 : index
    %get3A_56 = vector.load %arg11[%get3A_54, %get3A_55] : memref<128x128xf32, #tpu.memory_space<vmem>>, vector<128x128xf32>
    %slice3A_57 = vector.extract_strided_slice %add3A_53 {offsets = [0, 0], sizes = [128, 1], strides = [1, 1]} : vector<4096x1xf32> to vector<128x1xf32>
    %dot_general3A_58 = arith.constant dense<0.000000e+00> : vector<1x128xf32>
    %dot_general3A_59 = tpu.matmul %slice3A_57, %get3A_56, %dot_general3A_58 {dimension_numbers = #tpu.dot_dimension_numbers<[0], [0], [1], [1], [0, 1, 1, 1], [], []>, transpose_lhs_hint = false} : vector<128x1xf32>, vector<128x128xf32>, vector<1x128xf32> -> vector<1x128xf32>
    %reshape3A = vector.shape_cast %dot_general3A_59 : vector<1x128xf32> to vector<128xf32>
    %neg3A = arith.constant 0.000000e+00 : f32
    %neg3A_60 = vector.broadcast %neg3A : f32 to vector<128xf32>
    %neg3A_61 = arith.subf %neg3A_60, %reshape3A : vector<128xf32>
    %exp3A = math.exp %neg3A_61 : vector<128xf32>
    %add3A_62 = arith.constant 1.000000e+00 : f32
    %add3A_63 = vector.broadcast %add3A_62 : f32 to vector<128xf32>
    %add3A_64 = arith.addf %add3A_63, %exp3A : vector<128xf32>
    %div3A = arith.constant 1.000000e+00 : f32
    %div3A_65 = vector.broadcast %div3A : f32 to vector<128xf32>
    %div3A_66 = arith.divf %div3A_65, %add3A_64 : vector<128xf32>
    %swap3A = arith.constant 0 : index
    %swap3A_67 = vector.load %arg12[%swap3A] : memref<4096xf32, #tpu.memory_space<vmem>>, vector<128xf32>
    tpu.vector_store %arg12[%swap3A], %div3A_66 {strides = array<i32>} : memref<4096xf32, #tpu.memory_space<vmem>>, vector<128xf32>,
    %slice3A_68 = vector.extract_strided_slice %add3A_53 {offsets = [128, 0], sizes = [128, 1], strides = [1, 1]} : vector<4096x1xf32> to vector<128x1xf32>
    %dot_general3A_69 = arith.constant dense<0.000000e+00> : vector<1x128xf32>
    %dot_general3A_70 = tpu.matmul %slice3A_68, %get3A_56, %dot_general3A_69 {dimension_numbers = #tpu.dot_dimension_numbers<[0], [0], [1], [1], [0, 1, 1, 1], [], []>, transpose_lhs_hint = false} : vector<128x1xf32>, vector<128x128xf32>, vector<1x128xf32> -> vector<1x128xf32>
    %reshape3A_71 = vector.shape_cast %dot_general3A_70 : vector<1x128xf32> to vector<128xf32>
    %neg3A_72 = arith.constant 0.000000e+00 : f32
    %neg3A_73 = vector.broadcast %neg3A_72 : f32 to vector<128xf32>
    %neg3A_74 = arith.subf %neg3A_73, %reshape3A_71 : vector<128xf32>
    %exp3A_75 = math.exp %neg3A_74 : vector<128xf32>
    %add3A_76 = arith.constant 1.000000e+00 : f32
    %add3A_77 = vector.broadcast %add3A_76 : f32 to vector<128xf32>
    %add3A_78 = arith.addf %add3A_77, %exp3A_75 : vector<128xf32>
    %div3A_79 = arith.constant 1.000000e+00 : f32
    %div3A_80 = vector.broadcast %div3A_79 : f32 to vector<128xf32>
    %div3A_81 = arith.divf %div3A_80, %add3A_78 : vector<128xf32>
    %swap3A_82 = arith.constant 128 : index
    %swap3A_83 = vector.load %arg12[%swap3A_82] : memref<4096xf32, #tpu.memory_space<vmem>>, vector<128xf32>
    tpu.vector_store %arg12[%swap3A_82], %div3A_81 {strides = array<i32>} : memref<4096xf32, #tpu.memory_space<vmem>>, vector<128xf32>,
    %slice3A_84 = vector.extract_strided_slice %add3A_53 {offsets = [256, 0], sizes = [128, 1], strides = [1, 1]} : vector<4096x1xf32> to vector<128x1xf32>
    %dot_general3A_85 = arith.constant dense<0.000000e+00> : vector<1x128xf32>
    %dot_general3A_86 = tpu.matmul %slice3A_84, %get3A_56, %dot_general3A_85 {dimension_numbers = #tpu.dot_dimension_numbers<[0], [0], [1], [1], [0, 1, 1, 1], [], []>, transpose_lhs_hint = false} : vector<128x1xf32>, vector<128x128xf32>, vector<1x128xf32> -> vector<1x128xf32>
    %reshape3A_87 = vector.shape_cast %dot_general3A_86 : vector<1x128xf32> to vector<128xf32>
    %neg3A_88 = arith.constant 0.000000e+00 : f32
    %neg3A_89 = vector.broadcast %neg3A_88 : f32 to vector<128xf32>
    %neg3A_90 = arith.subf %neg3A_89, %reshape3A_87 : vector<128xf32>
    %exp3A_91 = math.exp %neg3A_90 : vector<128xf32>
    %add3A_92 = arith.constant 1.000000e+00 : f32
    %add3A_93 = vector.broadcast %add3A_92 : f32 to vector<128xf32>
    %add3A_94 = arith.addf %add3A_93, %exp3A_91 : vector<128xf32>
    %div3A_95 = arith.constant 1.000000e+00 : f32
    %div3A_96 = vector.broadcast %div3A_95 : f32 to vector<128xf32>
    %div3A_97 = arith.divf %div3A_96, %add3A_94 : vector<128xf32>
    %swap3A_98 = arith.constant 256 : index
    %swap3A_99 = vector.load %arg12[%swap3A_98] : memref<4096xf32, #tpu.memory_space<vmem>>, vector<128xf32>
    tpu.vector_store %arg12[%swap3A_98], %div3A_97 {strides = array<i32>} : memref<4096xf32, #tpu.memory_space<vmem>>, vector<128xf32>,
    %slice3A_100 = vector.extract_strided_slice %add3A_53 {offsets = [384, 0], sizes = [128, 1], strides = [1, 1]} : vector<4096x1xf32> to vector<128x1xf32>
    %dot_general3A_101 = arith.constant dense<0.000000e+00> : vector<1x128xf32>
    %dot_general3A_102 = tpu.matmul %slice3A_100, %get3A_56, %dot_general3A_101 {dimension_numbers = #tpu.dot_dimension_numbers<[0], [0], [1], [1], [0, 1, 1, 1], [], []>, transpose_lhs_hint = false} : vector<128x1xf32>, vector<128x128xf32>, vector<1x128xf32> -> vector<1x128xf32>
    %reshape3A_103 = vector.shape_cast %dot_general3A_102 : vector<1x128xf32> to vector<128xf32>
    %neg3A_104 = arith.constant 0.000000e+00 : f32
    %neg3A_105 = vector.broadcast %neg3A_104 : f32 to vector<128xf32>
    %neg3A_106 = arith.subf %neg3A_105, %reshape3A_103 : vector<128xf32>
    %exp3A_107 = math.exp %neg3A_106 : vector<128xf32>
    %add3A_108 = arith.constant 1.000000e+00 : f32
    %add3A_109 = vector.broadcast %add3A_108 : f32 to vector<128xf32>
    %add3A_110 = arith.addf %add3A_109, %exp3A_107 : vector<128xf32>
    %div3A_111 = arith.constant 1.000000e+00 : f32
    %div3A_112 = vector.broadcast %div3A_111 : f32 to vector<128xf32>
    %div3A_113 = arith.divf %div3A_112, %add3A_110 : vector<128xf32>
    %swap3A_114 = arith.constant 384 : index
    %swap3A_115 = vector.load %arg12[%swap3A_114] : memref<4096xf32, #tpu.memory_space<vmem>>, vector<128xf32>
    tpu.vector_store %arg12[%swap3A_114], %div3A_113 {strides = array<i32>} : memref<4096xf32, #tpu.memory_space<vmem>>, vector<128xf32>,
    %slice3A_116 = vector.extract_strided_slice %add3A_53 {offsets = [512, 0], sizes = [128, 1], strides = [1, 1]} : vector<4096x1xf32> to vector<128x1xf32>
    %dot_general3A_117 = arith.constant dense<0.000000e+00> : vector<1x128xf32>
    %dot_general3A_118 = tpu.matmul %slice3A_116, %get3A_56, %dot_general3A_117 {dimension_numbers = #tpu.dot_dimension_numbers<[0], [0], [1], [1], [0, 1, 1, 1], [], []>, transpose_lhs_hint = false} : vector<128x1xf32>, vector<128x128xf32>, vector<1x128xf32> -> vector<1x128xf32>
    %reshape3A_119 = vector.shape_cast %dot_general3A_118 : vector<1x128xf32> to vector<128xf32>
    %neg3A_120 = arith.constant 0.000000e+00 : f32
    %neg3A_121 = vector.broadcast %neg3A_120 : f32 to vector<128xf32>
    %neg3A_122 = arith.subf %neg3A_121, %reshape3A_119 : vector<128xf32>
    %exp3A_123 = math.exp %neg3A_122 : vector<128xf32>
    %add3A_124 = arith.constant 1.000000e+00 : f32
    %add3A_125 = vector.broadcast %add3A_124 : f32 to vector<128xf32>
    %add3A_126 = arith.addf %add3A_125, %exp3A_123 : vector<128xf32>
    %div3A_127 = arith.constant 1.000000e+00 : f32
    %div3A_128 = vector.broadcast %div3A_127 : f32 to vector<128xf32>
    %div3A_129 = arith.divf %div3A_128, %add3A_126 : vector<128xf32>
    %swap3A_130 = arith.constant 512 : index
    %swap3A_131 = vector.load %arg12[%swap3A_130] : memref<4096xf32, #tpu.memory_space<vmem>>, vector<128xf32>
    tpu.vector_store %arg12[%swap3A_130], %div3A_129 {strides = array<i32>} : memref<4096xf32, #tpu.memory_space<vmem>>, vector<128xf32>,
    %slice3A_132 = vector.extract_strided_slice %add3A_53 {offsets = [640, 0], sizes = [128, 1], strides = [1, 1]} : vector<4096x1xf32> to vector<128x1xf32>
    %dot_general3A_133 = arith.constant dense<0.000000e+00> : vector<1x128xf32>
    %dot_general3A_134 = tpu.matmul %slice3A_132, %get3A_56, %dot_general3A_133 {dimension_numbers = #tpu.dot_dimension_numbers<[0], [0], [1], [1], [0, 1, 1, 1], [], []>, transpose_lhs_hint = false} : vector<128x1xf32>, vector<128x128xf32>, vector<1x128xf32> -> vector<1x128xf32>
    %reshape3A_135 = vector.shape_cast %dot_general3A_134 : vector<1x128xf32> to vector<128xf32>
    %neg3A_136 = arith.constant 0.000000e+00 : f32
    %neg3A_137 = vector.broadcast %neg3A_136 : f32 to vector<128xf32>
    %neg3A_138 = arith.subf %neg3A_137, %reshape3A_135 : vector<128xf32>
    %exp3A_139 = math.exp %neg3A_138 : vector<128xf32>
    %add3A_140 = arith.constant 1.000000e+00 : f32
    %add3A_141 = vector.broadcast %add3A_140 : f32 to vector<128xf32>
    %add3A_142 = arith.addf %add3A_141, %exp3A_139 : vector<128xf32>
    %div3A_143 = arith.constant 1.000000e+00 : f32
    %div3A_144 = vector.broadcast %div3A_143 : f32 to vector<128xf32>
    %div3A_145 = arith.divf %div3A_144, %add3A_142 : vector<128xf32>
    %swap3A_146 = arith.constant 640 : index
    %swap3A_147 = vector.load %arg12[%swap3A_146] : memref<4096xf32, #tpu.memory_space<vmem>>, vector<128xf32>
    tpu.vector_store %arg12[%swap3A_146], %div3A_145 {strides = array<i32>} : memref<4096xf32, #tpu.memory_space<vmem>>, vector<128xf32>,
    %slice3A_148 = vector.extract_strided_slice %add3A_53 {offsets = [768, 0], sizes = [128, 1], strides = [1, 1]} : vector<4096x1xf32> to vector<128x1xf32>
    %dot_general3A_149 = arith.constant dense<0.000000e+00> : vector<1x128xf32>
    %dot_general3A_150 = tpu.matmul %slice3A_148, %get3A_56, %dot_general3A_149 {dimension_numbers = #tpu.dot_dimension_numbers<[0], [0], [1], [1], [0, 1, 1, 1], [], []>, transpose_lhs_hint = false} : vector<128x1xf32>, vector<128x128xf32>, vector<1x128xf32> -> vector<1x128xf32>
    %reshape3A_151 = vector.shape_cast %dot_general3A_150 : vector<1x128xf32> to vector<128xf32>
    %neg3A_152 = arith.constant 0.000000e+00 : f32
    %neg3A_153 = vector.broadcast %neg3A_152 : f32 to vector<128xf32>
    %neg3A_154 = arith.subf %neg3A_153, %reshape3A_151 : vector<128xf32>
    %exp3A_155 = math.exp %neg3A_154 : vector<128xf32>
    %add3A_156 = arith.constant 1.000000e+00 : f32
    %add3A_157 = vector.broadcast %add3A_156 : f32 to vector<128xf32>
    %add3A_158 = arith.addf %add3A_157, %exp3A_155 : vector<128xf32>
    %div3A_159 = arith.constant 1.000000e+00 : f32
    %div3A_160 = vector.broadcast %div3A_159 : f32 to vector<128xf32>
    %div3A_161 = arith.divf %div3A_160, %add3A_158 : vector<128xf32>
    %swap3A_162 = arith.constant 768 : index
    %swap3A_163 = vector.load %arg12[%swap3A_162] : memref<4096xf32, #tpu.memory_space<vmem>>, vector<128xf32>
    tpu.vector_store %arg12[%swap3A_162], %div3A_161 {strides = array<i32>} : memref<4096xf32, #tpu.memory_space<vmem>>, vector<128xf32>,
    %slice3A_164 = vector.extract_strided_slice %add3A_53 {offsets = [896, 0], sizes = [128, 1], strides = [1, 1]} : vector<4096x1xf32> to vector<128x1xf32>
    %dot_general3A_165 = arith.constant dense<0.000000e+00> : vector<1x128xf32>
    %dot_general3A_166 = tpu.matmul %slice3A_164, %get3A_56, %dot_general3A_165 {dimension_numbers = #tpu.dot_dimension_numbers<[0], [0], [1], [1], [0, 1, 1, 1], [], []>, transpose_lhs_hint = false} : vector<128x1xf32>, vector<128x128xf32>, vector<1x128xf32> -> vector<1x128xf32>
    %reshape3A_167 = vector.shape_cast %dot_general3A_166 : vector<1x128xf32> to vector<128xf32>
    %neg3A_168 = arith.constant 0.000000e+00 : f32
    %neg3A_169 = vector.broadcast %neg3A_168 : f32 to vector<128xf32>
    %neg3A_170 = arith.subf %neg3A_169, %reshape3A_167 : vector<128xf32>
    %exp3A_171 = math.exp %neg3A_170 : vector<128xf32>
    %add3A_172 = arith.constant 1.000000e+00 : f32
    %add3A_173 = vector.broadcast %add3A_172 : f32 to vector<128xf32>
    %add3A_174 = arith.addf %add3A_173, %exp3A_171 : vector<128xf32>
    %div3A_175 = arith.constant 1.000000e+00 : f32
    %div3A_176 = vector.broadcast %div3A_175 : f32 to vector<128xf32>
    %div3A_177 = arith.divf %div3A_176, %add3A_174 : vector<128xf32>
    %swap3A_178 = arith.constant 896 : index
    %swap3A_179 = vector.load %arg12[%swap3A_178] : memref<4096xf32, #tpu.memory_space<vmem>>, vector<128xf32>
    tpu.vector_store %arg12[%swap3A_178], %div3A_177 {strides = array<i32>} : memref<4096xf32, #tpu.memory_space<vmem>>, vector<128xf32>,
    %slice3A_180 = vector.extract_strided_slice %add3A_53 {offsets = [1024, 0], sizes = [128, 1], strides = [1, 1]} : vector<4096x1xf32> to vector<128x1xf32>
    %dot_general3A_181 = arith.constant dense<0.000000e+00> : vector<1x128xf32>
    %dot_general3A_182 = tpu.matmul %slice3A_180, %get3A_56, %dot_general3A_181 {dimension_numbers = #tpu.dot_dimension_numbers<[0], [0], [1], [1], [0, 1, 1, 1], [], []>, transpose_lhs_hint = false} : vector<128x1xf32>, vector<128x128xf32>, vector<1x128xf32> -> vector<1x128xf32>
    %reshape3A_183 = vector.shape_cast %dot_general3A_182 : vector<1x128xf32> to vector<128xf32>
    %neg3A_184 = arith.constant 0.000000e+00 : f32
    %neg3A_185 = vector.broadcast %neg3A_184 : f32 to vector<128xf32>
    %neg3A_186 = arith.subf %neg3A_185, %reshape3A_183 : vector<128xf32>
    %exp3A_187 = math.exp %neg3A_186 : vector<128xf32>
    %add3A_188 = arith.constant 1.000000e+00 : f32
    %add3A_189 = vector.broadcast %add3A_188 : f32 to vector<128xf32>
    %add3A_190 = arith.addf %add3A_189, %exp3A_187 : vector<128xf32>
    %div3A_191 = arith.constant 1.000000e+00 : f32
    %div3A_192 = vector.broadcast %div3A_191 : f32 to vector<128xf32>
    %div3A_193 = arith.divf %div3A_192, %add3A_190 : vector<128xf32>
    %swap3A_194 = arith.constant 1024 : index
    %swap3A_195 = vector.load %arg12[%swap3A_194] : memref<4096xf32, #tpu.memory_space<vmem>>, vector<128xf32>
    tpu.vector_store %arg12[%swap3A_194], %div3A_193 {strides = array<i32>} : memref<4096xf32, #tpu.memory_space<vmem>>, vector<128xf32>,
    %slice3A_196 = vector.extract_strided_slice %add3A_53 {offsets = [1152, 0], sizes = [128, 1], strides = [1, 1]} : vector<4096x1xf32> to vector<128x1xf32>
    %dot_general3A_197 = arith.constant dense<0.000000e+00> : vector<1x128xf32>
    %dot_general3A_198 = tpu.matmul %slice3A_196, %get3A_56, %dot_general3A_197 {dimension_numbers = #tpu.dot_dimension_numbers<[0], [0], [1], [1], [0, 1, 1, 1], [], []>, transpose_lhs_hint = false} : vector<128x1xf32>, vector<128x128xf32>, vector<1x128xf32> -> vector<1x128xf32>
    %reshape3A_199 = vector.shape_cast %dot_general3A_198 : vector<1x128xf32> to vector<128xf32>
    %neg3A_200 = arith.constant 0.000000e+00 : f32
    %neg3A_201 = vector.broadcast %neg3A_200 : f32 to vector<128xf32>
    %neg3A_202 = arith.subf %neg3A_201, %reshape3A_199 : vector<128xf32>
    %exp3A_203 = math.exp %neg3A_202 : vector<128xf32>
    %add3A_204 = arith.constant 1.000000e+00 : f32
    %add3A_205 = vector.broadcast %add3A_204 : f32 to vector<128xf32>
    %add3A_206 = arith.addf %add3A_205, %exp3A_203 : vector<128xf32>
    %div3A_207 = arith.constant 1.000000e+00 : f32
    %div3A_208 = vector.broadcast %div3A_207 : f32 to vector<128xf32>
    %div3A_209 = arith.divf %div3A_208, %add3A_206 : vector<128xf32>
    %swap3A_210 = arith.constant 1152 : index
    %swap3A_211 = vector.load %arg12[%swap3A_210] : memref<4096xf32, #tpu.memory_space<vmem>>, vector<128xf32>
    tpu.vector_store %arg12[%swap3A_210], %div3A_209 {strides = array<i32>} : memref<4096xf32, #tpu.memory_space<vmem>>, vector<128xf32>,
    %slice3A_212 = vector.extract_strided_slice %add3A_53 {offsets = [1280, 0], sizes = [128, 1], strides = [1, 1]} : vector<4096x1xf32> to vector<128x1xf32>
    %dot_general3A_213 = arith.constant dense<0.000000e+00> : vector<1x128xf32>
    %dot_general3A_214 = tpu.matmul %slice3A_212, %get3A_56, %dot_general3A_213 {dimension_numbers = #tpu.dot_dimension_numbers<[0], [0], [1], [1], [0, 1, 1, 1], [], []>, transpose_lhs_hint = false} : vector<128x1xf32>, vector<128x128xf32>, vector<1x128xf32> -> vector<1x128xf32>
    %reshape3A_215 = vector.shape_cast %dot_general3A_214 : vector<1x128xf32> to vector<128xf32>
    %neg3A_216 = arith.constant 0.000000e+00 : f32
    %neg3A_217 = vector.broadcast %neg3A_216 : f32 to vector<128xf32>
    %neg3A_218 = arith.subf %neg3A_217, %reshape3A_215 : vector<128xf32>
    %exp3A_219 = math.exp %neg3A_218 : vector<128xf32>
    %add3A_220 = arith.constant 1.000000e+00 : f32
    %add3A_221 = vector.broadcast %add3A_220 : f32 to vector<128xf32>
    %add3A_222 = arith.addf %add3A_221, %exp3A_219 : vector<128xf32>
    %div3A_223 = arith.constant 1.000000e+00 : f32
    %div3A_224 = vector.broadcast %div3A_223 : f32 to vector<128xf32>
    %div3A_225 = arith.divf %div3A_224, %add3A_222 : vector<128xf32>
    %swap3A_226 = arith.constant 1280 : index
    %swap3A_227 = vector.load %arg12[%swap3A_226] : memref<4096xf32, #tpu.memory_space<vmem>>, vector<128xf32>
    tpu.vector_store %arg12[%swap3A_226], %div3A_225 {strides = array<i32>} : memref<4096xf32, #tpu.memory_space<vmem>>, vector<128xf32>,
    %slice3A_228 = vector.extract_strided_slice %add3A_53 {offsets = [1408, 0], sizes = [128, 1], strides = [1, 1]} : vector<4096x1xf32> to vector<128x1xf32>
    %dot_general3A_229 = arith.constant dense<0.000000e+00> : vector<1x128xf32>
    %dot_general3A_230 = tpu.matmul %slice3A_228, %get3A_56, %dot_general3A_229 {dimension_numbers = #tpu.dot_dimension_numbers<[0], [0], [1], [1], [0, 1, 1, 1], [], []>, transpose_lhs_hint = false} : vector<128x1xf32>, vector<128x128xf32>, vector<1x128xf32> -> vector<1x128xf32>
    %reshape3A_231 = vector.shape_cast %dot_general3A_230 : vector<1x128xf32> to vector<128xf32>
    %neg3A_232 = arith.constant 0.000000e+00 : f32
    %neg3A_233 = vector.broadcast %neg3A_232 : f32 to vector<128xf32>
    %neg3A_234 = arith.subf %neg3A_233, %reshape3A_231 : vector<128xf32>
    %exp3A_235 = math.exp %neg3A_234 : vector<128xf32>
    %add3A_236 = arith.constant 1.000000e+00 : f32
    %add3A_237 = vector.broadcast %add3A_236 : f32 to vector<128xf32>
    %add3A_238 = arith.addf %add3A_237, %exp3A_235 : vector<128xf32>
    %div3A_239 = arith.constant 1.000000e+00 : f32
    %div3A_240 = vector.broadcast %div3A_239 : f32 to vector<128xf32>
    %div3A_241 = arith.divf %div3A_240, %add3A_238 : vector<128xf32>
    %swap3A_242 = arith.constant 1408 : index
    %swap3A_243 = vector.load %arg12[%swap3A_242] : memref<4096xf32, #tpu.memory_space<vmem>>, vector<128xf32>
    tpu.vector_store %arg12[%swap3A_242], %div3A_241 {strides = array<i32>} : memref<4096xf32, #tpu.memory_space<vmem>>, vector<128xf32>,
    %slice3A_244 = vector.extract_strided_slice %add3A_53 {offsets = [1536, 0], sizes = [128, 1], strides = [1, 1]} : vector<4096x1xf32> to vector<128x1xf32>
    %dot_general3A_245 = arith.constant dense<0.000000e+00> : vector<1x128xf32>
    %dot_general3A_246 = tpu.matmul %slice3A_244, %get3A_56, %dot_general3A_245 {dimension_numbers = #tpu.dot_dimension_numbers<[0], [0], [1], [1], [0, 1, 1, 1], [], []>, transpose_lhs_hint = false} : vector<128x1xf32>, vector<128x128xf32>, vector<1x128xf32> -> vector<1x128xf32>
    %reshape3A_247 = vector.shape_cast %dot_general3A_246 : vector<1x128xf32> to vector<128xf32>
    %neg3A_248 = arith.constant 0.000000e+00 : f32
    %neg3A_249 = vector.broadcast %neg3A_248 : f32 to vector<128xf32>
    %neg3A_250 = arith.subf %neg3A_249, %reshape3A_247 : vector<128xf32>
    %exp3A_251 = math.exp %neg3A_250 : vector<128xf32>
    %add3A_252 = arith.constant 1.000000e+00 : f32
    %add3A_253 = vector.broadcast %add3A_252 : f32 to vector<128xf32>
    %add3A_254 = arith.addf %add3A_253, %exp3A_251 : vector<128xf32>
    %div3A_255 = arith.constant 1.000000e+00 : f32
    %div3A_256 = vector.broadcast %div3A_255 : f32 to vector<128xf32>
    %div3A_257 = arith.divf %div3A_256, %add3A_254 : vector<128xf32>
    %swap3A_258 = arith.constant 1536 : index
    %swap3A_259 = vector.load %arg12[%swap3A_258] : memref<4096xf32, #tpu.memory_space<vmem>>, vector<128xf32>
    tpu.vector_store %arg12[%swap3A_258], %div3A_257 {strides = array<i32>} : memref<4096xf32, #tpu.memory_space<vmem>>, vector<128xf32>,
    %slice3A_260 = vector.extract_strided_slice %add3A_53 {offsets = [1664, 0], sizes = [128, 1], strides = [1, 1]} : vector<4096x1xf32> to vector<128x1xf32>
    %dot_general3A_261 = arith.constant dense<0.000000e+00> : vector<1x128xf32>
    %dot_general3A_262 = tpu.matmul %slice3A_260, %get3A_56, %dot_general3A_261 {dimension_numbers = #tpu.dot_dimension_numbers<[0], [0], [1], [1], [0, 1, 1, 1], [], []>, transpose_lhs_hint = false} : vector<128x1xf32>, vector<128x128xf32>, vector<1x128xf32> -> vector<1x128xf32>
    %reshape3A_263 = vector.shape_cast %dot_general3A_262 : vector<1x128xf32> to vector<128xf32>
    %neg3A_264 = arith.constant 0.000000e+00 : f32
    %neg3A_265 = vector.broadcast %neg3A_264 : f32 to vector<128xf32>
    %neg3A_266 = arith.subf %neg3A_265, %reshape3A_263 : vector<128xf32>
    %exp3A_267 = math.exp %neg3A_266 : vector<128xf32>
    %add3A_268 = arith.constant 1.000000e+00 : f32
    %add3A_269 = vector.broadcast %add3A_268 : f32 to vector<128xf32>
    %add3A_270 = arith.addf %add3A_269, %exp3A_267 : vector<128xf32>
    %div3A_271 = arith.constant 1.000000e+00 : f32
    %div3A_272 = vector.broadcast %div3A_271 : f32 to vector<128xf32>
    %div3A_273 = arith.divf %div3A_272, %add3A_270 : vector<128xf32>
    %swap3A_274 = arith.constant 1664 : index
    %swap3A_275 = vector.load %arg12[%swap3A_274] : memref<4096xf32, #tpu.memory_space<vmem>>, vector<128xf32>
    tpu.vector_store %arg12[%swap3A_274], %div3A_273 {strides = array<i32>} : memref<4096xf32, #tpu.memory_space<vmem>>, vector<128xf32>,
    %slice3A_276 = vector.extract_strided_slice %add3A_53 {offsets = [1792, 0], sizes = [128, 1], strides = [1, 1]} : vector<4096x1xf32> to vector<128x1xf32>
    %dot_general3A_277 = arith.constant dense<0.000000e+00> : vector<1x128xf32>
    %dot_general3A_278 = tpu.matmul %slice3A_276, %get3A_56, %dot_general3A_277 {dimension_numbers = #tpu.dot_dimension_numbers<[0], [0], [1], [1], [0, 1, 1, 1], [], []>, transpose_lhs_hint = false} : vector<128x1xf32>, vector<128x128xf32>, vector<1x128xf32> -> vector<1x128xf32>
    %reshape3A_279 = vector.shape_cast %dot_general3A_278 : vector<1x128xf32> to vector<128xf32>
    %neg3A_280 = arith.constant 0.000000e+00 : f32
    %neg3A_281 = vector.broadcast %neg3A_280 : f32 to vector<128xf32>
    %neg3A_282 = arith.subf %neg3A_281, %reshape3A_279 : vector<128xf32>
    %exp3A_283 = math.exp %neg3A_282 : vector<128xf32>
    %add3A_284 = arith.constant 1.000000e+00 : f32
    %add3A_285 = vector.broadcast %add3A_284 : f32 to vector<128xf32>
    %add3A_286 = arith.addf %add3A_285, %exp3A_283 : vector<128xf32>
    %div3A_287 = arith.constant 1.000000e+00 : f32
    %div3A_288 = vector.broadcast %div3A_287 : f32 to vector<128xf32>
    %div3A_289 = arith.divf %div3A_288, %add3A_286 : vector<128xf32>
    %swap3A_290 = arith.constant 1792 : index
    %swap3A_291 = vector.load %arg12[%swap3A_290] : memref<4096xf32, #tpu.memory_space<vmem>>, vector<128xf32>
    tpu.vector_store %arg12[%swap3A_290], %div3A_289 {strides = array<i32>} : memref<4096xf32, #tpu.memory_space<vmem>>, vector<128xf32>,
    %slice3A_292 = vector.extract_strided_slice %add3A_53 {offsets = [1920, 0], sizes = [128, 1], strides = [1, 1]} : vector<4096x1xf32> to vector<128x1xf32>
    %dot_general3A_293 = arith.constant dense<0.000000e+00> : vector<1x128xf32>
    %dot_general3A_294 = tpu.matmul %slice3A_292, %get3A_56, %dot_general3A_293 {dimension_numbers = #tpu.dot_dimension_numbers<[0], [0], [1], [1], [0, 1, 1, 1], [], []>, transpose_lhs_hint = false} : vector<128x1xf32>, vector<128x128xf32>, vector<1x128xf32> -> vector<1x128xf32>
    %reshape3A_295 = vector.shape_cast %dot_general3A_294 : vector<1x128xf32> to vector<128xf32>
    %neg3A_296 = arith.constant 0.000000e+00 : f32
    %neg3A_297 = vector.broadcast %neg3A_296 : f32 to vector<128xf32>
    %neg3A_298 = arith.subf %neg3A_297, %reshape3A_295 : vector<128xf32>
    %exp3A_299 = math.exp %neg3A_298 : vector<128xf32>
    %add3A_300 = arith.constant 1.000000e+00 : f32
    %add3A_301 = vector.broadcast %add3A_300 : f32 to vector<128xf32>
    %add3A_302 = arith.addf %add3A_301, %exp3A_299 : vector<128xf32>
    %div3A_303 = arith.constant 1.000000e+00 : f32
    %div3A_304 = vector.broadcast %div3A_303 : f32 to vector<128xf32>
    %div3A_305 = arith.divf %div3A_304, %add3A_302 : vector<128xf32>
    %swap3A_306 = arith.constant 1920 : index
    %swap3A_307 = vector.load %arg12[%swap3A_306] : memref<4096xf32, #tpu.memory_space<vmem>>, vector<128xf32>
    tpu.vector_store %arg12[%swap3A_306], %div3A_305 {strides = array<i32>} : memref<4096xf32, #tpu.memory_space<vmem>>, vector<128xf32>,
    %slice3A_308 = vector.extract_strided_slice %add3A_53 {offsets = [2048, 0], sizes = [128, 1], strides = [1, 1]} : vector<4096x1xf32> to vector<128x1xf32>
    %dot_general3A_309 = arith.constant dense<0.000000e+00> : vector<1x128xf32>
    %dot_general3A_310 = tpu.matmul %slice3A_308, %get3A_56, %dot_general3A_309 {dimension_numbers = #tpu.dot_dimension_numbers<[0], [0], [1], [1], [0, 1, 1, 1], [], []>, transpose_lhs_hint = false} : vector<128x1xf32>, vector<128x128xf32>, vector<1x128xf32> -> vector<1x128xf32>
    %reshape3A_311 = vector.shape_cast %dot_general3A_310 : vector<1x128xf32> to vector<128xf32>
    %neg3A_312 = arith.constant 0.000000e+00 : f32
    %neg3A_313 = vector.broadcast %neg3A_312 : f32 to vector<128xf32>
    %neg3A_314 = arith.subf %neg3A_313, %reshape3A_311 : vector<128xf32>
    %exp3A_315 = math.exp %neg3A_314 : vector<128xf32>
    %add3A_316 = arith.constant 1.000000e+00 : f32
    %add3A_317 = vector.broadcast %add3A_316 : f32 to vector<128xf32>
    %add3A_318 = arith.addf %add3A_317, %exp3A_315 : vector<128xf32>
    %div3A_319 = arith.constant 1.000000e+00 : f32
    %div3A_320 = vector.broadcast %div3A_319 : f32 to vector<128xf32>
    %div3A_321 = arith.divf %div3A_320, %add3A_318 : vector<128xf32>
    %swap3A_322 = arith.constant 2048 : index
    %swap3A_323 = vector.load %arg12[%swap3A_322] : memref<4096xf32, #tpu.memory_space<vmem>>, vector<128xf32>
    tpu.vector_store %arg12[%swap3A_322], %div3A_321 {strides = array<i32>} : memref<4096xf32, #tpu.memory_space<vmem>>, vector<128xf32>,
    %slice3A_324 = vector.extract_strided_slice %add3A_53 {offsets = [2176, 0], sizes = [128, 1], strides = [1, 1]} : vector<4096x1xf32> to vector<128x1xf32>
    %dot_general3A_325 = arith.constant dense<0.000000e+00> : vector<1x128xf32>
    %dot_general3A_326 = tpu.matmul %slice3A_324, %get3A_56, %dot_general3A_325 {dimension_numbers = #tpu.dot_dimension_numbers<[0], [0], [1], [1], [0, 1, 1, 1], [], []>, transpose_lhs_hint = false} : vector<128x1xf32>, vector<128x128xf32>, vector<1x128xf32> -> vector<1x128xf32>
    %reshape3A_327 = vector.shape_cast %dot_general3A_326 : vector<1x128xf32> to vector<128xf32>
    %neg3A_328 = arith.constant 0.000000e+00 : f32
    %neg3A_329 = vector.broadcast %neg3A_328 : f32 to vector<128xf32>
    %neg3A_330 = arith.subf %neg3A_329, %reshape3A_327 : vector<128xf32>
    %exp3A_331 = math.exp %neg3A_330 : vector<128xf32>
    %add3A_332 = arith.constant 1.000000e+00 : f32
    %add3A_333 = vector.broadcast %add3A_332 : f32 to vector<128xf32>
    %add3A_334 = arith.addf %add3A_333, %exp3A_331 : vector<128xf32>
    %div3A_335 = arith.constant 1.000000e+00 : f32
    %div3A_336 = vector.broadcast %div3A_335 : f32 to vector<128xf32>
    %div3A_337 = arith.divf %div3A_336, %add3A_334 : vector<128xf32>
    %swap3A_338 = arith.constant 2176 : index
    %swap3A_339 = vector.load %arg12[%swap3A_338] : memref<4096xf32, #tpu.memory_space<vmem>>, vector<128xf32>
    tpu.vector_store %arg12[%swap3A_338], %div3A_337 {strides = array<i32>} : memref<4096xf32, #tpu.memory_space<vmem>>, vector<128xf32>,
    %slice3A_340 = vector.extract_strided_slice %add3A_53 {offsets = [2304, 0], sizes = [128, 1], strides = [1, 1]} : vector<4096x1xf32> to vector<128x1xf32>
    %dot_general3A_341 = arith.constant dense<0.000000e+00> : vector<1x128xf32>
    %dot_general3A_342 = tpu.matmul %slice3A_340, %get3A_56, %dot_general3A_341 {dimension_numbers = #tpu.dot_dimension_numbers<[0], [0], [1], [1], [0, 1, 1, 1], [], []>, transpose_lhs_hint = false} : vector<128x1xf32>, vector<128x128xf32>, vector<1x128xf32> -> vector<1x128xf32>
    %reshape3A_343 = vector.shape_cast %dot_general3A_342 : vector<1x128xf32> to vector<128xf32>
    %neg3A_344 = arith.constant 0.000000e+00 : f32
    %neg3A_345 = vector.broadcast %neg3A_344 : f32 to vector<128xf32>
    %neg3A_346 = arith.subf %neg3A_345, %reshape3A_343 : vector<128xf32>
    %exp3A_347 = math.exp %neg3A_346 : vector<128xf32>
    %add3A_348 = arith.constant 1.000000e+00 : f32
    %add3A_349 = vector.broadcast %add3A_348 : f32 to vector<128xf32>
    %add3A_350 = arith.addf %add3A_349, %exp3A_347 : vector<128xf32>
    %div3A_351 = arith.constant 1.000000e+00 : f32
    %div3A_352 = vector.broadcast %div3A_351 : f32 to vector<128xf32>
    %div3A_353 = arith.divf %div3A_352, %add3A_350 : vector<128xf32>
    %swap3A_354 = arith.constant 2304 : index
    %swap3A_355 = vector.load %arg12[%swap3A_354] : memref<4096xf32, #tpu.memory_space<vmem>>, vector<128xf32>
    tpu.vector_store %arg12[%swap3A_354], %div3A_353 {strides = array<i32>} : memref<4096xf32, #tpu.memory_space<vmem>>, vector<128xf32>,
    %slice3A_356 = vector.extract_strided_slice %add3A_53 {offsets = [2432, 0], sizes = [128, 1], strides = [1, 1]} : vector<4096x1xf32> to vector<128x1xf32>
    %dot_general3A_357 = arith.constant dense<0.000000e+00> : vector<1x128xf32>
    %dot_general3A_358 = tpu.matmul %slice3A_356, %get3A_56, %dot_general3A_357 {dimension_numbers = #tpu.dot_dimension_numbers<[0], [0], [1], [1], [0, 1, 1, 1], [], []>, transpose_lhs_hint = false} : vector<128x1xf32>, vector<128x128xf32>, vector<1x128xf32> -> vector<1x128xf32>
    %reshape3A_359 = vector.shape_cast %dot_general3A_358 : vector<1x128xf32> to vector<128xf32>
    %neg3A_360 = arith.constant 0.000000e+00 : f32
    %neg3A_361 = vector.broadcast %neg3A_360 : f32 to vector<128xf32>
    %neg3A_362 = arith.subf %neg3A_361, %reshape3A_359 : vector<128xf32>
    %exp3A_363 = math.exp %neg3A_362 : vector<128xf32>
    %add3A_364 = arith.constant 1.000000e+00 : f32
    %add3A_365 = vector.broadcast %add3A_364 : f32 to vector<128xf32>
    %add3A_366 = arith.addf %add3A_365, %exp3A_363 : vector<128xf32>
    %div3A_367 = arith.constant 1.000000e+00 : f32
    %div3A_368 = vector.broadcast %div3A_367 : f32 to vector<128xf32>
    %div3A_369 = arith.divf %div3A_368, %add3A_366 : vector<128xf32>
    %swap3A_370 = arith.constant 2432 : index
    %swap3A_371 = vector.load %arg12[%swap3A_370] : memref<4096xf32, #tpu.memory_space<vmem>>, vector<128xf32>
    tpu.vector_store %arg12[%swap3A_370], %div3A_369 {strides = array<i32>} : memref<4096xf32, #tpu.memory_space<vmem>>, vector<128xf32>,
    %slice3A_372 = vector.extract_strided_slice %add3A_53 {offsets = [2560, 0], sizes = [128, 1], strides = [1, 1]} : vector<4096x1xf32> to vector<128x1xf32>
    %dot_general3A_373 = arith.constant dense<0.000000e+00> : vector<1x128xf32>
    %dot_general3A_374 = tpu.matmul %slice3A_372, %get3A_56, %dot_general3A_373 {dimension_numbers = #tpu.dot_dimension_numbers<[0], [0], [1], [1], [0, 1, 1, 1], [], []>, transpose_lhs_hint = false} : vector<128x1xf32>, vector<128x128xf32>, vector<1x128xf32> -> vector<1x128xf32>
    %reshape3A_375 = vector.shape_cast %dot_general3A_374 : vector<1x128xf32> to vector<128xf32>
    %neg3A_376 = arith.constant 0.000000e+00 : f32
    %neg3A_377 = vector.broadcast %neg3A_376 : f32 to vector<128xf32>
    %neg3A_378 = arith.subf %neg3A_377, %reshape3A_375 : vector<128xf32>
    %exp3A_379 = math.exp %neg3A_378 : vector<128xf32>
    %add3A_380 = arith.constant 1.000000e+00 : f32
    %add3A_381 = vector.broadcast %add3A_380 : f32 to vector<128xf32>
    %add3A_382 = arith.addf %add3A_381, %exp3A_379 : vector<128xf32>
    %div3A_383 = arith.constant 1.000000e+00 : f32
    %div3A_384 = vector.broadcast %div3A_383 : f32 to vector<128xf32>
    %div3A_385 = arith.divf %div3A_384, %add3A_382 : vector<128xf32>
    %swap3A_386 = arith.constant 2560 : index
    %swap3A_387 = vector.load %arg12[%swap3A_386] : memref<4096xf32, #tpu.memory_space<vmem>>, vector<128xf32>
    tpu.vector_store %arg12[%swap3A_386], %div3A_385 {strides = array<i32>} : memref<4096xf32, #tpu.memory_space<vmem>>, vector<128xf32>,
    %slice3A_388 = vector.extract_strided_slice %add3A_53 {offsets = [2688, 0], sizes = [128, 1], strides = [1, 1]} : vector<4096x1xf32> to vector<128x1xf32>
    %dot_general3A_389 = arith.constant dense<0.000000e+00> : vector<1x128xf32>
    %dot_general3A_390 = tpu.matmul %slice3A_388, %get3A_56, %dot_general3A_389 {dimension_numbers = #tpu.dot_dimension_numbers<[0], [0], [1], [1], [0, 1, 1, 1], [], []>, transpose_lhs_hint = false} : vector<128x1xf32>, vector<128x128xf32>, vector<1x128xf32> -> vector<1x128xf32>
    %reshape3A_391 = vector.shape_cast %dot_general3A_390 : vector<1x128xf32> to vector<128xf32>
    %neg3A_392 = arith.constant 0.000000e+00 : f32
    %neg3A_393 = vector.broadcast %neg3A_392 : f32 to vector<128xf32>
    %neg3A_394 = arith.subf %neg3A_393, %reshape3A_391 : vector<128xf32>
    %exp3A_395 = math.exp %neg3A_394 : vector<128xf32>
    %add3A_396 = arith.constant 1.000000e+00 : f32
    %add3A_397 = vector.broadcast %add3A_396 : f32 to vector<128xf32>
    %add3A_398 = arith.addf %add3A_397, %exp3A_395 : vector<128xf32>
    %div3A_399 = arith.constant 1.000000e+00 : f32
    %div3A_400 = vector.broadcast %div3A_399 : f32 to vector<128xf32>
    %div3A_401 = arith.divf %div3A_400, %add3A_398 : vector<128xf32>
    %swap3A_402 = arith.constant 2688 : index
    %swap3A_403 = vector.load %arg12[%swap3A_402] : memref<4096xf32, #tpu.memory_space<vmem>>, vector<128xf32>
    tpu.vector_store %arg12[%swap3A_402], %div3A_401 {strides = array<i32>} : memref<4096xf32, #tpu.memory_space<vmem>>, vector<128xf32>,
    %slice3A_404 = vector.extract_strided_slice %add3A_53 {offsets = [2816, 0], sizes = [128, 1], strides = [1, 1]} : vector<4096x1xf32> to vector<128x1xf32>
    %dot_general3A_405 = arith.constant dense<0.000000e+00> : vector<1x128xf32>
    %dot_general3A_406 = tpu.matmul %slice3A_404, %get3A_56, %dot_general3A_405 {dimension_numbers = #tpu.dot_dimension_numbers<[0], [0], [1], [1], [0, 1, 1, 1], [], []>, transpose_lhs_hint = false} : vector<128x1xf32>, vector<128x128xf32>, vector<1x128xf32> -> vector<1x128xf32>
    %reshape3A_407 = vector.shape_cast %dot_general3A_406 : vector<1x128xf32> to vector<128xf32>
    %neg3A_408 = arith.constant 0.000000e+00 : f32
    %neg3A_409 = vector.broadcast %neg3A_408 : f32 to vector<128xf32>
    %neg3A_410 = arith.subf %neg3A_409, %reshape3A_407 : vector<128xf32>
    %exp3A_411 = math.exp %neg3A_410 : vector<128xf32>
    %add3A_412 = arith.constant 1.000000e+00 : f32
    %add3A_413 = vector.broadcast %add3A_412 : f32 to vector<128xf32>
    %add3A_414 = arith.addf %add3A_413, %exp3A_411 : vector<128xf32>
    %div3A_415 = arith.constant 1.000000e+00 : f32
    %div3A_416 = vector.broadcast %div3A_415 : f32 to vector<128xf32>
    %div3A_417 = arith.divf %div3A_416, %add3A_414 : vector<128xf32>
    %swap3A_418 = arith.constant 2816 : index
    %swap3A_419 = vector.load %arg12[%swap3A_418] : memref<4096xf32, #tpu.memory_space<vmem>>, vector<128xf32>
    tpu.vector_store %arg12[%swap3A_418], %div3A_417 {strides = array<i32>} : memref<4096xf32, #tpu.memory_space<vmem>>, vector<128xf32>,
    %slice3A_420 = vector.extract_strided_slice %add3A_53 {offsets = [2944, 0], sizes = [128, 1], strides = [1, 1]} : vector<4096x1xf32> to vector<128x1xf32>
    %dot_general3A_421 = arith.constant dense<0.000000e+00> : vector<1x128xf32>
    %dot_general3A_422 = tpu.matmul %slice3A_420, %get3A_56, %dot_general3A_421 {dimension_numbers = #tpu.dot_dimension_numbers<[0], [0], [1], [1], [0, 1, 1, 1], [], []>, transpose_lhs_hint = false} : vector<128x1xf32>, vector<128x128xf32>, vector<1x128xf32> -> vector<1x128xf32>
    %reshape3A_423 = vector.shape_cast %dot_general3A_422 : vector<1x128xf32> to vector<128xf32>
    %neg3A_424 = arith.constant 0.000000e+00 : f32
    %neg3A_425 = vector.broadcast %neg3A_424 : f32 to vector<128xf32>
    %neg3A_426 = arith.subf %neg3A_425, %reshape3A_423 : vector<128xf32>
    %exp3A_427 = math.exp %neg3A_426 : vector<128xf32>
    %add3A_428 = arith.constant 1.000000e+00 : f32
    %add3A_429 = vector.broadcast %add3A_428 : f32 to vector<128xf32>
    %add3A_430 = arith.addf %add3A_429, %exp3A_427 : vector<128xf32>
    %div3A_431 = arith.constant 1.000000e+00 : f32
    %div3A_432 = vector.broadcast %div3A_431 : f32 to vector<128xf32>
    %div3A_433 = arith.divf %div3A_432, %add3A_430 : vector<128xf32>
    %swap3A_434 = arith.constant 2944 : index
    %swap3A_435 = vector.load %arg12[%swap3A_434] : memref<4096xf32, #tpu.memory_space<vmem>>, vector<128xf32>
    tpu.vector_store %arg12[%swap3A_434], %div3A_433 {strides = array<i32>} : memref<4096xf32, #tpu.memory_space<vmem>>, vector<128xf32>,
    %slice3A_436 = vector.extract_strided_slice %add3A_53 {offsets = [3072, 0], sizes = [128, 1], strides = [1, 1]} : vector<4096x1xf32> to vector<128x1xf32>
    %dot_general3A_437 = arith.constant dense<0.000000e+00> : vector<1x128xf32>
    %dot_general3A_438 = tpu.matmul %slice3A_436, %get3A_56, %dot_general3A_437 {dimension_numbers = #tpu.dot_dimension_numbers<[0], [0], [1], [1], [0, 1, 1, 1], [], []>, transpose_lhs_hint = false} : vector<128x1xf32>, vector<128x128xf32>, vector<1x128xf32> -> vector<1x128xf32>
    %reshape3A_439 = vector.shape_cast %dot_general3A_438 : vector<1x128xf32> to vector<128xf32>
    %neg3A_440 = arith.constant 0.000000e+00 : f32
    %neg3A_441 = vector.broadcast %neg3A_440 : f32 to vector<128xf32>
    %neg3A_442 = arith.subf %neg3A_441, %reshape3A_439 : vector<128xf32>
    %exp3A_443 = math.exp %neg3A_442 : vector<128xf32>
    %add3A_444 = arith.constant 1.000000e+00 : f32
    %add3A_445 = vector.broadcast %add3A_444 : f32 to vector<128xf32>
    %add3A_446 = arith.addf %add3A_445, %exp3A_443 : vector<128xf32>
    %div3A_447 = arith.constant 1.000000e+00 : f32
    %div3A_448 = vector.broadcast %div3A_447 : f32 to vector<128xf32>
    %div3A_449 = arith.divf %div3A_448, %add3A_446 : vector<128xf32>
    %swap3A_450 = arith.constant 3072 : index
    %swap3A_451 = vector.load %arg12[%swap3A_450] : memref<4096xf32, #tpu.memory_space<vmem>>, vector<128xf32>
    tpu.vector_store %arg12[%swap3A_450], %div3A_449 {strides = array<i32>} : memref<4096xf32, #tpu.memory_space<vmem>>, vector<128xf32>,
    %slice3A_452 = vector.extract_strided_slice %add3A_53 {offsets = [3200, 0], sizes = [128, 1], strides = [1, 1]} : vector<4096x1xf32> to vector<128x1xf32>
    %dot_general3A_453 = arith.constant dense<0.000000e+00> : vector<1x128xf32>
    %dot_general3A_454 = tpu.matmul %slice3A_452, %get3A_56, %dot_general3A_453 {dimension_numbers = #tpu.dot_dimension_numbers<[0], [0], [1], [1], [0, 1, 1, 1], [], []>, transpose_lhs_hint = false} : vector<128x1xf32>, vector<128x128xf32>, vector<1x128xf32> -> vector<1x128xf32>
    %reshape3A_455 = vector.shape_cast %dot_general3A_454 : vector<1x128xf32> to vector<128xf32>
    %neg3A_456 = arith.constant 0.000000e+00 : f32
    %neg3A_457 = vector.broadcast %neg3A_456 : f32 to vector<128xf32>
    %neg3A_458 = arith.subf %neg3A_457, %reshape3A_455 : vector<128xf32>
    %exp3A_459 = math.exp %neg3A_458 : vector<128xf32>
    %add3A_460 = arith.constant 1.000000e+00 : f32
    %add3A_461 = vector.broadcast %add3A_460 : f32 to vector<128xf32>
    %add3A_462 = arith.addf %add3A_461, %exp3A_459 : vector<128xf32>
    %div3A_463 = arith.constant 1.000000e+00 : f32
    %div3A_464 = vector.broadcast %div3A_463 : f32 to vector<128xf32>
    %div3A_465 = arith.divf %div3A_464, %add3A_462 : vector<128xf32>
    %swap3A_466 = arith.constant 3200 : index
    %swap3A_467 = vector.load %arg12[%swap3A_466] : memref<4096xf32, #tpu.memory_space<vmem>>, vector<128xf32>
    tpu.vector_store %arg12[%swap3A_466], %div3A_465 {strides = array<i32>} : memref<4096xf32, #tpu.memory_space<vmem>>, vector<128xf32>,
    %slice3A_468 = vector.extract_strided_slice %add3A_53 {offsets = [3328, 0], sizes = [128, 1], strides = [1, 1]} : vector<4096x1xf32> to vector<128x1xf32>
    %dot_general3A_469 = arith.constant dense<0.000000e+00> : vector<1x128xf32>
    %dot_general3A_470 = tpu.matmul %slice3A_468, %get3A_56, %dot_general3A_469 {dimension_numbers = #tpu.dot_dimension_numbers<[0], [0], [1], [1], [0, 1, 1, 1], [], []>, transpose_lhs_hint = false} : vector<128x1xf32>, vector<128x128xf32>, vector<1x128xf32> -> vector<1x128xf32>
    %reshape3A_471 = vector.shape_cast %dot_general3A_470 : vector<1x128xf32> to vector<128xf32>
    %neg3A_472 = arith.constant 0.000000e+00 : f32
    %neg3A_473 = vector.broadcast %neg3A_472 : f32 to vector<128xf32>
    %neg3A_474 = arith.subf %neg3A_473, %reshape3A_471 : vector<128xf32>
    %exp3A_475 = math.exp %neg3A_474 : vector<128xf32>
    %add3A_476 = arith.constant 1.000000e+00 : f32
    %add3A_477 = vector.broadcast %add3A_476 : f32 to vector<128xf32>
    %add3A_478 = arith.addf %add3A_477, %exp3A_475 : vector<128xf32>
    %div3A_479 = arith.constant 1.000000e+00 : f32
    %div3A_480 = vector.broadcast %div3A_479 : f32 to vector<128xf32>
    %div3A_481 = arith.divf %div3A_480, %add3A_478 : vector<128xf32>
    %swap3A_482 = arith.constant 3328 : index
    %swap3A_483 = vector.load %arg12[%swap3A_482] : memref<4096xf32, #tpu.memory_space<vmem>>, vector<128xf32>
    tpu.vector_store %arg12[%swap3A_482], %div3A_481 {strides = array<i32>} : memref<4096xf32, #tpu.memory_space<vmem>>, vector<128xf32>,
    %slice3A_484 = vector.extract_strided_slice %add3A_53 {offsets = [3456, 0], sizes = [128, 1], strides = [1, 1]} : vector<4096x1xf32> to vector<128x1xf32>
    %dot_general3A_485 = arith.constant dense<0.000000e+00> : vector<1x128xf32>
    %dot_general3A_486 = tpu.matmul %slice3A_484, %get3A_56, %dot_general3A_485 {dimension_numbers = #tpu.dot_dimension_numbers<[0], [0], [1], [1], [0, 1, 1, 1], [], []>, transpose_lhs_hint = false} : vector<128x1xf32>, vector<128x128xf32>, vector<1x128xf32> -> vector<1x128xf32>
    %reshape3A_487 = vector.shape_cast %dot_general3A_486 : vector<1x128xf32> to vector<128xf32>
    %neg3A_488 = arith.constant 0.000000e+00 : f32
    %neg3A_489 = vector.broadcast %neg3A_488 : f32 to vector<128xf32>
    %neg3A_490 = arith.subf %neg3A_489, %reshape3A_487 : vector<128xf32>
    %exp3A_491 = math.exp %neg3A_490 : vector<128xf32>
    %add3A_492 = arith.constant 1.000000e+00 : f32
    %add3A_493 = vector.broadcast %add3A_492 : f32 to vector<128xf32>
    %add3A_494 = arith.addf %add3A_493, %exp3A_491 : vector<128xf32>
    %div3A_495 = arith.constant 1.000000e+00 : f32
    %div3A_496 = vector.broadcast %div3A_495 : f32 to vector<128xf32>
    %div3A_497 = arith.divf %div3A_496, %add3A_494 : vector<128xf32>
    %swap3A_498 = arith.constant 3456 : index
    %swap3A_499 = vector.load %arg12[%swap3A_498] : memref<4096xf32, #tpu.memory_space<vmem>>, vector<128xf32>
    tpu.vector_store %arg12[%swap3A_498], %div3A_497 {strides = array<i32>} : memref<4096xf32, #tpu.memory_space<vmem>>, vector<128xf32>,
    %slice3A_500 = vector.extract_strided_slice %add3A_53 {offsets = [3584, 0], sizes = [128, 1], strides = [1, 1]} : vector<4096x1xf32> to vector<128x1xf32>
    %dot_general3A_501 = arith.constant dense<0.000000e+00> : vector<1x128xf32>
    %dot_general3A_502 = tpu.matmul %slice3A_500, %get3A_56, %dot_general3A_501 {dimension_numbers = #tpu.dot_dimension_numbers<[0], [0], [1], [1], [0, 1, 1, 1], [], []>, transpose_lhs_hint = false} : vector<128x1xf32>, vector<128x128xf32>, vector<1x128xf32> -> vector<1x128xf32>
    %reshape3A_503 = vector.shape_cast %dot_general3A_502 : vector<1x128xf32> to vector<128xf32>
    %neg3A_504 = arith.constant 0.000000e+00 : f32
    %neg3A_505 = vector.broadcast %neg3A_504 : f32 to vector<128xf32>
    %neg3A_506 = arith.subf %neg3A_505, %reshape3A_503 : vector<128xf32>
    %exp3A_507 = math.exp %neg3A_506 : vector<128xf32>
    %add3A_508 = arith.constant 1.000000e+00 : f32
    %add3A_509 = vector.broadcast %add3A_508 : f32 to vector<128xf32>
    %add3A_510 = arith.addf %add3A_509, %exp3A_507 : vector<128xf32>
    %div3A_511 = arith.constant 1.000000e+00 : f32
    %div3A_512 = vector.broadcast %div3A_511 : f32 to vector<128xf32>
    %div3A_513 = arith.divf %div3A_512, %add3A_510 : vector<128xf32>
    %swap3A_514 = arith.constant 3584 : index
    %swap3A_515 = vector.load %arg12[%swap3A_514] : memref<4096xf32, #tpu.memory_space<vmem>>, vector<128xf32>
    tpu.vector_store %arg12[%swap3A_514], %div3A_513 {strides = array<i32>} : memref<4096xf32, #tpu.memory_space<vmem>>, vector<128xf32>,
    %slice3A_516 = vector.extract_strided_slice %add3A_53 {offsets = [3712, 0], sizes = [128, 1], strides = [1, 1]} : vector<4096x1xf32> to vector<128x1xf32>
    %dot_general3A_517 = arith.constant dense<0.000000e+00> : vector<1x128xf32>
    %dot_general3A_518 = tpu.matmul %slice3A_516, %get3A_56, %dot_general3A_517 {dimension_numbers = #tpu.dot_dimension_numbers<[0], [0], [1], [1], [0, 1, 1, 1], [], []>, transpose_lhs_hint = false} : vector<128x1xf32>, vector<128x128xf32>, vector<1x128xf32> -> vector<1x128xf32>
    %reshape3A_519 = vector.shape_cast %dot_general3A_518 : vector<1x128xf32> to vector<128xf32>
    %neg3A_520 = arith.constant 0.000000e+00 : f32
    %neg3A_521 = vector.broadcast %neg3A_520 : f32 to vector<128xf32>
    %neg3A_522 = arith.subf %neg3A_521, %reshape3A_519 : vector<128xf32>
    %exp3A_523 = math.exp %neg3A_522 : vector<128xf32>
    %add3A_524 = arith.constant 1.000000e+00 : f32
    %add3A_525 = vector.broadcast %add3A_524 : f32 to vector<128xf32>
    %add3A_526 = arith.addf %add3A_525, %exp3A_523 : vector<128xf32>
    %div3A_527 = arith.constant 1.000000e+00 : f32
    %div3A_528 = vector.broadcast %div3A_527 : f32 to vector<128xf32>
    %div3A_529 = arith.divf %div3A_528, %add3A_526 : vector<128xf32>
    %swap3A_530 = arith.constant 3712 : index
    %swap3A_531 = vector.load %arg12[%swap3A_530] : memref<4096xf32, #tpu.memory_space<vmem>>, vector<128xf32>
    tpu.vector_store %arg12[%swap3A_530], %div3A_529 {strides = array<i32>} : memref<4096xf32, #tpu.memory_space<vmem>>, vector<128xf32>,
    %slice3A_532 = vector.extract_strided_slice %add3A_53 {offsets = [3840, 0], sizes = [128, 1], strides = [1, 1]} : vector<4096x1xf32> to vector<128x1xf32>
    %dot_general3A_533 = arith.constant dense<0.000000e+00> : vector<1x128xf32>
    %dot_general3A_534 = tpu.matmul %slice3A_532, %get3A_56, %dot_general3A_533 {dimension_numbers = #tpu.dot_dimension_numbers<[0], [0], [1], [1], [0, 1, 1, 1], [], []>, transpose_lhs_hint = false} : vector<128x1xf32>, vector<128x128xf32>, vector<1x128xf32> -> vector<1x128xf32>
    %reshape3A_535 = vector.shape_cast %dot_general3A_534 : vector<1x128xf32> to vector<128xf32>
    %neg3A_536 = arith.constant 0.000000e+00 : f32
    %neg3A_537 = vector.broadcast %neg3A_536 : f32 to vector<128xf32>
    %neg3A_538 = arith.subf %neg3A_537, %reshape3A_535 : vector<128xf32>
    %exp3A_539 = math.exp %neg3A_538 : vector<128xf32>
    %add3A_540 = arith.constant 1.000000e+00 : f32
    %add3A_541 = vector.broadcast %add3A_540 : f32 to vector<128xf32>
    %add3A_542 = arith.addf %add3A_541, %exp3A_539 : vector<128xf32>
    %div3A_543 = arith.constant 1.000000e+00 : f32
    %div3A_544 = vector.broadcast %div3A_543 : f32 to vector<128xf32>
    %div3A_545 = arith.divf %div3A_544, %add3A_542 : vector<128xf32>
    %swap3A_546 = arith.constant 3840 : index
    %swap3A_547 = vector.load %arg12[%swap3A_546] : memref<4096xf32, #tpu.memory_space<vmem>>, vector<128xf32>
    tpu.vector_store %arg12[%swap3A_546], %div3A_545 {strides = array<i32>} : memref<4096xf32, #tpu.memory_space<vmem>>, vector<128xf32>,
    %slice3A_548 = vector.extract_strided_slice %add3A_53 {offsets = [3968, 0], sizes = [128, 1], strides = [1, 1]} : vector<4096x1xf32> to vector<128x1xf32>
    %dot_general3A_549 = arith.constant dense<0.000000e+00> : vector<1x128xf32>
    %dot_general3A_550 = tpu.matmul %slice3A_548, %get3A_56, %dot_general3A_549 {dimension_numbers = #tpu.dot_dimension_numbers<[0], [0], [1], [1], [0, 1, 1, 1], [], []>, transpose_lhs_hint = false} : vector<128x1xf32>, vector<128x128xf32>, vector<1x128xf32> -> vector<1x128xf32>
    %reshape3A_551 = vector.shape_cast %dot_general3A_550 : vector<1x128xf32> to vector<128xf32>
    %neg3A_552 = arith.constant 0.000000e+00 : f32
    %neg3A_553 = vector.broadcast %neg3A_552 : f32 to vector<128xf32>
    %neg3A_554 = arith.subf %neg3A_553, %reshape3A_551 : vector<128xf32>
    %exp3A_555 = math.exp %neg3A_554 : vector<128xf32>
    %add3A_556 = arith.constant 1.000000e+00 : f32
    %add3A_557 = vector.broadcast %add3A_556 : f32 to vector<128xf32>
    %add3A_558 = arith.addf %add3A_557, %exp3A_555 : vector<128xf32>
    %div3A_559 = arith.constant 1.000000e+00 : f32
    %div3A_560 = vector.broadcast %div3A_559 : f32 to vector<128xf32>
    %div3A_561 = arith.divf %div3A_560, %add3A_558 : vector<128xf32>
    %swap3A_562 = arith.constant 3968 : index
    %swap3A_563 = vector.load %arg12[%swap3A_562] : memref<4096xf32, #tpu.memory_space<vmem>>, vector<128xf32>
    tpu.vector_store %arg12[%swap3A_562], %div3A_561 {strides = array<i32>} : memref<4096xf32, #tpu.memory_space<vmem>>, vector<128xf32>,
    return
  }
  func.func @transform_0(%arg0: i32) -> (i32, i32) {
    %add3A = arith.constant 2 : i32
    %add3A_0 = arith.addi %arg0, %add3A : i32
    %c0_i32 = arith.constant 0 : i32
    %c0_i32_1 = arith.constant 0 : i32
    return %add3A_0, %c0_i32 : i32, i32
  }
  func.func @transform_1(%arg0: i32) -> (i32, i32) {
    %c0_i32 = arith.constant 0 : i32
    %c0_i32_0 = arith.constant 0 : i32
    return %arg0, %c0_i32 : i32, i32
  }
  func.func @transform_2(%arg0: i32) -> (i32, i32) {
    %c0_i32 = arith.constant 0 : i32
    %c0_i32_0 = arith.constant 0 : i32
    %c0_i32_1 = arith.constant 0 : i32
    return %c0_i32, %c0_i32_0 : i32, i32
  }
  func.func @transform_3(%arg0: i32) -> (i32, i32) {
    %c0_i32 = arith.constant 0 : i32
    %c0_i32_0 = arith.constant 0 : i32
    %c0_i32_1 = arith.constant 0 : i32
    return %c0_i32, %c0_i32_0 : i32, i32
  }
  func.func @transform_4(%arg0: i32) -> (i32, i32) {
    %c0_i32 = arith.constant 0 : i32
    %c0_i32_0 = arith.constant 0 : i32
    %c0_i32_1 = arith.constant 0 : i32
    return %c0_i32, %c0_i32_0 : i32, i32
  }
  func.func @transform_5(%arg0: i32) -> (i32, i32) {
    %c0_i32 = arith.constant 0 : i32
    %c0_i32_0 = arith.constant 0 : i32
    %c0_i32_1 = arith.constant 0 : i32
    return %c0_i32, %c0_i32_0 : i32, i32
  }
  func.func @transform_6(%arg0: i32) -> (i32, i32) {
    %c0_i32 = arith.constant 0 : i32
    %c0_i32_0 = arith.constant 0 : i32
    %c0_i32_1 = arith.constant 0 : i32
    return %c0_i32, %c0_i32_0 : i32, i32
  }
  func.func @transform_7(%arg0: i32) -> (i32, i32) {
    %c0_i32 = arith.constant 0 : i32
    %c0_i32_0 = arith.constant 0 : i32
    %c0_i32_1 = arith.constant 0 : i32
    return %c0_i32, %c0_i32_0 : i32, i32
  }
  func.func @transform_8(%arg0: i32) -> (i32, i32) {
    %c0_i32 = arith.constant 0 : i32
    %c0_i32_0 = arith.constant 0 : i32
    %c0_i32_1 = arith.constant 0 : i32
    return %c0_i32, %c0_i32_0 : i32, i32
  }
  func.func @transform_9(%arg0: i32) -> (i32, i32) {
    %c0_i32 = arith.constant 0 : i32
    %c0_i32_0 = arith.constant 0 : i32
    %c0_i32_1 = arith.constant 0 : i32
    return %c0_i32, %c0_i32_0 : i32, i32
  }
  func.func @transform_10(%arg0: i32) -> (i32, i32) {
    %c0_i32 = arith.constant 0 : i32
    %c0_i32_0 = arith.constant 0 : i32
    %c0_i32_1 = arith.constant 0 : i32
    return %c0_i32, %c0_i32_0 : i32, i32
  }
  func.func @transform_11(%arg0: i32) -> i32 {
    %c0_i32 = arith.constant 0 : i32
    return %arg0 : i32
  }
}

</mosaic_0001>

<sc_bundles>
// kernel: kernel.12.cloned.1.call-start
scs
__scs_entry_jumppad:
0x0: {  	(pc) =	sbr.rel $0x88, $3  }
0x1: {  	(tag) =	ssettag $0x0;
	lr =	simm.s32 $0x1  }
0x2: {  	[smem:$0x3F95] =	sst lr;
	_ =	strace $0xD0000000  }
0x3: {  	_ = 	snop  }
0x4: {  	_ = 	snop  }
0x5: {  	_ = 	snop  }
0x6: {  	_ = 	snop  }
0x7: {  	_ = 	snop  }
__scs_overlays_trampoline_lowered:
0x8: {  	[smem:$0x3FA4] =	sst s0  }
0x9: {  	[smem:$0x3FA5] =	sst s1  }
0xa: {  	[smem:$0x3FA6] =	sst s2  }
0xb: {  	[smem:$0x3FA7] =	sst s3  }
0xc: {  	[smem:$0x3FA8] =	sst s4  }
0xd: {  	[smem:$0x3FA9] =	sst s5  }
0xe: {  	[smem:$0x3FAA] =	sst s6  }
0xf: {  	[smem:$0x3FAB] =	sst s7  }
0x10: {  	[smem:$0x3FAC] =	sst s8  }
0x11: {  	[smem:$0x3FAD] =	sst s9;
	s0 =	simm.s32 @!p0 $0x0  }
0x12: {  	s1 =	sld [smem:$0x3F93];
	s0 =	simm.s32 @p0 $0x1  }
0x13: {  	[smem:$0x3FAE] =	sst s0;
	s0 =	simm.s32 @!p1 $0x0  }
0x14: {  	s2 =	sld [smem:$0x3F92];
	s0 =	simm.s32 @p1 $0x1  }
0x15: {  	[smem:$0x3FAF] =	sst s0;
	s0 =	simm.s32 @!p2 $0x0  }
0x16: {  	s3 =	sld [smem:$0x3FDB];
	s0 =	simm.s32 @p2 $0x1  }
0x17: {  	s4 =	simm.s32 $0x1BF5;
	[smem:$0x3FB1] =	sst s0  }
0x18: {  	s0 =	sld [smem:$0x3F94];
	_ =	swait.ge [sflag:s4], $0x0  }
0x19: {  	s7 =	sld [smem:$0x3F95]  }
0x1a: {  	s8 =	sadd.s32 $0xFFFFE003, lr  }
0x1b: {  	s9 =	sadd.s32 $0xFFFFFEF7, lr;
	s5 =	simm.s32 $0xFFFFFFFF;
	p2 =	slt.u32 s8, $0xFFFFF086  }
0x1c: {  	p1 =	slt.u32 s9, $0xF7A;
	s5 =	simm.s32 @!p2 $0x0  }
0x1d: {  	s5 =	simm.s32 @p1 $0x1;
	p0 =	seq.s32 s7, s2  }
0x1e: {  	s7 =	smul.u32 @!p0 $0xF7A, s2;
	p2 =	seq.s32 @!p0 s5, $0x0  }
0x1f: {  	s9 =	smul.u32 $0xF7A, s1;
	s8 =	simm.s32 @!p0 $0x1BF5;
	p2 =	por !p2, p0  }
0x20: {  	[sflag:s8] =	ssyncset.s32 @!p0 $0xFFFFF086;
	s6 =	sadd.s32 @!p0 s3, s7;
	s7 =	simm.s32 @!p0 $0x108  }
0x21: {  	s3 =	sadd.s32 s3, s9;
	s6 =	sadd.s32 @!p0 $0x88, s6;
	s7 =	simm.s32 @p2 $0x1082  }
0x22: {  	[simem:s7], [sflag:s8] =	dma.local @!p0 [hbm:s6], $0xF7A  }
0x23: {  	s9 =	sor.u32 $0xD0000000, s2;
	s6 =	simm.s32 $0x108;
	_ =	swait.ge @!p0 [sflag:s8], $0x0  }
0x24: {  	s3 =	sadd.s32 $0x88, s3;
	s6 =	simm.s32 @!p1 $0x1082;
	[sflag:s4] =	ssyncset.s32 $0xFFFFF086  }
0x25: {  	[simem:s6], [sflag:s4] =	dma.local [hbm:s3], $0xF7A  }
0x26: {  	[smem:$0x3F95] =	sst s1;
	(tag) =	ssettag s2;
	_ =	strace s9  }
0x27: {  	s1 =	sld [smem:$0x3FA5]  }
0x28: {  	s2 =	sld [smem:$0x3FA6]  }
0x29: {  	s4 =	sld [smem:$0x3FA8]  }
0x2a: {  	p0 =	seq.s32 s5, $0x0;
	s5 =	sld [smem:$0x3FA9]  }
0x2b: {  	s6 =	sld [smem:$0x3FAA]  }
0x2c: {  	s7 =	sld [smem:$0x3FAB]  }
0x2d: {  	s3 =	simm.s32 $0x108;
	s8 =	sld [smem:$0x3FAC]  }
0x2e: {  	s3 =	simm.s32 @!p0 $0x1082;
	s9 =	sld [smem:$0x3FAD]  }
0x2f: {  	lr =	sadd.s32 s0, s3;
	s0 =	sld [smem:$0x3FA4]  }
0x30: {  	s3 =	sld [smem:$0x3FA7]  }
0x31: {  	[smem:$0x3FB0] =	sst s10  }
0x32: {  	s10 =	sld [smem:$0x3FAE];
	_ =	sdelay $0x3  }
0x33: {  	p0 =	seq.s32 s10, $0x1;
	s10 =	sld [smem:$0x3FB0];
	_ =	sdelay $0x3  }
0x34: {  	[smem:$0x3FB0] =	sst s10  }
0x35: {  	s10 =	sld [smem:$0x3FAF];
	_ =	sdelay $0x3  }
0x36: {  	p1 =	seq.s32 s10, $0x1;
	s10 =	sld [smem:$0x3FB0];
	_ =	sdelay $0x3  }
0x37: {  	[smem:$0x3FB0] =	sst s10  }
0x38: {  	s10 =	sld [smem:$0x3FB1]  }
0x39: {  	_ = 	snop;
	(pc) =	sbr.ind lr, $3  }
0x3a: {  	_ = 	snop  }
0x3b: {  	_ = 	snop  }
0x3c: {  	p2 =	seq.s32 s10, $0x1;
	s10 =	sld [smem:$0x3FB0]  }
0x3d: {  	_ =	shalt  }
0x3e: {  	_ =	shalt  }
0x3f: {  	_ =	shalt  }
0x40: {  	_ =	shalt  }
0x41: {  	_ =	shalt  }
0x42: {  	_ =	shalt  }
0x43: {  	_ =	shalt  }
0x44: {  	_ =	shalt  }
0x45: {  	_ =	shalt  }
0x46: {  	_ =	shalt  }
0x47: {  	_ =	shalt  }
0x48: {  	_ =	shalt  }
0x49: {  	_ =	shalt  }
0x4a: {  	_ =	shalt  }
0x4b: {  	_ =	shalt  }
0x4c: {  	_ =	shalt  }
0x4d: {  	_ =	shalt  }
0x4e: {  	_ =	shalt  }
0x4f: {  	_ =	shalt  }
0x50: {  	_ =	shalt  }
0x51: {  	_ =	shalt  }
0x52: {  	_ =	shalt  }
0x53: {  	_ =	shalt  }
0x54: {  	_ =	shalt  }
0x55: {  	_ =	shalt  }
0x56: {  	_ =	shalt  }
0x57: {  	_ =	shalt  }
0x58: {  	_ =	shalt  }
0x59: {  	_ =	shalt  }
0x5a: {  	_ =	shalt  }
0x5b: {  	_ =	shalt  }
0x5c: {  	_ =	shalt  }
0x5d: {  	_ =	shalt  }
0x5e: {  	_ =	shalt  }
0x5f: {  	_ =	shalt  }
0x60: {  	_ =	shalt  }
0x61: {  	_ =	shalt  }
0x62: {  	_ =	shalt  }
0x63: {  	_ =	shalt  }
0x64: {  	_ =	shalt  }
0x65: {  	_ =	shalt  }
0x66: {  	_ =	shalt  }
0x67: {  	_ =	shalt  }
0x68: {  	_ =	shalt  }
0x69: {  	_ =	shalt  }
0x6a: {  	_ =	shalt  }
0x6b: {  	_ =	shalt  }
0x6c: {  	_ =	shalt  }
0x6d: {  	_ =	shalt  }
0x6e: {  	_ =	shalt  }
0x6f: {  	_ =	shalt  }
0x70: {  	_ =	shalt  }
0x71: {  	_ =	shalt  }
0x72: {  	_ =	shalt  }
0x73: {  	_ =	shalt  }
0x74: {  	_ =	shalt  }
0x75: {  	_ =	shalt  }
0x76: {  	_ =	shalt  }
0x77: {  	_ =	shalt  }
0x78: {  	_ =	shalt  }
0x79: {  	_ =	shalt  }
0x7a: {  	_ =	shalt  }
0x7b: {  	_ =	shalt  }
0x7c: {  	_ =	shalt  }
0x7d: {  	_ =	shalt  }
0x7e: {  	_ =	shalt  }
0x7f: {  	_ =	shalt  }
0x80: {  	_ =	shalt  }
0x81: {  	_ =	shalt  }
0x82: {  	_ =	shalt  }
0x83: {  	_ =	shalt  }
0x84: {  	_ =	shalt  }
0x85: {  	_ =	shalt  }
0x86: {  	_ =	shalt  }
0x87: {  	_ =	shalt  }
.Lfunc_end0:
.L_simem_size_0:
called_computation.1_lowered:
.L_overlay_start_0:
0x88: {  	s2 =	sld [smem:$0x3FD9]  }
0x89: {  	s3 =	sld [smem:$0x3FFE];
	_ =	sdelay $0x1  }
0x8a: {  	s1 =	srdreg.scid  }
0x8b: {  	s0 =	sand.u32 $0x1, s1  }
0x8c: {  	s17 =	sshll.u32 s0, $0xA;
	s2 =	sadd.s32 s3, s2  }
0x8d: {  	s2 =	sadd.s32 s2, s17  }
0x8e: {  	[smem:$0x3FBC] =	sst s2  }
0x8f: {  	_ = 	snop  }
0x90: {  	s18 =	sld [smem:$0x3FD0];
	(tm) =	ssettm $0x1  }
0x91: {  	s19 =	sld [smem:$0x3FFB];
	_ =	sdelay $0x3  }
0x92: {  	_ =	strace s19  }
0x93: {  	s2 =	sld [smem:$0x3FFC];
	_ =	sdelay $0x3  }
0x94: {  	_ =	strace s2  }
0x95: {  	s2 =	sld [smem:$0x3FFD];
	_ =	sdelay $0x3  }
0x96: {  	_ =	strace s2  }
0x97: {  	_ =	strace $0x8FFFFFFF  }
0x98: {  	s20 =	sld [smem:$0x3FDB];
	_ =	sdelay $0x1  }
0x99: {  	s4 =	simm.s32 $_scs_section_size  }
0x9a: {  	s5 =	simm.s32 $_size__tile_overlayer_lowered;
	s6 =	simm.s32 $_tile_overlayer_lowered  }
0x9b: {  	s7 =	simm.s32 $0x1BFF;
	s21 =	sshll.u32 s6, $0x1;
	s4 =	sadd.s32 s4, s20  }
0x9c: {  	s22 =	simm.s32 $0x0;
	s5 =	sshll.u32 s5, $0x1;
	s6 =	sadd.s32 s21, s4  }
0x9d: {  	[timem:s22], [sflag:s7] =	dma.local [hbm:s6], s5  }
0x9e: {  	_ =	swait.ge [sflag:s7], s5  }
0x9f: {  	s5 =	ssub.s32 $0x0, s5;
	[sflag:s7] =	ssyncset.done $0x0  }
0xa0: {  	[sflag:s7] =	ssyncadd.s32 s5;
	_ =	sdelay $0x1  }
0xa1: {  	s23 =	simm.s32 $0x1B8B  }
0xa2: {  	_ =	swait.ge [sflag:s23], $0x1  }
0xa3: {  	[sflag:s23] =	ssyncset.done $0x0  }
0xa4: {  	[sflag:s23] =	ssyncadd.s32 $0xFFFFFFFF  }
0xa5: {  	s5 =	sld [smem:$0x0]  }
0xa6: {  	s6 =	sand.u32 $0xFFFFFFFE, s1  }
0xa7: {  	p0 =	sne.s32 s1, s6  }
0xa8: {  	s6 =	sshll.u32 @p0 s6, $0xE  }
0xa9: {  	s6 =	sadd.s32 @p0 $0x11B8D, s6;
	s7 =	sshll.u32 @p0 s5, $0x11  }
0xaa: {  	s6 =	sor.u32 @p0 s7, s6  }
0xab: {  	[sflag:s6] =	ssyncadd.remote.s32 @p0 $0x1;
	_ =	sdelay $0x1  }
0xac: {  	s6 =	simm.s32 @p0 $0x1B8D  }
0xad: {  	_ =	swait.eq @p0 [sflag:s6], $0x1  }
0xae: {  	[sflag:s6] =	ssyncadd.s32 @p0 $0xFFFFFFFF  }
0xaf: {  	s7 =	sshll.u32 @!p0 s1, $0xE  }
0xb0: {  	s7 =	sor.u32 @!p0 $0x4000, s7;
	s6 =	simm.s32 @!p0 $0x1B8D  }
0xb1: {  	s5 =	sshll.u32 @!p0 s5, $0x11;
	s7 =	sadd.s32 @!p0 $0x11B8D, s7;
	_ =	swait.eq @!p0 [sflag:s6], $0x1  }
0xb2: {  	s5 =	sor.u32 @!p0 s5, s7;
	[sflag:s6] =	ssyncadd.s32 @!p0 $0xFFFFFFFF  }
0xb3: {  	s25 =	simm.s32 $0x1B8E;
	s24 =	sld [smem:$0x3FFE];
	[sflag:s5] =	ssyncadd.remote.s32 @!p0 $0x1  }
0xb4: {  	s26 =	simm.s32 $execute0_lowered;
	[smem:$0x3FD2] =	sst s25  }
0xb5: {  	s6 =	sshll.u32 s26, $0x1;
	_ =	strace $0x8000004C;
	[dreg:$0x1] =	wrdreg $0xFFFFFFFF  }
0xb6: {  	s28 =	simm.s32 $_size_execute0_lowered;
	s4 =	sadd.s32 s4, s6;
	[dreg:$0x0] =	wrdreg $0x0  }
0xb7: {  	s6 =	sshll.u32 s28, $0x1;
	[dreg:$0x2] =	wrdreg s4  }
0xb8: {  	[dreg:$0x3] =	wrdreg s6  }
0xb9: {  	[dreg:$0x4] =	wrdreg $0xC0  }
0xba: {  	_ =	task [dreg:s22], $0x5FFFF  }
0xbb: {  	[dreg:$0x1] =	wrdreg $0xFFFFFFFF  }
0xbc: {  	[dreg:$0x0] =	wrdreg $0x60  }
0xbd: {  	[dreg:$0x2] =	wrdreg s18  }
0xbe: {  	[dreg:$0x3] =	wrdreg s24  }
0xbf: {  	[dreg:$0x4] =	wrdreg $0xA  }
0xc0: {  	_ =	task.clear_ibuf [dreg:s22], $0x5FFFF;
	_ =	strace $0x9000004C  }
0xc1: {  	s29 =	simm.s32 $0xA;
	_ =	strace $0x8000004E  }
0xc2: {  	_ =	swait.ge [sflag:s29], $0x1  }
0xc3: {  	[sflag:s29] =	ssyncadd.s32 $0xFFFFFFFF  }
0xc4: {  	_ =	strace $0x9000004E  }
0xc5: {  	_ =	sfence  }
0xc6: {  	s30 =	sld [smem:$0x0];
	_ =	sdelay $0x2  }
0xc7: {  	s31 =	sshll.u32 s1, $0xD;
	s1 =	sshrl.u32 s1, $0x2  }
0xc8: {  	s4 =	sand.u32 $0x4000, s31;
	s1 =	sadd.s32 s1, s30  }
0xc9: {  	s0 =	sor.u32 s4, s0;
	s1 =	sshll.u32 s1, $0x11  }
0xca: {  	s0 =	sor.u32 s1, s0  }
0xcb: {  	s0 =	sadd.s32 $0x8F2B, s0  }
0xcc: {  	[sflag:s0] =	ssyncadd.remote.s32 $0x1  }
0xcd: {  	_ =	sfence.sel $0xFFFF  }
0xce: {  	[dreg:$0x0] =	wrdreg $0xFFFFFFFF;
	(pc) =	sbr.abs _section_cstart, $3  }
0xcf: {  	[dreg:$0x1] =	wrdreg $0xFFFFFFFF  }
0xd0: {  	_ =	task.clear_ibuf [dreg:s22], $0x2FFFF;
	_ =	strace $0x9FFFFFFF  }
0xd1: {  	(tm) =	ssettm $0x7FFFFFFF  }
tec
execute0_lowered:
.L_overlay_start_1:
0x0: {  	(tag) =	ssettag $0x1  }
0x1: {  	s1 =	srdreg.scid  }
0x2: {  	s5 =	rddreg [dreg:$0x0];
	s0 =	stileid.u32;
	s13 =	sand.u32 $0x1, s1  }
0x3: {  	s11 =	rddreg [dreg:$0x1];
	s3 =	sshll.u32 s0, $0x9;
	s4 =	sshll.u32 s13, $0x8  }
0x4: {  	s2 =	simm.s32 $0x0;
	s1 =	rddreg [dreg:$0x2];
	s12 =	sor.u32 s4, s3  }
0x5: {  	[smem:$0x7FF] =	sst s2;
	s3 =	sshrl.u32 s12, $0x3  }
0x6: {  	_ =	strace $0x8000004D;
	s4 =	simm.s32 $0x5;
	s3 =	sadd.s32 s5, s3  }
0x7: {  	[tilespmem:s2], [sflag:$0x5] =	stream.linear.gather [hbm4b:s3+s2], $0x80, $0x38;
	[tilespmem:$0x8100] =	vst v63  }
0x8: {  	s14 =	sor.u32 $0x80, s12;
	_ =	swait.ge [sflag:s4], $0x80  }
0x9: {  	s6 =	sshrl.u32 s14, $0x3;
	[sflag:s4] =	ssyncset.done $0x0  }
0xa: {  	s5 =	sadd.s32 s5, s6;
	s6 =	simm.s32 $0x80;
	[sflag:s4] =	ssyncadd.s32 $0xFFFFFF80  }
0xb: {  	[tilespmem:s6], [sflag:$0x5] =	stream.linear.gather [hbm4b:s5+s2], $0x80, $0x38;
	[tilespmem:$0x8100] =	vst v63  }
0xc: {  	_ =	swait.ge [sflag:s4], $0x80  }
0xd: {  	[sflag:s4] =	ssyncset.done $0x0  }
0xe: {  	s8 =	simm.s32 $0x100;
	s7 =	sadd.s32 $0x8EA00, s11;
	[sflag:s4] =	ssyncadd.s32 $0xFFFFFF80  }
0xf: {  	[tilespmem:s8], [sflag:$0x1] =	stream.indirect.gather [hbm4b:s7+s6], $0x80, s2, s6, $0xb8;
	[tilespmem:$0x8100] =	vst v63  }
0x10: {  	s9 =	simm.s32 $0x4100;
	s10 =	simm.s32 $0x1;
	s16 =	ssub.s32 $0x2, s13  }
0x11: {  	[tilespmem:s9], [sflag:$0x2] =	stream.indirect.gather [hbm4b:s7+s6], $0x80, s6, s6, $0xb8;
	[tilespmem:$0x8100] =	vst v63  }
0x12: {  	s15 =	sadd.s32 $0xFB000, s11;
	s31 =	sshrl.u32 s16, $0x1;
	_ =	swait.ge [sflag:s10], $0x4000  }
0x13: {  	s29 =	sshll.u32 s12, $0x4;
	s12 =	simm.s32 $0x2;
	[sflag:s10] =	ssyncset.done $0x0  }
0x14: {  	s11 =	sadd.s32 s15, s29;
	s30 =	sshll.u32 s14, $0x4;
	[sflag:s10] =	ssyncadd.s32 $0xFFFFC000  }
0x15: {  	[hbm4b:s11+s2] =	stream.linear.scatter [tilespmem:s8], [sflag:$0x3], $0x4000, $0x38;
	[tilespmem:$0x8100] =	vst v63  }
0x16: {  	s13 =	sadd.s32 s15, s30;
	s15 =	ssub.s32 s16, s31;
	_ =	swait.ge [sflag:s12], $0x4000  }
0x17: {  	s16 =	smax.u32 s15, $0x1;
	[sflag:s12] =	ssyncset.done $0x0  }
0x18: {  	s14 =	simm.s32 $0x3;
	p0 =	sne.s32 s16, $0x1;
	[sflag:s12] =	ssyncadd.s32 $0xFFFFC000  }
0x19: {  	[hbm4b:s13+s2] =	stream.linear.scatter [tilespmem:s9], [sflag:$0x4], $0x4000, $0x38;
	[tilespmem:$0x8100] =	vst v63  }
.Ltmp0:
0x1a: {  	_ =	swait.ge [sflag:s14], $0x4000;
	(pc) =	sbr.rel @!p0 .LBB2_2-.Ltmp0, $4  }
0x1b: {  	[sflag:s14] =	ssyncset.done $0x0  }
0x1c: {  	s15 =	simm.s32 $0x4;
	[sflag:s14] =	ssyncadd.s32 $0xFFFFC000  }
0x1d: {  	_ =	swait.ge [sflag:s15], $0x4000  }
0x1e: {  	s16 =	sadd.s32 $0xFFFFFFFF, s16;
	[sflag:s15] =	ssyncset.done $0x0  }
.LBB2_1:
0x1f: {  	p0 =	sne.s32 s16, $0x1;
	s16 =	sadd.s32 $0xFFFFFFFF, s16;
	[sflag:s15] =	ssyncadd.s32 $0xFFFFC000  }
0x20: {  	[tilespmem:s2], [sflag:$0x5] =	stream.linear.gather [hbm4b:s3+s2], $0x80, $0x38;
	[tilespmem:$0x8100] =	vst v63  }
0x21: {  	_ =	swait.ge [sflag:s4], $0x80  }
0x22: {  	[sflag:s4] =	ssyncset.done $0x0  }
0x23: {  	[sflag:s4] =	ssyncadd.s32 $0xFFFFFF80  }
0x24: {  	[tilespmem:s6], [sflag:$0x5] =	stream.linear.gather [hbm4b:s5+s2], $0x80, $0x38;
	[tilespmem:$0x8100] =	vst v63  }
0x25: {  	_ =	swait.ge [sflag:s4], $0x80  }
0x26: {  	[sflag:s4] =	ssyncset.done $0x0  }
0x27: {  	[sflag:s4] =	ssyncadd.s32 $0xFFFFFF80  }
0x28: {  	[tilespmem:s8], [sflag:$0x1] =	stream.indirect.gather [hbm4b:s7+s6], $0x80, s2, s6, $0xb8;
	[tilespmem:$0x8100] =	vst v63  }
0x29: {  	_ = 	snop  }
0x2a: {  	[tilespmem:s9], [sflag:$0x2] =	stream.indirect.gather [hbm4b:s7+s6], $0x80, s6, s6, $0xb8;
	[tilespmem:$0x8100] =	vst v63  }
0x2b: {  	_ =	swait.ge [sflag:s10], $0x4000  }
0x2c: {  	[sflag:s10] =	ssyncset.done $0x0  }
0x2d: {  	[sflag:s10] =	ssyncadd.s32 $0xFFFFC000  }
0x2e: {  	[hbm4b:s11+s2] =	stream.linear.scatter [tilespmem:s8], [sflag:$0x3], $0x4000, $0x38;
	[tilespmem:$0x8100] =	vst v63  }
0x2f: {  	_ =	swait.ge [sflag:s12], $0x4000  }
0x30: {  	[sflag:s12] =	ssyncset.done $0x0  }
0x31: {  	[sflag:s12] =	ssyncadd.s32 $0xFFFFC000  }
0x32: {  	[hbm4b:s13+s2] =	stream.linear.scatter [tilespmem:s9], [sflag:$0x4], $0x4000, $0x38;
	[tilespmem:$0x8100] =	vst v63  }
.Ltmp1:
0x33: {  	_ =	swait.ge [sflag:s14], $0x4000;
	(pc) =	sbr.rel @p0 .LBB2_1-.Ltmp1, $4  }
0x34: {  	[sflag:s14] =	ssyncset.done $0x0  }
0x35: {  	[sflag:s14] =	ssyncadd.s32 $0xFFFFC000  }
0x36: {  	_ =	swait.ge [sflag:s15], $0x4000  }
0x37: {  	[sflag:s15] =	ssyncset.done $0x0  }
.LBB2_2:
0x38: {  	[sflag:s15] =	ssyncadd.s32 $0xFFFFC000  }
0x39: {  	_ =	sfence.sel $0x180000  }
0x3a: {  	[bflag:$0x0] =	sbarrier.arrive $0xFFFF  }
0x3b: {  	p0 =	sne.s32 s0, $0x0;
	_ =	strace $0x9000004D  }
0x3c: {  	s0 =	sadd.s32 @!p0 $0x100000, s1;
	[bflag:$0x2] =	sbarrier.arrive $0xFFFF  }
0x3d: {  	[sflag:s0] =	ssyncadd.tile.s32 @!p0 $0x1;
	_ =	shalt  }
.Lfunc_end2:
_tile_overlayer_lowered:
.L_overlay_start_2:
0x3e: {  	(tag) =	ssettag $0x2  }
0x3f: {  	s0 =	rddreg [dreg:$0x0];
	s2 =	stileid.u32  }
0x40: {  	s1 =	rddreg [dreg:$0x1];
	p0 =	sne.s32 s2, $0x0  }
0x41: {  	s3 =	rddreg [dreg:$0x2];
	[bflag:$0x3] =	sbarrier.arrive $0xFFFF;
	s2 =	simm.s32 @!p0 $0x1C05  }
0x42: {  	[timem:s3], [sflag:s2] =	dma.local @!p0 [hbm:s0], s1  }
0x43: {  	s0 =	simm.s32 @!p0 $0x5  }
0x44: {  	_ =	swait.ge @!p0 [sflag:s0], s1  }
0x45: {  	s1 =	ssub.s32 @!p0 $0x0, s1;
	[sflag:s0] =	ssyncset.done @!p0 $0x0  }
0x46: {  	[sflag:s0] =	ssyncadd.s32 @!p0 s1  }
0x47: {  	[bflag:$0x3] =	sbarrier.arrive $0xFFFF  }
0x48: {  	_ =	shalt  }

// kernel: kernel.15.cloned.1.call-start
scs
__scs_entry_jumppad:
0x0: {  	(pc) =	sbr.rel $0x88, $3  }
0x1: {  	(tag) =	ssettag $0x0;
	lr =	simm.s32 $0x1  }
0x2: {  	[smem:$0x3F95] =	sst lr;
	_ =	strace $0xD0000000  }
0x3: {  	_ = 	snop  }
0x4: {  	_ = 	snop  }
0x5: {  	_ = 	snop  }
0x6: {  	_ = 	snop  }
0x7: {  	_ = 	snop  }
__scs_overlays_trampoline_lowered:
0x8: {  	[smem:$0x3FA4] =	sst s0  }
0x9: {  	[smem:$0x3FA5] =	sst s1  }
0xa: {  	[smem:$0x3FA6] =	sst s2  }
0xb: {  	[smem:$0x3FA7] =	sst s3  }
0xc: {  	[smem:$0x3FA8] =	sst s4  }
0xd: {  	[smem:$0x3FA9] =	sst s5  }
0xe: {  	[smem:$0x3FAA] =	sst s6  }
0xf: {  	[smem:$0x3FAB] =	sst s7  }
0x10: {  	[smem:$0x3FAC] =	sst s8  }
0x11: {  	[smem:$0x3FAD] =	sst s9;
	s0 =	simm.s32 @!p0 $0x0  }
0x12: {  	s1 =	sld [smem:$0x3F93];
	s0 =	simm.s32 @p0 $0x1  }
0x13: {  	[smem:$0x3FAE] =	sst s0;
	s0 =	simm.s32 @!p1 $0x0  }
0x14: {  	s2 =	sld [smem:$0x3F92];
	s0 =	simm.s32 @p1 $0x1  }
0x15: {  	[smem:$0x3FAF] =	sst s0;
	s0 =	simm.s32 @!p2 $0x0  }
0x16: {  	s3 =	sld [smem:$0x3FDB];
	s0 =	simm.s32 @p2 $0x1  }
0x17: {  	s4 =	simm.s32 $0x1BF5;
	[smem:$0x3FB1] =	sst s0  }
0x18: {  	s0 =	sld [smem:$0x3F94];
	_ =	swait.ge [sflag:s4], $0x0  }
0x19: {  	s7 =	sld [smem:$0x3F95]  }
0x1a: {  	s8 =	sadd.s32 $0xFFFFE003, lr  }
0x1b: {  	s9 =	sadd.s32 $0xFFFFFEF7, lr;
	s5 =	simm.s32 $0xFFFFFFFF;
	p2 =	slt.u32 s8, $0xFFFFF086  }
0x1c: {  	p1 =	slt.u32 s9, $0xF7A;
	s5 =	simm.s32 @!p2 $0x0  }
0x1d: {  	s5 =	simm.s32 @p1 $0x1;
	p0 =	seq.s32 s7, s2  }
0x1e: {  	s7 =	smul.u32 @!p0 $0xF7A, s2;
	p2 =	seq.s32 @!p0 s5, $0x0  }
0x1f: {  	s9 =	smul.u32 $0xF7A, s1;
	s8 =	simm.s32 @!p0 $0x1BF5;
	p2 =	por !p2, p0  }
0x20: {  	[sflag:s8] =	ssyncset.s32 @!p0 $0xFFFFF086;
	s6 =	sadd.s32 @!p0 s3, s7;
	s7 =	simm.s32 @!p0 $0x108  }
0x21: {  	s3 =	sadd.s32 s3, s9;
	s6 =	sadd.s32 @!p0 $0x88, s6;
	s7 =	simm.s32 @p2 $0x1082  }
0x22: {  	[simem:s7], [sflag:s8] =	dma.local @!p0 [hbm:s6], $0xF7A  }
0x23: {  	s9 =	sor.u32 $0xD0000000, s2;
	s6 =	simm.s32 $0x108;
	_ =	swait.ge @!p0 [sflag:s8], $0x0  }
0x24: {  	s3 =	sadd.s32 $0x88, s3;
	s6 =	simm.s32 @!p1 $0x1082;
	[sflag:s4] =	ssyncset.s32 $0xFFFFF086  }
0x25: {  	[simem:s6], [sflag:s4] =	dma.local [hbm:s3], $0xF7A  }
0x26: {  	[smem:$0x3F95] =	sst s1;
	(tag) =	ssettag s2;
	_ =	strace s9  }
0x27: {  	s1 =	sld [smem:$0x3FA5]  }
0x28: {  	s2 =	sld [smem:$0x3FA6]  }
0x29: {  	s4 =	sld [smem:$0x3FA8]  }
0x2a: {  	p0 =	seq.s32 s5, $0x0;
	s5 =	sld [smem:$0x3FA9]  }
0x2b: {  	s6 =	sld [smem:$0x3FAA]  }
0x2c: {  	s7 =	sld [smem:$0x3FAB]  }
0x2d: {  	s3 =	simm.s32 $0x108;
	s8 =	sld [smem:$0x3FAC]  }
0x2e: {  	s3 =	simm.s32 @!p0 $0x1082;
	s9 =	sld [smem:$0x3FAD]  }
0x2f: {  	lr =	sadd.s32 s0, s3;
	s0 =	sld [smem:$0x3FA4]  }
0x30: {  	s3 =	sld [smem:$0x3FA7]  }
0x31: {  	[smem:$0x3FB0] =	sst s10  }
0x32: {  	s10 =	sld [smem:$0x3FAE];
	_ =	sdelay $0x3  }
0x33: {  	p0 =	seq.s32 s10, $0x1;
	s10 =	sld [smem:$0x3FB0];
	_ =	sdelay $0x3  }
0x34: {  	[smem:$0x3FB0] =	sst s10  }
0x35: {  	s10 =	sld [smem:$0x3FAF];
	_ =	sdelay $0x3  }
0x36: {  	p1 =	seq.s32 s10, $0x1;
	s10 =	sld [smem:$0x3FB0];
	_ =	sdelay $0x3  }
0x37: {  	[smem:$0x3FB0] =	sst s10  }
0x38: {  	s10 =	sld [smem:$0x3FB1]  }
0x39: {  	_ = 	snop;
	(pc) =	sbr.ind lr, $3  }
0x3a: {  	_ = 	snop  }
0x3b: {  	_ = 	snop  }
0x3c: {  	p2 =	seq.s32 s10, $0x1;
	s10 =	sld [smem:$0x3FB0]  }
0x3d: {  	_ =	shalt  }
0x3e: {  	_ =	shalt  }
0x3f: {  	_ =	shalt  }
0x40: {  	_ =	shalt  }
0x41: {  	_ =	shalt  }
0x42: {  	_ =	shalt  }
0x43: {  	_ =	shalt  }
0x44: {  	_ =	shalt  }
0x45: {  	_ =	shalt  }
0x46: {  	_ =	shalt  }
0x47: {  	_ =	shalt  }
0x48: {  	_ =	shalt  }
0x49: {  	_ =	shalt  }
0x4a: {  	_ =	shalt  }
0x4b: {  	_ =	shalt  }
0x4c: {  	_ =	shalt  }
0x4d: {  	_ =	shalt  }
0x4e: {  	_ =	shalt  }
0x4f: {  	_ =	shalt  }
0x50: {  	_ =	shalt  }
0x51: {  	_ =	shalt  }
0x52: {  	_ =	shalt  }
0x53: {  	_ =	shalt  }
0x54: {  	_ =	shalt  }
0x55: {  	_ =	shalt  }
0x56: {  	_ =	shalt  }
0x57: {  	_ =	shalt  }
0x58: {  	_ =	shalt  }
0x59: {  	_ =	shalt  }
0x5a: {  	_ =	shalt  }
0x5b: {  	_ =	shalt  }
0x5c: {  	_ =	shalt  }
0x5d: {  	_ =	shalt  }
0x5e: {  	_ =	shalt  }
0x5f: {  	_ =	shalt  }
0x60: {  	_ =	shalt  }
0x61: {  	_ =	shalt  }
0x62: {  	_ =	shalt  }
0x63: {  	_ =	shalt  }
0x64: {  	_ =	shalt  }
0x65: {  	_ =	shalt  }
0x66: {  	_ =	shalt  }
0x67: {  	_ =	shalt  }
0x68: {  	_ =	shalt  }
0x69: {  	_ =	shalt  }
0x6a: {  	_ =	shalt  }
0x6b: {  	_ =	shalt  }
0x6c: {  	_ =	shalt  }
0x6d: {  	_ =	shalt  }
0x6e: {  	_ =	shalt  }
0x6f: {  	_ =	shalt  }
0x70: {  	_ =	shalt  }
0x71: {  	_ =	shalt  }
0x72: {  	_ =	shalt  }
0x73: {  	_ =	shalt  }
0x74: {  	_ =	shalt  }
0x75: {  	_ =	shalt  }
0x76: {  	_ =	shalt  }
0x77: {  	_ =	shalt  }
0x78: {  	_ =	shalt  }
0x79: {  	_ =	shalt  }
0x7a: {  	_ =	shalt  }
0x7b: {  	_ =	shalt  }
0x7c: {  	_ =	shalt  }
0x7d: {  	_ =	shalt  }
0x7e: {  	_ =	shalt  }
0x7f: {  	_ =	shalt  }
0x80: {  	_ =	shalt  }
0x81: {  	_ =	shalt  }
0x82: {  	_ =	shalt  }
0x83: {  	_ =	shalt  }
0x84: {  	_ =	shalt  }
0x85: {  	_ =	shalt  }
0x86: {  	_ =	shalt  }
0x87: {  	_ =	shalt  }
.Lfunc_end0:
.L_simem_size_0:
called_computation.2_lowered:
.L_overlay_start_0:
0x88: {  	s2 =	sld [smem:$0x3FD9]  }
0x89: {  	s3 =	sld [smem:$0x3FFE];
	_ =	sdelay $0x1  }
0x8a: {  	s1 =	srdreg.scid  }
0x8b: {  	s0 =	sand.u32 $0x1, s1  }
0x8c: {  	s17 =	sshll.u32 s0, $0xA;
	s2 =	sadd.s32 s3, s2  }
0x8d: {  	s2 =	sadd.s32 s2, s17  }
0x8e: {  	[smem:$0x3FBC] =	sst s2  }
0x8f: {  	_ = 	snop  }
0x90: {  	(tm) =	ssettm $0x1  }
0x91: {  	s18 =	sld [smem:$0x3FFB];
	_ =	sdelay $0x3  }
0x92: {  	_ =	strace s18  }
0x93: {  	s2 =	sld [smem:$0x3FFC];
	_ =	sdelay $0x3  }
0x94: {  	_ =	strace s2  }
0x95: {  	s2 =	sld [smem:$0x3FFD];
	_ =	sdelay $0x3  }
0x96: {  	_ =	strace s2  }
0x97: {  	_ =	strace $0x8FFFFFFF  }
0x98: {  	s19 =	sld [smem:$0x3FDB];
	_ =	sdelay $0x1  }
0x99: {  	s20 =	simm.s32 $_scs_section_size  }
0x9a: {  	s4 =	simm.s32 $_size__tile_overlayer_lowered;
	s5 =	simm.s32 $_tile_overlayer_lowered  }
0x9b: {  	s6 =	simm.s32 $0x1BFF;
	s21 =	sshll.u32 s5, $0x1;
	s3 =	sadd.s32 s20, s19  }
0x9c: {  	s22 =	simm.s32 $0x0;
	s4 =	sshll.u32 s4, $0x1;
	s5 =	sadd.s32 s21, s3  }
0x9d: {  	[timem:s22], [sflag:s6] =	dma.local [hbm:s5], s4  }
0x9e: {  	_ =	swait.ge [sflag:s6], s4  }
0x9f: {  	s4 =	ssub.s32 $0x0, s4;
	[sflag:s6] =	ssyncset.done $0x0  }
0xa0: {  	[sflag:s6] =	ssyncadd.s32 s4;
	_ =	sdelay $0x1  }
0xa1: {  	s23 =	simm.s32 $0x1B8B  }
0xa2: {  	_ =	swait.ge [sflag:s23], $0x1  }
0xa3: {  	[sflag:s23] =	ssyncset.done $0x0  }
0xa4: {  	[sflag:s23] =	ssyncadd.s32 $0xFFFFFFFF  }
0xa5: {  	s4 =	sld [smem:$0x0]  }
0xa6: {  	s5 =	sand.u32 $0xFFFFFFFE, s1  }
0xa7: {  	p0 =	sne.s32 s1, s5  }
0xa8: {  	s5 =	sshll.u32 @p0 s5, $0xE  }
0xa9: {  	s5 =	sadd.s32 @p0 $0x11B8D, s5;
	s6 =	sshll.u32 @p0 s4, $0x11  }
0xaa: {  	s5 =	sor.u32 @p0 s6, s5  }
0xab: {  	[sflag:s5] =	ssyncadd.remote.s32 @p0 $0x1;
	_ =	sdelay $0x1  }
0xac: {  	s5 =	simm.s32 @p0 $0x1B8D  }
0xad: {  	_ =	swait.eq @p0 [sflag:s5], $0x1  }
0xae: {  	[sflag:s5] =	ssyncadd.s32 @p0 $0xFFFFFFFF  }
0xaf: {  	s6 =	sshll.u32 @!p0 s1, $0xE  }
0xb0: {  	s6 =	sor.u32 @!p0 $0x4000, s6;
	s5 =	simm.s32 @!p0 $0x1B8D  }
0xb1: {  	s4 =	sshll.u32 @!p0 s4, $0x11;
	s6 =	sadd.s32 @!p0 $0x11B8D, s6;
	_ =	swait.eq @!p0 [sflag:s5], $0x1  }
0xb2: {  	s4 =	sor.u32 @!p0 s4, s6;
	[sflag:s5] =	ssyncadd.s32 @!p0 $0xFFFFFFFF  }
0xb3: {  	s25 =	simm.s32 $0x1B8E;
	s24 =	sld [smem:$0x3FFE];
	[sflag:s4] =	ssyncadd.remote.s32 @!p0 $0x1  }
0xb4: {  	s26 =	simm.s32 $execute0_lowered;
	[smem:$0x3FD2] =	sst s25  }
0xb5: {  	s5 =	sshll.u32 s26, $0x1;
	_ =	strace $0x80000049;
	[dreg:$0x1] =	wrdreg $0xFFFFFFFF  }
0xb6: {  	s28 =	simm.s32 $_size_execute0_lowered;
	s3 =	sadd.s32 s3, s5;
	[dreg:$0x0] =	wrdreg $0x0  }
0xb7: {  	s5 =	sshll.u32 s28, $0x1;
	[dreg:$0x2] =	wrdreg s3  }
0xb8: {  	[dreg:$0x3] =	wrdreg s5  }
0xb9: {  	[dreg:$0x4] =	wrdreg $0xC0  }
0xba: {  	_ =	task [dreg:s22], $0x5FFFF  }
0xbb: {  	[dreg:$0x1] =	wrdreg $0xFFFFFFFF  }
0xbc: {  	[dreg:$0x0] =	wrdreg $0x60  }
0xbd: {  	[dreg:$0x2] =	wrdreg s24  }
0xbe: {  	[dreg:$0x3] =	wrdreg $0xB  }
0xbf: {  	_ =	task.clear_ibuf [dreg:s22], $0x4FFFF;
	_ =	strace $0x90000049  }
0xc0: {  	s29 =	simm.s32 $0xB;
	_ =	strace $0x8000004B  }
0xc1: {  	_ =	swait.ge [sflag:s29], $0x1  }
0xc2: {  	[sflag:s29] =	ssyncadd.s32 $0xFFFFFFFF  }
0xc3: {  	_ =	strace $0x9000004B  }
0xc4: {  	_ =	sfence  }
0xc5: {  	s30 =	sld [smem:$0x0];
	_ =	sdelay $0x2  }
0xc6: {  	s31 =	sshll.u32 s1, $0xD;
	s1 =	sshrl.u32 s1, $0x2  }
0xc7: {  	s4 =	sand.u32 $0x4000, s31;
	s1 =	sadd.s32 s1, s30  }
0xc8: {  	s0 =	sor.u32 s4, s0;
	s1 =	sshll.u32 s1, $0x11  }
0xc9: {  	s0 =	sor.u32 s1, s0  }
0xca: {  	s0 =	sadd.s32 $0x8F2B, s0  }
0xcb: {  	[sflag:s0] =	ssyncadd.remote.s32 $0x1  }
0xcc: {  	_ =	sfence.sel $0xFFFF  }
0xcd: {  	[dreg:$0x0] =	wrdreg $0xFFFFFFFF;
	(pc) =	sbr.abs _section_cstart, $3  }
0xce: {  	[dreg:$0x1] =	wrdreg $0xFFFFFFFF  }
0xcf: {  	_ =	task.clear_ibuf [dreg:s22], $0x2FFFF;
	_ =	strace $0x9FFFFFFF  }
0xd0: {  	(tm) =	ssettm $0x7FFFFFFF  }
0xd1: {  	_ =	shalt  }
tec
execute0_lowered:
.L_overlay_start_1:
0x0: {  	(tag) =	ssettag $0x1  }
0x1: {  	s1 =	srdreg.scid  }
0x2: {  	s0 =	stileid.u32;
	s13 =	sand.u32 $0x1, s1  }
0x3: {  	s11 =	rddreg [dreg:$0x0];
	s3 =	sshll.u32 s0, $0x9;
	s4 =	sshll.u32 s13, $0x8  }
0x4: {  	s2 =	simm.s32 $0x0;
	s1 =	rddreg [dreg:$0x1];
	s12 =	sor.u32 s4, s3  }
0x5: {  	[smem:$0x7FF] =	sst s2;
	s5 =	sadd.s32 $0xDAC00, s11;
	s3 =	sshrl.u32 s12, $0x3  }
0x6: {  	_ =	strace $0x8000004A;
	s4 =	simm.s32 $0x5;
	s3 =	sadd.s32 s5, s3  }
0x7: {  	[tilespmem:s2], [sflag:$0x5] =	stream.linear.gather [hbm4b:s3+s2], $0x80, $0x38;
	[tilespmem:$0x8100] =	vst v63  }
0x8: {  	s14 =	sor.u32 $0x80, s12;
	_ =	swait.ge [sflag:s4], $0x80  }
0x9: {  	s6 =	sshrl.u32 s14, $0x3;
	[sflag:s4] =	ssyncset.done $0x0  }
0xa: {  	s5 =	sadd.s32 s5, s6;
	s6 =	simm.s32 $0x80;
	[sflag:s4] =	ssyncadd.s32 $0xFFFFFF80  }
0xb: {  	[tilespmem:s6], [sflag:$0x5] =	stream.linear.gather [hbm4b:s5+s2], $0x80, $0x38;
	[tilespmem:$0x8100] =	vst v63  }
0xc: {  	_ =	swait.ge [sflag:s4], $0x80  }
0xd: {  	[sflag:s4] =	ssyncset.done $0x0  }
0xe: {  	s8 =	simm.s32 $0x100;
	s7 =	sadd.s32 $0x8EA00, s11;
	[sflag:s4] =	ssyncadd.s32 $0xFFFFFF80  }
0xf: {  	[tilespmem:s8], [sflag:$0x1] =	stream.indirect.gather [hbm4b:s7+s6], $0x80, s2, s6, $0xb8;
	[tilespmem:$0x8100] =	vst v63  }
0x10: {  	s9 =	simm.s32 $0x4100;
	s10 =	simm.s32 $0x1;
	s16 =	ssub.s32 $0x2, s13  }
0x11: {  	[tilespmem:s9], [sflag:$0x2] =	stream.indirect.gather [hbm4b:s7+s6], $0x80, s6, s6, $0xb8;
	[tilespmem:$0x8100] =	vst v63  }
0x12: {  	s15 =	sadd.s32 $0xDB000, s11;
	s31 =	sshrl.u32 s16, $0x1;
	_ =	swait.ge [sflag:s10], $0x4000  }
0x13: {  	s29 =	sshll.u32 s12, $0x4;
	s12 =	simm.s32 $0x2;
	[sflag:s10] =	ssyncset.done $0x0  }
0x14: {  	s11 =	sadd.s32 s15, s29;
	s30 =	sshll.u32 s14, $0x4;
	[sflag:s10] =	ssyncadd.s32 $0xFFFFC000  }
0x15: {  	[hbm4b:s11+s2] =	stream.linear.scatter [tilespmem:s8], [sflag:$0x3], $0x4000, $0x38;
	[tilespmem:$0x8100] =	vst v63  }
0x16: {  	s13 =	sadd.s32 s15, s30;
	s15 =	ssub.s32 s16, s31;
	_ =	swait.ge [sflag:s12], $0x4000  }
0x17: {  	s16 =	smax.u32 s15, $0x1;
	[sflag:s12] =	ssyncset.done $0x0  }
0x18: {  	s14 =	simm.s32 $0x3;
	p0 =	sne.s32 s16, $0x1;
	[sflag:s12] =	ssyncadd.s32 $0xFFFFC000  }
0x19: {  	[hbm4b:s13+s2] =	stream.linear.scatter [tilespmem:s9], [sflag:$0x4], $0x4000, $0x38;
	[tilespmem:$0x8100] =	vst v63  }
.Ltmp0:
0x1a: {  	_ =	swait.ge [sflag:s14], $0x4000;
	(pc) =	sbr.rel @!p0 .LBB2_2-.Ltmp0, $4  }
0x1b: {  	[sflag:s14] =	ssyncset.done $0x0  }
0x1c: {  	s15 =	simm.s32 $0x4;
	[sflag:s14] =	ssyncadd.s32 $0xFFFFC000  }
0x1d: {  	_ =	swait.ge [sflag:s15], $0x4000  }
0x1e: {  	s16 =	sadd.s32 $0xFFFFFFFF, s16;
	[sflag:s15] =	ssyncset.done $0x0  }
.LBB2_1:
0x1f: {  	p0 =	sne.s32 s16, $0x1;
	s16 =	sadd.s32 $0xFFFFFFFF, s16;
	[sflag:s15] =	ssyncadd.s32 $0xFFFFC000  }
0x20: {  	[tilespmem:s2], [sflag:$0x5] =	stream.linear.gather [hbm4b:s3+s2], $0x80, $0x38;
	[tilespmem:$0x8100] =	vst v63  }
0x21: {  	_ =	swait.ge [sflag:s4], $0x80  }
0x22: {  	[sflag:s4] =	ssyncset.done $0x0  }
0x23: {  	[sflag:s4] =	ssyncadd.s32 $0xFFFFFF80  }
0x24: {  	[tilespmem:s6], [sflag:$0x5] =	stream.linear.gather [hbm4b:s5+s2], $0x80, $0x38;
	[tilespmem:$0x8100] =	vst v63  }
0x25: {  	_ =	swait.ge [sflag:s4], $0x80  }
0x26: {  	[sflag:s4] =	ssyncset.done $0x0  }
0x27: {  	[sflag:s4] =	ssyncadd.s32 $0xFFFFFF80  }
0x28: {  	[tilespmem:s8], [sflag:$0x1] =	stream.indirect.gather [hbm4b:s7+s6], $0x80, s2, s6, $0xb8;
	[tilespmem:$0x8100] =	vst v63  }
0x29: {  	_ = 	snop  }
0x2a: {  	[tilespmem:s9], [sflag:$0x2] =	stream.indirect.gather [hbm4b:s7+s6], $0x80, s6, s6, $0xb8;
	[tilespmem:$0x8100] =	vst v63  }
0x2b: {  	_ =	swait.ge [sflag:s10], $0x4000  }
0x2c: {  	[sflag:s10] =	ssyncset.done $0x0  }
0x2d: {  	[sflag:s10] =	ssyncadd.s32 $0xFFFFC000  }
0x2e: {  	[hbm4b:s11+s2] =	stream.linear.scatter [tilespmem:s8], [sflag:$0x3], $0x4000, $0x38;
	[tilespmem:$0x8100] =	vst v63  }
0x2f: {  	_ =	swait.ge [sflag:s12], $0x4000  }
0x30: {  	[sflag:s12] =	ssyncset.done $0x0  }
0x31: {  	[sflag:s12] =	ssyncadd.s32 $0xFFFFC000  }
0x32: {  	[hbm4b:s13+s2] =	stream.linear.scatter [tilespmem:s9], [sflag:$0x4], $0x4000, $0x38;
	[tilespmem:$0x8100] =	vst v63  }
.Ltmp1:
0x33: {  	_ =	swait.ge [sflag:s14], $0x4000;
	(pc) =	sbr.rel @p0 .LBB2_1-.Ltmp1, $4  }
0x34: {  	[sflag:s14] =	ssyncset.done $0x0  }
0x35: {  	[sflag:s14] =	ssyncadd.s32 $0xFFFFC000  }
0x36: {  	_ =	swait.ge [sflag:s15], $0x4000  }
0x37: {  	[sflag:s15] =	ssyncset.done $0x0  }
.LBB2_2:
0x38: {  	[sflag:s15] =	ssyncadd.s32 $0xFFFFC000  }
0x39: {  	_ =	sfence.sel $0x180000  }
0x3a: {  	[bflag:$0x0] =	sbarrier.arrive $0xFFFF  }
0x3b: {  	p0 =	sne.s32 s0, $0x0;
	_ =	strace $0x9000004A  }
0x3c: {  	s0 =	sadd.s32 @!p0 $0x100000, s1;
	[bflag:$0x2] =	sbarrier.arrive $0xFFFF  }
0x3d: {  	[sflag:s0] =	ssyncadd.tile.s32 @!p0 $0x1;
	_ =	shalt  }
.Lfunc_end2:
_tile_overlayer_lowered:
.L_overlay_start_2:
0x3e: {  	(tag) =	ssettag $0x2  }
0x3f: {  	s0 =	rddreg [dreg:$0x0];
	s2 =	stileid.u32  }
0x40: {  	s1 =	rddreg [dreg:$0x1];
	p0 =	sne.s32 s2, $0x0  }
0x41: {  	s3 =	rddreg [dreg:$0x2];
	[bflag:$0x3] =	sbarrier.arrive $0xFFFF;
	s2 =	simm.s32 @!p0 $0x1C05  }
0x42: {  	[timem:s3], [sflag:s2] =	dma.local @!p0 [hbm:s0], s1  }
0x43: {  	s0 =	simm.s32 @!p0 $0x5  }
0x44: {  	_ =	swait.ge @!p0 [sflag:s0], s1  }
0x45: {  	s1 =	ssub.s32 @!p0 $0x0, s1;
	[sflag:s0] =	ssyncset.done @!p0 $0x0  }
0x46: {  	[sflag:s0] =	ssyncadd.s32 @!p0 s1  }
0x47: {  	[bflag:$0x3] =	sbarrier.arrive $0xFFFF  }
0x48: {  	_ =	shalt  }

// kernel: kernel.9.cloned.1.call-start
scs
__scs_entry_jumppad:
0x0: {  	(pc) =	sbr.rel $0x88, $3  }
0x1: {  	(tag) =	ssettag $0x0;
	lr =	simm.s32 $0x1  }
0x2: {  	[smem:$0x3F95] =	sst lr;
	_ =	strace $0xD0000000  }
0x3: {  	_ = 	snop  }
0x4: {  	_ = 	snop  }
0x5: {  	_ = 	snop  }
0x6: {  	_ = 	snop  }
0x7: {  	_ = 	snop  }
__scs_overlays_trampoline_lowered:
0x8: {  	[smem:$0x3FA4] =	sst s0  }
0x9: {  	[smem:$0x3FA5] =	sst s1  }
0xa: {  	[smem:$0x3FA6] =	sst s2  }
0xb: {  	[smem:$0x3FA7] =	sst s3  }
0xc: {  	[smem:$0x3FA8] =	sst s4  }
0xd: {  	[smem:$0x3FA9] =	sst s5  }
0xe: {  	[smem:$0x3FAA] =	sst s6  }
0xf: {  	[smem:$0x3FAB] =	sst s7  }
0x10: {  	[smem:$0x3FAC] =	sst s8  }
0x11: {  	[smem:$0x3FAD] =	sst s9;
	s0 =	simm.s32 @!p0 $0x0  }
0x12: {  	s1 =	sld [smem:$0x3F93];
	s0 =	simm.s32 @p0 $0x1  }
0x13: {  	[smem:$0x3FAE] =	sst s0;
	s0 =	simm.s32 @!p1 $0x0  }
0x14: {  	s2 =	sld [smem:$0x3F92];
	s0 =	simm.s32 @p1 $0x1  }
0x15: {  	[smem:$0x3FAF] =	sst s0;
	s0 =	simm.s32 @!p2 $0x0  }
0x16: {  	s3 =	sld [smem:$0x3FDB];
	s0 =	simm.s32 @p2 $0x1  }
0x17: {  	s4 =	simm.s32 $0x1BF5;
	[smem:$0x3FB1] =	sst s0  }
0x18: {  	s0 =	sld [smem:$0x3F94];
	_ =	swait.ge [sflag:s4], $0x0  }
0x19: {  	s7 =	sld [smem:$0x3F95]  }
0x1a: {  	s8 =	sadd.s32 $0xFFFFE003, lr  }
0x1b: {  	s9 =	sadd.s32 $0xFFFFFEF7, lr;
	s5 =	simm.s32 $0xFFFFFFFF;
	p2 =	slt.u32 s8, $0xFFFFF086  }
0x1c: {  	p1 =	slt.u32 s9, $0xF7A;
	s5 =	simm.s32 @!p2 $0x0  }
0x1d: {  	s5 =	simm.s32 @p1 $0x1;
	p0 =	seq.s32 s7, s2  }
0x1e: {  	s7 =	smul.u32 @!p0 $0xF7A, s2;
	p2 =	seq.s32 @!p0 s5, $0x0  }
0x1f: {  	s9 =	smul.u32 $0xF7A, s1;
	s8 =	simm.s32 @!p0 $0x1BF5;
	p2 =	por !p2, p0  }
0x20: {  	[sflag:s8] =	ssyncset.s32 @!p0 $0xFFFFF086;
	s6 =	sadd.s32 @!p0 s3, s7;
	s7 =	simm.s32 @!p0 $0x108  }
0x21: {  	s3 =	sadd.s32 s3, s9;
	s6 =	sadd.s32 @!p0 $0x88, s6;
	s7 =	simm.s32 @p2 $0x1082  }
0x22: {  	[simem:s7], [sflag:s8] =	dma.local @!p0 [hbm:s6], $0xF7A  }
0x23: {  	s9 =	sor.u32 $0xD0000000, s2;
	s6 =	simm.s32 $0x108;
	_ =	swait.ge @!p0 [sflag:s8], $0x0  }
0x24: {  	s3 =	sadd.s32 $0x88, s3;
	s6 =	simm.s32 @!p1 $0x1082;
	[sflag:s4] =	ssyncset.s32 $0xFFFFF086  }
0x25: {  	[simem:s6], [sflag:s4] =	dma.local [hbm:s3], $0xF7A  }
0x26: {  	[smem:$0x3F95] =	sst s1;
	(tag) =	ssettag s2;
	_ =	strace s9  }
0x27: {  	s1 =	sld [smem:$0x3FA5]  }
0x28: {  	s2 =	sld [smem:$0x3FA6]  }
0x29: {  	s4 =	sld [smem:$0x3FA8]  }
0x2a: {  	p0 =	seq.s32 s5, $0x0;
	s5 =	sld [smem:$0x3FA9]  }
0x2b: {  	s6 =	sld [smem:$0x3FAA]  }
0x2c: {  	s7 =	sld [smem:$0x3FAB]  }
0x2d: {  	s3 =	simm.s32 $0x108;
	s8 =	sld [smem:$0x3FAC]  }
0x2e: {  	s3 =	simm.s32 @!p0 $0x1082;
	s9 =	sld [smem:$0x3FAD]  }
0x2f: {  	lr =	sadd.s32 s0, s3;
	s0 =	sld [smem:$0x3FA4]  }
0x30: {  	s3 =	sld [smem:$0x3FA7]  }
0x31: {  	[smem:$0x3FB0] =	sst s10  }
0x32: {  	s10 =	sld [smem:$0x3FAE];
	_ =	sdelay $0x3  }
0x33: {  	p0 =	seq.s32 s10, $0x1;
	s10 =	sld [smem:$0x3FB0];
	_ =	sdelay $0x3  }
0x34: {  	[smem:$0x3FB0] =	sst s10  }
0x35: {  	s10 =	sld [smem:$0x3FAF];
	_ =	sdelay $0x3  }
0x36: {  	p1 =	seq.s32 s10, $0x1;
	s10 =	sld [smem:$0x3FB0];
	_ =	sdelay $0x3  }
0x37: {  	[smem:$0x3FB0] =	sst s10  }
0x38: {  	s10 =	sld [smem:$0x3FB1]  }
0x39: {  	_ = 	snop;
	(pc) =	sbr.ind lr, $3  }
0x3a: {  	_ = 	snop  }
0x3b: {  	_ = 	snop  }
0x3c: {  	p2 =	seq.s32 s10, $0x1;
	s10 =	sld [smem:$0x3FB0]  }
0x3d: {  	_ =	shalt  }
0x3e: {  	_ =	shalt  }
0x3f: {  	_ =	shalt  }
0x40: {  	_ =	shalt  }
0x41: {  	_ =	shalt  }
0x42: {  	_ =	shalt  }
0x43: {  	_ =	shalt  }
0x44: {  	_ =	shalt  }
0x45: {  	_ =	shalt  }
0x46: {  	_ =	shalt  }
0x47: {  	_ =	shalt  }
0x48: {  	_ =	shalt  }
0x49: {  	_ =	shalt  }
0x4a: {  	_ =	shalt  }
0x4b: {  	_ =	shalt  }
0x4c: {  	_ =	shalt  }
0x4d: {  	_ =	shalt  }
0x4e: {  	_ =	shalt  }
0x4f: {  	_ =	shalt  }
0x50: {  	_ =	shalt  }
0x51: {  	_ =	shalt  }
0x52: {  	_ =	shalt  }
0x53: {  	_ =	shalt  }
0x54: {  	_ =	shalt  }
0x55: {  	_ =	shalt  }
0x56: {  	_ =	shalt  }
0x57: {  	_ =	shalt  }
0x58: {  	_ =	shalt  }
0x59: {  	_ =	shalt  }
0x5a: {  	_ =	shalt  }
0x5b: {  	_ =	shalt  }
0x5c: {  	_ =	shalt  }
0x5d: {  	_ =	shalt  }
0x5e: {  	_ =	shalt  }
0x5f: {  	_ =	shalt  }
0x60: {  	_ =	shalt  }
0x61: {  	_ =	shalt  }
0x62: {  	_ =	shalt  }
0x63: {  	_ =	shalt  }
0x64: {  	_ =	shalt  }
0x65: {  	_ =	shalt  }
0x66: {  	_ =	shalt  }
0x67: {  	_ =	shalt  }
0x68: {  	_ =	shalt  }
0x69: {  	_ =	shalt  }
0x6a: {  	_ =	shalt  }
0x6b: {  	_ =	shalt  }
0x6c: {  	_ =	shalt  }
0x6d: {  	_ =	shalt  }
0x6e: {  	_ =	shalt  }
0x6f: {  	_ =	shalt  }
0x70: {  	_ =	shalt  }
0x71: {  	_ =	shalt  }
0x72: {  	_ =	shalt  }
0x73: {  	_ =	shalt  }
0x74: {  	_ =	shalt  }
0x75: {  	_ =	shalt  }
0x76: {  	_ =	shalt  }
0x77: {  	_ =	shalt  }
0x78: {  	_ =	shalt  }
0x79: {  	_ =	shalt  }
0x7a: {  	_ =	shalt  }
0x7b: {  	_ =	shalt  }
0x7c: {  	_ =	shalt  }
0x7d: {  	_ =	shalt  }
0x7e: {  	_ =	shalt  }
0x7f: {  	_ =	shalt  }
0x80: {  	_ =	shalt  }
0x81: {  	_ =	shalt  }
0x82: {  	_ =	shalt  }
0x83: {  	_ =	shalt  }
0x84: {  	_ =	shalt  }
0x85: {  	_ =	shalt  }
0x86: {  	_ =	shalt  }
0x87: {  	_ =	shalt  }
.Lfunc_end0:
.L_simem_size_0:
called_computation_lowered:
.L_overlay_start_0:
0x88: {  	s2 =	sld [smem:$0x3FD9]  }
0x89: {  	s3 =	sld [smem:$0x3FFE];
	_ =	sdelay $0x1  }
0x8a: {  	s1 =	srdreg.scid  }
0x8b: {  	s0 =	sand.u32 $0x1, s1  }
0x8c: {  	s17 =	sshll.u32 s0, $0xA;
	s2 =	sadd.s32 s3, s2  }
0x8d: {  	s2 =	sadd.s32 s2, s17  }
0x8e: {  	[smem:$0x3FBC] =	sst s2  }
0x8f: {  	_ = 	snop  }
0x90: {  	s2 =	sld [smem:$0x3FC9];
	(tm) =	ssettm $0x1  }
0x91: {  	s18 =	sld [smem:$0x3FFB];
	_ =	sdelay $0x3  }
0x92: {  	_ =	strace s18  }
0x93: {  	s3 =	sld [smem:$0x3FFC];
	_ =	sdelay $0x3  }
0x94: {  	_ =	strace s3  }
0x95: {  	s3 =	sld [smem:$0x3FFD];
	_ =	sdelay $0x3  }
0x96: {  	_ =	strace s3  }
0x97: {  	_ =	strace $0x8FFFFFFF  }
0x98: {  	s19 =	sld [smem:$0x3FDB];
	_ =	sdelay $0x1  }
0x99: {  	s4 =	simm.s32 $_scs_section_size  }
0x9a: {  	s5 =	simm.s32 $_size__tile_overlayer_lowered;
	s6 =	simm.s32 $_tile_overlayer_lowered  }
0x9b: {  	s22 =	simm.s32 $0x1BFF;
	s21 =	sshll.u32 s6, $0x1;
	s3 =	sadd.s32 s4, s19  }
0x9c: {  	s7 =	simm.s32 $0x0;
	s20 =	sshll.u32 s5, $0x1;
	s5 =	sadd.s32 s21, s3  }
0x9d: {  	[timem:s7], [sflag:s22] =	dma.local [hbm:s5], s20  }
0x9e: {  	_ =	swait.ge [sflag:s22], s20  }
0x9f: {  	s4 =	ssub.s32 $0x0, s20;
	[sflag:s22] =	ssyncset.done $0x0  }
0xa0: {  	[sflag:s22] =	ssyncadd.s32 s4;
	_ =	sdelay $0x1  }
0xa1: {  	s23 =	simm.s32 $0x1B8B  }
0xa2: {  	_ =	swait.ge [sflag:s23], $0x1  }
0xa3: {  	[sflag:s23] =	ssyncset.done $0x0  }
0xa4: {  	s25 =	simm.s32 $0x1B8E;
	s24 =	sld [smem:$0x3FFE];
	[sflag:s23] =	ssyncadd.s32 $0xFFFFFFFF  }
0xa5: {  	s26 =	simm.s32 $execute0_lowered;
	[smem:$0x3FD2] =	sst s25  }
0xa6: {  	s5 =	sshll.u32 s26, $0x1;
	_ =	strace $0x80000046;
	[dreg:$0x1] =	wrdreg $0xFFFFFFFF  }
0xa7: {  	s28 =	simm.s32 $_size_execute0_lowered;
	s3 =	sadd.s32 s3, s5;
	[dreg:$0x0] =	wrdreg $0x0  }
0xa8: {  	s5 =	sshll.u32 s28, $0x1;
	[dreg:$0x2] =	wrdreg s3  }
0xa9: {  	[dreg:$0x3] =	wrdreg s5  }
0xaa: {  	[dreg:$0x4] =	wrdreg $0xC0  }
0xab: {  	_ =	task [dreg:s7], $0x5FFFF  }
0xac: {  	[dreg:$0x1] =	wrdreg $0xFFFFFFFF  }
0xad: {  	[dreg:$0x0] =	wrdreg $0x60  }
0xae: {  	[dreg:$0x2] =	wrdreg s2  }
0xaf: {  	[dreg:$0x3] =	wrdreg s24  }
0xb0: {  	[dreg:$0x4] =	wrdreg $0x9  }
0xb1: {  	_ =	task.clear_ibuf [dreg:s7], $0x5FFFF;
	_ =	strace $0x90000046  }
0xb2: {  	s29 =	simm.s32 $0x9;
	_ =	strace $0x80000048  }
0xb3: {  	_ =	swait.ge [sflag:s29], $0x1  }
0xb4: {  	[sflag:s29] =	ssyncadd.s32 $0xFFFFFFFF  }
0xb5: {  	_ =	strace $0x90000048  }
0xb6: {  	_ =	sfence  }
0xb7: {  	s30 =	sld [smem:$0x0];
	_ =	sdelay $0x2  }
0xb8: {  	s31 =	sshll.u32 s1, $0xD;
	s1 =	sshrl.u32 s1, $0x2  }
0xb9: {  	s3 =	sand.u32 $0x4000, s31;
	s1 =	sadd.s32 s1, s30  }
0xba: {  	s0 =	sor.u32 s3, s0;
	s1 =	sshll.u32 s1, $0x11  }
0xbb: {  	s0 =	sor.u32 s1, s0  }
0xbc: {  	s0 =	sadd.s32 $0x8F2B, s0  }
0xbd: {  	[sflag:s0] =	ssyncadd.remote.s32 $0x1  }
0xbe: {  	_ =	sfence.sel $0xFFFF  }
0xbf: {  	[dreg:$0x0] =	wrdreg $0xFFFFFFFF;
	(pc) =	sbr.abs _section_cstart, $3  }
0xc0: {  	[dreg:$0x1] =	wrdreg $0xFFFFFFFF  }
0xc1: {  	_ =	task.clear_ibuf [dreg:s7], $0x2FFFF;
	_ =	strace $0x9FFFFFFF  }
0xc2: {  	(tm) =	ssettm $0x7FFFFFFF  }
0xc3: {  	_ =	shalt  }
tec
execute0_lowered:
.L_overlay_start_1:
0x0: {  	(tag) =	ssettag $0x1  }
0x1: {  	s1 =	srdreg.scid  }
0x2: {  	s9 =	rddreg [dreg:$0x0];
	s0 =	stileid.u32;
	s26 =	sand.u32 $0x1, s1  }
0x3: {  	s17 =	rddreg [dreg:$0x1];
	s3 =	sshll.u32 s0, $0xA;
	s4 =	sshll.u32 s26, $0x9  }
0x4: {  	s2 =	simm.s32 $0x0;
	s1 =	rddreg [dreg:$0x2];
	s18 =	sor.u32 s4, s3  }
0x5: {  	[smem:$0x7FF] =	sst s2;
	s3 =	sshrl.u32 s18, $0x3  }
0x6: {  	_ =	strace $0x80000047;
	s4 =	simm.s32 $0x9;
	s3 =	sadd.s32 s9, s3  }
0x7: {  	[tilespmem:s2], [sflag:$0x9] =	stream.linear.gather [hbm4b:s3+s2], $0x80, $0x38;
	[tilespmem:$0x10200] =	vst v63  }
0x8: {  	s19 =	sor.u32 $0x80, s18;
	_ =	swait.ge [sflag:s4], $0x80  }
0x9: {  	s5 =	sshrl.u32 s19, $0x3;
	[sflag:s4] =	ssyncset.done $0x0  }
0xa: {  	s6 =	simm.s32 $0x80;
	s5 =	sadd.s32 s9, s5;
	[sflag:s4] =	ssyncadd.s32 $0xFFFFFF80  }
0xb: {  	[tilespmem:s6], [sflag:$0x9] =	stream.linear.gather [hbm4b:s5+s2], $0x80, $0x38;
	[tilespmem:$0x10200] =	vst v63  }
0xc: {  	s21 =	sor.u32 $0x100, s18;
	_ =	swait.ge [sflag:s4], $0x80  }
0xd: {  	s7 =	sshrl.u32 s21, $0x3;
	[sflag:s4] =	ssyncset.done $0x0  }
0xe: {  	s8 =	simm.s32 $0x100;
	s7 =	sadd.s32 s9, s7;
	[sflag:s4] =	ssyncadd.s32 $0xFFFFFF80  }
0xf: {  	[tilespmem:s8], [sflag:$0x9] =	stream.linear.gather [hbm4b:s7+s2], $0x80, $0x38;
	[tilespmem:$0x10200] =	vst v63  }
0x10: {  	s23 =	sor.u32 $0x180, s18;
	_ =	swait.ge [sflag:s4], $0x80  }
0x11: {  	s10 =	sshrl.u32 s23, $0x3;
	[sflag:s4] =	ssyncset.done $0x0  }
0x12: {  	s9 =	sadd.s32 s9, s10;
	s10 =	simm.s32 $0x180;
	[sflag:s4] =	ssyncadd.s32 $0xFFFFFF80  }
0x13: {  	[tilespmem:s10], [sflag:$0x9] =	stream.linear.gather [hbm4b:s9+s2], $0x80, $0x38;
	[tilespmem:$0x10200] =	vst v63  }
0x14: {  	_ =	swait.ge [sflag:s4], $0x80  }
0x15: {  	[sflag:s4] =	ssyncset.done $0x0  }
0x16: {  	s12 =	simm.s32 $0x200;
	s11 =	sadd.s32 $0x3A00, s17;
	[sflag:s4] =	ssyncadd.s32 $0xFFFFFF80  }
0x17: {  	[tilespmem:s12], [sflag:$0x1] =	stream.indirect.gather [hbm4b:s11+s6], $0x80, s2, s6, $0xb8;
	[tilespmem:$0x10200] =	vst v63  }
0x18: {  	s13 =	simm.s32 $0x4200  }
0x19: {  	[tilespmem:s13], [sflag:$0x2] =	stream.indirect.gather [hbm4b:s11+s6], $0x80, s6, s6, $0xb8;
	[tilespmem:$0x10200] =	vst v63  }
0x1a: {  	s14 =	simm.s32 $0x8200  }
0x1b: {  	[tilespmem:s14], [sflag:$0x3] =	stream.indirect.gather [hbm4b:s11+s6], $0x80, s8, s6, $0xb8;
	[tilespmem:$0x10200] =	vst v63  }
0x1c: {  	s15 =	simm.s32 $0xC200;
	s16 =	simm.s32 $0x1  }
0x1d: {  	[tilespmem:s15], [sflag:$0x4] =	stream.indirect.gather [hbm4b:s11+s6], $0x80, s10, s6, $0xb8;
	[tilespmem:$0x10200] =	vst v63  }
0x1e: {  	_ =	swait.ge [sflag:s16], $0x4000  }
0x1f: {  	s24 =	sadd.s32 $0x4EA00, s17;
	s31 =	sshll.u32 s18, $0x4;
	[sflag:s16] =	ssyncset.done $0x0  }
0x20: {  	s18 =	simm.s32 $0x2;
	s17 =	sadd.s32 s24, s31;
	[sflag:s16] =	ssyncadd.s32 $0xFFFFC000  }
0x21: {  	[hbm4b:s17+s2] =	stream.linear.scatter [tilespmem:s12], [sflag:$0x5], $0x4000, $0x38;
	[tilespmem:$0x10200] =	vst v63  }
0x22: {  	_ =	swait.ge [sflag:s18], $0x4000  }
0x23: {  	s19 =	sshll.u32 s19, $0x4;
	[sflag:s18] =	ssyncset.done $0x0  }
0x24: {  	s20 =	simm.s32 $0x3;
	s19 =	sadd.s32 s24, s19;
	[sflag:s18] =	ssyncadd.s32 $0xFFFFC000  }
0x25: {  	[hbm4b:s19+s2] =	stream.linear.scatter [tilespmem:s13], [sflag:$0x6], $0x4000, $0x38;
	[tilespmem:$0x10200] =	vst v63  }
0x26: {  	_ =	swait.ge [sflag:s20], $0x4000  }
0x27: {  	s21 =	sshll.u32 s21, $0x4;
	[sflag:s20] =	ssyncset.done $0x0  }
0x28: {  	s22 =	simm.s32 $0x4;
	s21 =	sadd.s32 s24, s21;
	[sflag:s20] =	ssyncadd.s32 $0xFFFFC000  }
0x29: {  	[hbm4b:s21+s2] =	stream.linear.scatter [tilespmem:s14], [sflag:$0x7], $0x4000, $0x38;
	[tilespmem:$0x10200] =	vst v63  }
0x2a: {  	_ =	swait.ge [sflag:s22], $0x4000  }
0x2b: {  	s23 =	sshll.u32 s23, $0x4;
	[sflag:s22] =	ssyncset.done $0x0  }
0x2c: {  	s23 =	sadd.s32 s24, s23;
	s24 =	simm.s32 $0x5;
	[sflag:s22] =	ssyncadd.s32 $0xFFFFC000  }
0x2d: {  	[hbm4b:s23+s2] =	stream.linear.scatter [tilespmem:s15], [sflag:$0x8], $0x4000, $0x38;
	[tilespmem:$0x10200] =	vst v63  }
0x2e: {  	_ =	swait.ge [sflag:s24], $0x4000  }
0x2f: {  	s28 =	ssub.s32 $0x2, s26;
	[sflag:s24] =	ssyncset.done $0x0  }
0x30: {  	s25 =	simm.s32 $0x6;
	s29 =	sshrl.u32 s28, $0x1;
	[sflag:s24] =	ssyncadd.s32 $0xFFFFC000  }
0x31: {  	s28 =	ssub.s32 s28, s29;
	_ =	swait.ge [sflag:s25], $0x4000  }
0x32: {  	s29 =	smax.u32 s28, $0x1;
	[sflag:s25] =	ssyncset.done $0x0  }
0x33: {  	s26 =	simm.s32 $0x7;
	p0 =	sne.s32 s29, $0x1;
	[sflag:s25] =	ssyncadd.s32 $0xFFFFC000  }
.Ltmp0:
0x34: {  	_ =	swait.ge [sflag:s26], $0x4000;
	(pc) =	sbr.rel @!p0 .LBB2_2-.Ltmp0, $4  }
0x35: {  	[sflag:s26] =	ssyncset.done $0x0  }
0x36: {  	s28 =	simm.s32 $0x8;
	[sflag:s26] =	ssyncadd.s32 $0xFFFFC000  }
0x37: {  	_ =	swait.ge [sflag:s28], $0x4000  }
0x38: {  	s29 =	sadd.s32 $0xFFFFFFFF, s29;
	[sflag:s28] =	ssyncset.done $0x0  }
.LBB2_1:
0x39: {  	p0 =	sne.s32 s29, $0x1;
	s29 =	sadd.s32 $0xFFFFFFFF, s29;
	[sflag:s28] =	ssyncadd.s32 $0xFFFFC000  }
0x3a: {  	[tilespmem:s2], [sflag:$0x9] =	stream.linear.gather [hbm4b:s3+s2], $0x80, $0x38;
	[tilespmem:$0x10200] =	vst v63  }
0x3b: {  	_ =	swait.ge [sflag:s4], $0x80  }
0x3c: {  	[sflag:s4] =	ssyncset.done $0x0  }
0x3d: {  	[sflag:s4] =	ssyncadd.s32 $0xFFFFFF80  }
0x3e: {  	[tilespmem:s6], [sflag:$0x9] =	stream.linear.gather [hbm4b:s5+s2], $0x80, $0x38;
	[tilespmem:$0x10200] =	vst v63  }
0x3f: {  	_ =	swait.ge [sflag:s4], $0x80  }
0x40: {  	[sflag:s4] =	ssyncset.done $0x0  }
0x41: {  	[sflag:s4] =	ssyncadd.s32 $0xFFFFFF80  }
0x42: {  	[tilespmem:s8], [sflag:$0x9] =	stream.linear.gather [hbm4b:s7+s2], $0x80, $0x38;
	[tilespmem:$0x10200] =	vst v63  }
0x43: {  	_ =	swait.ge [sflag:s4], $0x80  }
0x44: {  	[sflag:s4] =	ssyncset.done $0x0  }
0x45: {  	[sflag:s4] =	ssyncadd.s32 $0xFFFFFF80  }
0x46: {  	[tilespmem:s10], [sflag:$0x9] =	stream.linear.gather [hbm4b:s9+s2], $0x80, $0x38;
	[tilespmem:$0x10200] =	vst v63  }
0x47: {  	_ =	swait.ge [sflag:s4], $0x80  }
0x48: {  	[sflag:s4] =	ssyncset.done $0x0  }
0x49: {  	[sflag:s4] =	ssyncadd.s32 $0xFFFFFF80  }
0x4a: {  	[tilespmem:s12], [sflag:$0x1] =	stream.indirect.gather [hbm4b:s11+s6], $0x80, s2, s6, $0xb8;
	[tilespmem:$0x10200] =	vst v63  }
0x4b: {  	_ = 	snop  }
0x4c: {  	[tilespmem:s13], [sflag:$0x2] =	stream.indirect.gather [hbm4b:s11+s6], $0x80, s6, s6, $0xb8;
	[tilespmem:$0x10200] =	vst v63  }
0x4d: {  	_ = 	snop  }
0x4e: {  	[tilespmem:s14], [sflag:$0x3] =	stream.indirect.gather [hbm4b:s11+s6], $0x80, s8, s6, $0xb8;
	[tilespmem:$0x10200] =	vst v63  }
0x4f: {  	_ = 	snop  }
0x50: {  	[tilespmem:s15], [sflag:$0x4] =	stream.indirect.gather [hbm4b:s11+s6], $0x80, s10, s6, $0xb8;
	[tilespmem:$0x10200] =	vst v63  }
0x51: {  	_ =	swait.ge [sflag:s16], $0x4000  }
0x52: {  	[sflag:s16] =	ssyncset.done $0x0  }
0x53: {  	[sflag:s16] =	ssyncadd.s32 $0xFFFFC000  }
0x54: {  	[hbm4b:s17+s2] =	stream.linear.scatter [tilespmem:s12], [sflag:$0x5], $0x4000, $0x38;
	[tilespmem:$0x10200] =	vst v63  }
0x55: {  	_ =	swait.ge [sflag:s18], $0x4000  }
0x56: {  	[sflag:s18] =	ssyncset.done $0x0  }
0x57: {  	[sflag:s18] =	ssyncadd.s32 $0xFFFFC000  }
0x58: {  	[hbm4b:s19+s2] =	stream.linear.scatter [tilespmem:s13], [sflag:$0x6], $0x4000, $0x38;
	[tilespmem:$0x10200] =	vst v63  }
0x59: {  	_ =	swait.ge [sflag:s20], $0x4000  }
0x5a: {  	[sflag:s20] =	ssyncset.done $0x0  }
0x5b: {  	[sflag:s20] =	ssyncadd.s32 $0xFFFFC000  }
0x5c: {  	[hbm4b:s21+s2] =	stream.linear.scatter [tilespmem:s14], [sflag:$0x7], $0x4000, $0x38;
	[tilespmem:$0x10200] =	vst v63  }
0x5d: {  	_ =	swait.ge [sflag:s22], $0x4000  }
0x5e: {  	[sflag:s22] =	ssyncset.done $0x0  }
0x5f: {  	[sflag:s22] =	ssyncadd.s32 $0xFFFFC000  }
0x60: {  	[hbm4b:s23+s2] =	stream.linear.scatter [tilespmem:s15], [sflag:$0x8], $0x4000, $0x38;
	[tilespmem:$0x10200] =	vst v63  }
0x61: {  	_ =	swait.ge [sflag:s24], $0x4000  }
0x62: {  	[sflag:s24] =	ssyncset.done $0x0  }
0x63: {  	[sflag:s24] =	ssyncadd.s32 $0xFFFFC000  }
0x64: {  	_ =	swait.ge [sflag:s25], $0x4000  }
0x65: {  	[sflag:s25] =	ssyncset.done $0x0  }
0x66: {  	[sflag:s25] =	ssyncadd.s32 $0xFFFFC000  }
.Ltmp1:
0x67: {  	_ =	swait.ge [sflag:s26], $0x4000;
	(pc) =	sbr.rel @p0 .LBB2_1-.Ltmp1, $4  }
0x68: {  	[sflag:s26] =	ssyncset.done $0x0  }
0x69: {  	[sflag:s26] =	ssyncadd.s32 $0xFFFFC000  }
0x6a: {  	_ =	swait.ge [sflag:s28], $0x4000  }
0x6b: {  	[sflag:s28] =	ssyncset.done $0x0  }
.LBB2_2:
0x6c: {  	[sflag:s28] =	ssyncadd.s32 $0xFFFFC000  }
0x6d: {  	_ =	sfence.sel $0x180000  }
0x6e: {  	[bflag:$0x0] =	sbarrier.arrive $0xFFFF  }
0x6f: {  	p0 =	sne.s32 s0, $0x0;
	_ =	strace $0x90000047  }
0x70: {  	s0 =	sadd.s32 @!p0 $0x100000, s1;
	[bflag:$0x2] =	sbarrier.arrive $0xFFFF  }
0x71: {  	[sflag:s0] =	ssyncadd.tile.s32 @!p0 $0x1;
	_ =	shalt  }
.Lfunc_end2:
_tile_overlayer_lowered:
.L_overlay_start_2:
0x72: {  	(tag) =	ssettag $0x2  }
0x73: {  	s0 =	rddreg [dreg:$0x0];
	s2 =	stileid.u32  }
0x74: {  	s1 =	rddreg [dreg:$0x1];
	p0 =	sne.s32 s2, $0x0  }
0x75: {  	s3 =	rddreg [dreg:$0x2];
	[bflag:$0x3] =	sbarrier.arrive $0xFFFF;
	s2 =	simm.s32 @!p0 $0x1C09  }
0x76: {  	[timem:s3], [sflag:s2] =	dma.local @!p0 [hbm:s0], s1  }
0x77: {  	s0 =	simm.s32 @!p0 $0x9  }
0x78: {  	_ =	swait.ge @!p0 [sflag:s0], s1  }
0x79: {  	s1 =	ssub.s32 @!p0 $0x0, s1;
	[sflag:s0] =	ssyncset.done @!p0 $0x0  }
0x7a: {  	[sflag:s0] =	ssyncadd.s32 @!p0 s1  }
0x7b: {  	[bflag:$0x3] =	sbarrier.arrive $0xFFFF  }
0x7c: {  	_ =	shalt  }

</sc_bundles>
